<compile_context>
chip_gen: v7x
topology: tpu7x:2x2x1
jax: 0.10.2.dev20260603
libtpu: 0.0.44.dev20260713+nightly
codegen_flags: <defaults>
</compile_context>

<pallas_src>
import functools

import jax
import jax.numpy as jnp
from jax import lax
from jax.experimental import pallas as pl
from jax.experimental.pallas import tpu as pltpu
from jax.experimental.pallas import tpu_sc as plsc

N_NODES = 10000
D = 128
N_EDGES = 320000

NC = 2
NS = 16
NW = NC * NS
L = 16

N_PAD = 10240
PAD_ROWS = N_PAD - N_NODES
EPW = N_PAD
E_PAD = NW * EPW
BLK = 1024
OBLK = 1000
CHUNK = 128
NCHUNK = EPW // CHUNK
SCHUNK = 64
NHALF = 4
HCHUNK = EPW // SCHUNK // NHALF
NBUF = 4
HGRP = HCHUNK // NBUF
ROWS_PER_TILE = N_PAD // NS

_mesh = plsc.VectorSubcoreMesh(core_axis_name="c", subcore_axis_name="s")


def _zero_vec_loop(ref, n16):
    z = jnp.zeros((L,), jnp.float32)

    def body(i, c):
        ref[pl.ds(i * L, L)] = z
        return c

    lax.fori_loop(0, n16, body, 0)


@functools.partial(
    pl.kernel,
    out_type=jax.ShapeDtypeStruct((NC, N_PAD), jnp.float32),
    mesh=_mesh,
    scratch_types=[
        pltpu.VMEM((NCHUNK, CHUNK), jnp.int32),
        pltpu.VMEM((CHUNK,), jnp.float32),
        pltpu.VMEM((ROWS_PER_TILE,), jnp.float32),
        pltpu.VMEM_SHARED((N_PAD,), jnp.float32),
        pltpu.SemaphoreType.DMA,
    ],
)
def _deg_kernel(dst_hbm, deg_hbm, dst_v, ones_v, z_v, deg_sh, dsem):
    c = lax.axis_index("c")
    s = lax.axis_index("s")
    wid = s * NC + c

    pltpu.sync_copy(dst_hbm.at[wid], dst_v)

    one = jnp.ones((L,), jnp.float32)

    def fill_ones(i, cc):
        ones_v[pl.ds(i * L, L)] = one
        return cc

    lax.fori_loop(0, CHUNK // L, fill_ones, 0)
    _zero_vec_loop(z_v, ROWS_PER_TILE // L)
    pltpu.sync_copy(z_v, deg_sh.at[pl.ds(s * ROWS_PER_TILE, ROWS_PER_TILE)])
    plsc.subcore_barrier()

    def chunk(j, cc):
        for k in range(8):
            pltpu.async_copy(ones_v, deg_sh.at[dst_v.at[8 * j + k]],
                             dsem, add=True)
        for k in range(8):
            pltpu.make_async_copy(ones_v, deg_sh.at[dst_v.at[8 * j + k]],
                                  dsem).wait()
        return cc

    lax.fori_loop(0, NCHUNK // 8, chunk, 0)
    plsc.subcore_barrier()
    pltpu.sync_copy(
        deg_sh.at[pl.ds(s * ROWS_PER_TILE, ROWS_PER_TILE)],
        deg_hbm.at[c].at[pl.ds(s * ROWS_PER_TILE, ROWS_PER_TILE)],
    )


def _dense_body(x_ref, wc_ref, wf_ref, bias_ref, deg_ref, h2_ref, x0_ref):
    xb = x_ref[...]
    degb = deg_ref[:, 0] + deg_ref[:, 1]
    dis = jnp.where(degb > 0, lax.rsqrt(degb), 0.0)
    h = jnp.dot(xb, wc_ref[...], preferred_element_type=jnp.float32)
    h2_ref[...] = h * dis[:, None]
    x0_ref[...] = (
        jnp.dot(xb, wf_ref[...], preferred_element_type=jnp.float32)
        + bias_ref[0, :][None, :]
    )


@functools.partial(
    pl.kernel,
    out_type=jax.ShapeDtypeStruct((NC, N_PAD, D), jnp.float32),
    mesh=_mesh,
    scratch_types=[
        pltpu.VMEM((HCHUNK, SCHUNK), jnp.int32),
        pltpu.VMEM((HCHUNK, SCHUNK), jnp.int32),
        pltpu.VMEM((SCHUNK, D), jnp.float32),
        pltpu.VMEM((SCHUNK, D), jnp.float32),
        pltpu.VMEM((SCHUNK, D), jnp.float32),
        pltpu.VMEM((SCHUNK, D), jnp.float32),
        pltpu.VMEM_SHARED((N_PAD, D), jnp.float32),
        pltpu.SemaphoreType.DMA,
        pltpu.SemaphoreType.DMA,
        pltpu.SemaphoreType.DMA,
        pltpu.SemaphoreType.DMA,
        pltpu.SemaphoreType.DMA,
        pltpu.SemaphoreType.DMA,
        pltpu.SemaphoreType.DMA,
        pltpu.SemaphoreType.DMA,
    ],
)
def _scatter_kernel(src_hbm, dst_hbm, h2_hbm, part_hbm,
                    src_v, dst_v, rows0, rows1, rows2, rows3, acc_sh,
                    semg0, semg1, semg2, semg3,
                    sems0, sems1, sems2, sems3):
    c = lax.axis_index("c")
    s = lax.axis_index("s")
    wid = s * NC + c

    z = jnp.zeros((L,), jnp.float32)

    def zbody(i, cc):
        rows0[i // (D // L), pl.ds((i % (D // L)) * L, L)] = z
        return cc

    lax.fori_loop(0, SCHUNK * D // L, zbody, 0)
    for k in range(ROWS_PER_TILE // SCHUNK):
        pltpu.sync_copy(
            rows0, acc_sh.at[pl.ds(s * ROWS_PER_TILE + k * SCHUNK, SCHUNK)]
        )
    plsc.subcore_barrier()

    rows = (rows0, rows1, rows2, rows3)
    semg = (semg0, semg1, semg2, semg3)
    sems = (sems0, sems1, sems2, sems3)
    for stage in range(NHALF):
        pltpu.sync_copy(src_hbm.at[wid].at[stage], src_v)
        pltpu.sync_copy(dst_hbm.at[wid].at[stage], dst_v)
        for k in range(NBUF):
            pltpu.async_copy(h2_hbm.at[src_v.at[k]], rows[k], semg[k])

        def grp(j, cc):
            for k in range(NBUF):
                c = NBUF * j + k
                pltpu.make_async_copy(
                    h2_hbm.at[src_v.at[c]], rows[k], semg[k]
                ).wait()
                pltpu.async_copy(rows[k], acc_sh.at[dst_v.at[c]], sems[k],
                                 add=True)
            for k in range(NBUF):
                c = NBUF * j + k
                pltpu.make_async_copy(
                    rows[k], acc_sh.at[dst_v.at[c]], sems[k]
                ).wait()

                @pl.when(j < HGRP - 1)
                def _():
                    pltpu.async_copy(h2_hbm.at[src_v.at[c + NBUF]],
                                     rows[k], semg[k])

            return cc

        lax.fori_loop(0, HGRP, grp, 0)
    plsc.subcore_barrier()
    pltpu.sync_copy(
        acc_sh.at[pl.ds(s * ROWS_PER_TILE, ROWS_PER_TILE)],
        part_hbm.at[c].at[pl.ds(s * ROWS_PER_TILE, ROWS_PER_TILE)],
    )


def _combine_body(p_ref, deg_ref, x0_ref, o_ref):
    degb = deg_ref[:, 0] + deg_ref[:, 1]
    dis = jnp.where(degb > 0, lax.rsqrt(degb), 0.0)
    o_ref[...] = (p_ref[0] + p_ref[1]) * dis[:, None] + x0_ref[...]


def kernel(x, edge_index, W_conv, b_conv, W_fc, b_fc):
    ei = edge_index.astype(jnp.int32)
    npad = E_PAD - N_EDGES
    pad_ids = N_NODES + (jnp.arange(npad, dtype=jnp.int32) % PAD_ROWS)
    src_flat = jnp.concatenate([ei[0], pad_ids])
    dst_flat = jnp.concatenate([ei[1], pad_ids])
    src = src_flat.reshape(NW, NHALF, HCHUNK, SCHUNK)
    dst = dst_flat.reshape(NW, NHALF, HCHUNK, SCHUNK)
    dst_deg = dst_flat.reshape(NW, NCHUNK, CHUNK)
    x_pad = jnp.pad(x, ((0, PAD_ROWS), (0, 0)))
    bias = (b_conv + b_fc).reshape(1, D)

    deg = _deg_kernel(dst_deg)
    deg_t = deg.T

    h2, x0 = pl.pallas_call(
        _dense_body,
        out_shape=(
            jax.ShapeDtypeStruct((N_PAD, D), jnp.float32),
            jax.ShapeDtypeStruct((N_PAD, D), jnp.float32),
        ),
        grid=(N_PAD // BLK,),
        in_specs=[
            pl.BlockSpec((BLK, D), lambda i: (i, 0)),
            pl.BlockSpec((D, D), lambda i: (0, 0)),
            pl.BlockSpec((D, D), lambda i: (0, 0)),
            pl.BlockSpec((1, D), lambda i: (0, 0)),
            pl.BlockSpec((BLK, NC), lambda i: (i, 0)),
        ],
        out_specs=(
            pl.BlockSpec((BLK, D), lambda i: (i, 0)),
            pl.BlockSpec((BLK, D), lambda i: (i, 0)),
        ),
    )(x_pad, W_conv, W_fc, bias, deg_t)

    parts = _scatter_kernel(src, dst, h2)

    return pl.pallas_call(
        _combine_body,
        out_shape=jax.ShapeDtypeStruct((N_NODES, D), jnp.float32),
        grid=(N_NODES // OBLK,),
        in_specs=[
            pl.BlockSpec((NC, OBLK, D), lambda i: (0, i, 0)),
            pl.BlockSpec((OBLK, NC), lambda i: (i, 0)),
            pl.BlockSpec((OBLK, D), lambda i: (i, 0)),
        ],
        out_specs=pl.BlockSpec((OBLK, D), lambda i: (i, 0)),
    )(parts, deg_t, x0)

# --- scband reference (transcript-rebuilt; emitter-appended) ---
"""Pipeline reference for scband-decoder-8366596293167 (READ-ONLY COPY).

The authoritative reference and input builder live on the scoring server;
editing this copy changes nothing except your own understanding.
"""

import jax, jax.numpy as jnp
import numpy as np

N_NODES = 10000
N_EDGES = 320000
D_IN = 128
D_OUT = 128

def setup_inputs(seed: int = 0) -> dict:
    key = jax.random.key(seed)
    k_x, k_ei, k_wc, k_bc, k_wf, k_bf = jax.random.split(key, 6)
    x = jax.random.normal(k_x, (N_NODES, D_IN), dtype=jnp.float32)
    edge_index = jax.random.randint(k_ei, (2, N_EDGES), 0, N_NODES, dtype=jnp.int64)
    # GCNConv weight (glorot) and bias (zeros init in PyG, use small random here)
    limit_c = (6.0 / (D_IN + D_OUT)) ** 0.5
    W_conv = jax.random.uniform(k_wc, (D_IN, D_OUT), dtype=jnp.float32, minval=-limit_c, maxval=limit_c)
    b_conv = jnp.zeros((D_OUT,), dtype=jnp.float32)
    # nn.Linear weight/bias (kaiming-uniform-ish)
    limit_f = (1.0 / D_IN) ** 0.5
    W_fc = jax.random.uniform(k_wf, (D_IN, D_OUT), dtype=jnp.float32, minval=-limit_f, maxval=limit_f)
    b_fc = jax.random.uniform(k_bf, (D_OUT,), dtype=jnp.float32, minval=-limit_f, maxval=limit_f)
    return {"x": x, "edge_index": edge_index, "W_conv": W_conv, "b_conv": b_conv, "W_fc": W_fc, "b_fc": b_fc}

def reference(x, edge_index, W_conv, b_conv, W_fc, b_fc):
    # x0 = self.fc(x)
    x0 = x @ W_fc + b_fc
    # GCNConv with add_self_loops=False, edge_weight = ones
    src = edge_index[0]
    dst = edge_index[1]
    h = x @ W_conv
    ones = jnp.ones((src.shape[0],), dtype=jnp.float32)
    deg = jax.ops.segment_sum(ones, dst, num_segments=N_NODES)
    deg_inv_sqrt = jnp.where(deg > 0, deg ** -0.5, 0.0)
    norm = deg_inv_sqrt[src] * deg_inv_sqrt[dst]
    msg = h[src] * norm[:, None]
    aggr = jnp.zeros((N_NODES, D_OUT), dtype=jnp.float32).at[dst].add(msg)
    conv_out = aggr + b_conv
    return conv_out + x0

if __name__ == "__main__":
    import jax
    _d = setup_inputs()
    print(jax.jit(kernel)(*tuple(_d.values())))

</pallas_src>

<mosaic_0001>
#map = affine_map<(d0, d1) -> (0, 0, 0)>
#map1 = affine_map<(d0, d1) -> (0, 0)>
module attributes {stable_mosaic.version = 14 : i64} {
  func.func @_deg_kernel(%arg0: i32, %arg1: i32, %arg2: memref<32x80x128xi32, #tpu.memory_space<hbm>>, %arg3: memref<2x10240xf32, #tpu.memory_space<hbm>>, %arg4: memref<80x128xi32, #tpu.memory_space<vmem>>, %arg5: memref<128xf32, #tpu.memory_space<vmem>>, %arg6: memref<640xf32, #tpu.memory_space<vmem>>, %arg7: memref<10240xf32, #tpu.memory_space<vmem_shared>>, %arg8: memref<!tpu.dma_semaphore, #tpu.memory_space<semaphore_mem>>) attributes {dimension_semantics = [#tpu.dimension_semantics<core_parallel>, #tpu.dimension_semantics<subcore_parallel>], iteration_bounds = array<i64: 2, 16>, scalar_prefetch = 0 : i64, scratch_operands = 5 : i64, tpu.core_type = #tpu.core_type<sc_vector_subcore>, window_params = [{transform_indices = #map}, {transform_indices = #map1}]} {
    %mul3A = arith.constant 2 : i32
    %mul3A_0 = arith.muli %arg1, %mul3A : i32
    %add3A = arith.addi %mul3A_0, %arg0 : i32
    "tpu.region"() ({
      %run_scoped3A = tpu.sem_alloc : memref<!tpu.dma_semaphore, #tpu.memory_space<semaphore_mem>>
      %dma_start3A = arith.constant 0 : i32
      %dma_start3A_28 = arith.constant 0 : i32
      %dma_start3A_29 = tpu.memref_slice %arg2[%add3A, %dma_start3A, %dma_start3A_28] : memref<32x80x128xi32, #tpu.memory_space<hbm>> -> memref<1x80x128xi32, #tpu.memory_space<hbm>>
      %dma_start3A_30 = tpu.memref_squeeze %dma_start3A_29 : memref<1x80x128xi32, #tpu.memory_space<hbm>> -> memref<80x128xi32, #tpu.memory_space<hbm>>
      %dma_start3A_31 = arith.constant 0 : i32
      %dma_start3A_32 = arith.constant 0 : i32
      %dma_start3A_33 = tpu.memref_slice %arg2[%add3A, %dma_start3A_31, %dma_start3A_32] : memref<32x80x128xi32, #tpu.memory_space<hbm>> -> memref<1x80x128xi32, #tpu.memory_space<hbm>>
      %dma_start3A_34 = tpu.memref_squeeze %dma_start3A_33 : memref<1x80x128xi32, #tpu.memory_space<hbm>> -> memref<80x128xi32, #tpu.memory_space<hbm>>
      tpu.enqueue_dma source(%dma_start3A_34 : memref<80x128xi32, #tpu.memory_space<hbm>>) target(%arg4 : memref<80x128xi32, #tpu.memory_space<vmem>>) target_semaphore(%run_scoped3A : memref<!tpu.dma_semaphore, #tpu.memory_space<semaphore_mem>>)
      %dma_wait3A = arith.constant 0 : i32
      %dma_wait3A_35 = arith.constant 0 : i32
      %dma_wait3A_36 = tpu.memref_slice %arg2[%add3A, %dma_wait3A, %dma_wait3A_35] : memref<32x80x128xi32, #tpu.memory_space<hbm>> -> memref<1x80x128xi32, #tpu.memory_space<hbm>>
      %dma_wait3A_37 = tpu.memref_squeeze %dma_wait3A_36 : memref<1x80x128xi32, #tpu.memory_space<hbm>> -> memref<80x128xi32, #tpu.memory_space<hbm>>
      %dma_wait3A_38 = arith.constant 0 : i32
      %dma_wait3A_39 = arith.constant 0 : i32
      %dma_wait3A_40 = tpu.memref_slice %arg2[%add3A, %dma_wait3A_38, %dma_wait3A_39] : memref<32x80x128xi32, #tpu.memory_space<hbm>> -> memref<1x80x128xi32, #tpu.memory_space<hbm>>
      %dma_wait3A_41 = tpu.memref_squeeze %dma_wait3A_40 : memref<1x80x128xi32, #tpu.memory_space<hbm>> -> memref<80x128xi32, #tpu.memory_space<hbm>>
      tpu.wait_dma2 semaphore(%run_scoped3A : memref<!tpu.dma_semaphore, #tpu.memory_space<semaphore_mem>>) src(%dma_wait3A_41 : memref<80x128xi32, #tpu.memory_space<hbm>>) dst(%arg4 : memref<80x128xi32, #tpu.memory_space<vmem>>)
      tpu.yield
    }) : () -> ()
    %broadcast_in_dim3A = arith.constant 1.000000e+00 : f32
    %broadcast_in_dim3A_1 = vector.broadcast %broadcast_in_dim3A : f32 to vector<16xf32>
    %scan3A = arith.constant 0 : i32
    %scan3A_2 = arith.constant 0 : i32
    %scan3A_3 = arith.constant 8 : i32
    %scan3A_4 = arith.addi %scan3A_2, %scan3A_3 : i32
    %scan3A_5 = arith.constant 1 : i32
    scf.for %scan3A_28 = %scan3A_2 to %scan3A_4 step %scan3A_5  : i32 {
      %mul3A_29 = arith.constant 16 : i32
      %mul3A_30 = arith.muli %scan3A_28, %mul3A_29 : i32
      %swap3A = arith.index_cast %mul3A_30 : i32 to index
      %swap3A_31 = tpu.vector_load %arg5[%swap3A] {strides = array<i32>} : memref<128xf32, #tpu.memory_space<vmem>>, vector<16xf32>,
      %swap3A_32 = vector.shape_cast %swap3A_31 : vector<16xf32> to vector<16xf32>
      %swap3A_33 = vector.shape_cast %broadcast_in_dim3A_1 : vector<16xf32> to vector<16xf32>
      tpu.vector_store %arg5[%swap3A], %swap3A_33 {strides = array<i32>} : memref<128xf32, #tpu.memory_space<vmem>>, vector<16xf32>,
    }
    %scan3A_6 = arith.constant 8 : i32
    %broadcast_in_dim3A_7 = arith.constant 0.000000e+00 : f32
    %broadcast_in_dim3A_8 = vector.broadcast %broadcast_in_dim3A_7 : f32 to vector<16xf32>
    %scan3A_9 = arith.constant 0 : i32
    %scan3A_10 = arith.constant 0 : i32
    %scan3A_11 = arith.constant 40 : i32
    %scan3A_12 = arith.addi %scan3A_10, %scan3A_11 : i32
    %scan3A_13 = arith.constant 1 : i32
    scf.for %scan3A_28 = %scan3A_10 to %scan3A_12 step %scan3A_13  : i32 {
      %mul3A_29 = arith.constant 16 : i32
      %mul3A_30 = arith.muli %scan3A_28, %mul3A_29 : i32
      %swap3A = arith.index_cast %mul3A_30 : i32 to index
      %swap3A_31 = tpu.vector_load %arg6[%swap3A] {strides = array<i32>} : memref<640xf32, #tpu.memory_space<vmem>>, vector<16xf32>,
      %swap3A_32 = vector.shape_cast %swap3A_31 : vector<16xf32> to vector<16xf32>
      %swap3A_33 = vector.shape_cast %broadcast_in_dim3A_8 : vector<16xf32> to vector<16xf32>
      tpu.vector_store %arg6[%swap3A], %swap3A_33 {strides = array<i32>} : memref<640xf32, #tpu.memory_space<vmem>>, vector<16xf32>,
    }
    %scan3A_14 = arith.constant 40 : i32
    %mul3A_15 = arith.constant 640 : i32
    %mul3A_16 = arith.muli %arg1, %mul3A_15 : i32
    "tpu.region"() ({
      %run_scoped3A = tpu.sem_alloc : memref<!tpu.dma_semaphore, #tpu.memory_space<semaphore_mem>>
      %dma_start3A = tpu.memref_slice %arg7[%mul3A_16] : memref<10240xf32, #tpu.memory_space<vmem_shared>> -> memref<640xf32, #tpu.memory_space<vmem_shared>>
      %dma_start3A_28 = tpu.memref_slice %arg7[%mul3A_16] : memref<10240xf32, #tpu.memory_space<vmem_shared>> -> memref<640xf32, #tpu.memory_space<vmem_shared>>
      tpu.enqueue_dma source(%arg6 : memref<640xf32, #tpu.memory_space<vmem>>) target(%dma_start3A_28 : memref<640xf32, #tpu.memory_space<vmem_shared>>) target_semaphore(%run_scoped3A : memref<!tpu.dma_semaphore, #tpu.memory_space<semaphore_mem>>)
      %dma_wait3A = tpu.memref_slice %arg7[%mul3A_16] : memref<10240xf32, #tpu.memory_space<vmem_shared>> -> memref<640xf32, #tpu.memory_space<vmem_shared>>
      %dma_wait3A_29 = tpu.memref_slice %arg7[%mul3A_16] : memref<10240xf32, #tpu.memory_space<vmem_shared>> -> memref<640xf32, #tpu.memory_space<vmem_shared>>
      tpu.wait_dma2 semaphore(%run_scoped3A : memref<!tpu.dma_semaphore, #tpu.memory_space<semaphore_mem>>) src(%arg6 : memref<640xf32, #tpu.memory_space<vmem>>) dst(%dma_wait3A_29 : memref<640xf32, #tpu.memory_space<vmem_shared>>)
      tpu.yield
    }) : () -> ()
    %barrier3A = arith.constant 0 : index
    tpu.barrier barrier_id(%barrier3A)
    %scan3A_17 = arith.constant 0 : i32
    %scan3A_18 = arith.constant 0 : i32
    %scan3A_19 = arith.constant 10 : i32
    %scan3A_20 = arith.addi %scan3A_18, %scan3A_19 : i32
    %scan3A_21 = arith.constant 1 : i32
    scf.for %scan3A_28 = %scan3A_18 to %scan3A_20 step %scan3A_21  : i32 {
      %mul3A_29 = arith.constant 8 : i32
      %mul3A_30 = arith.muli %mul3A_29, %scan3A_28 : i32
      %add3A_31 = arith.constant 0 : i32
      %add3A_32 = arith.addi %mul3A_30, %add3A_31 : i32
      %dma_start3A = arith.constant 0 : i32
      %dma_start3A_33 = tpu.memref_slice %arg4[%add3A_32, %dma_start3A] : memref<80x128xi32, #tpu.memory_space<vmem>> -> memref<1x128xi32, #tpu.memory_space<vmem>>
      %dma_start3A_34 = tpu.memref_squeeze %dma_start3A_33 : memref<1x128xi32, #tpu.memory_space<vmem>> -> memref<128xi32, #tpu.memory_space<vmem>>
      %dma_start3A_35 = arith.constant 0 : i32
      %dma_start3A_36 = tpu.memref_slice %arg7[%dma_start3A_35] : memref<10240xf32, #tpu.memory_space<vmem_shared>> -> memref<10240xf32, #tpu.memory_space<vmem_shared>>
      tpu.enqueue_indirect_dma source(%arg5 : memref<128xf32, #tpu.memory_space<vmem>>) target(%dma_start3A_36 : memref<10240xf32, #tpu.memory_space<vmem_shared>>) offsets(%dma_start3A_34 : memref<128xi32, #tpu.memory_space<vmem>>) semaphore(%arg8 : memref<!tpu.dma_semaphore, #tpu.memory_space<semaphore_mem>>) {add = true}
      %mul3A_37 = arith.constant 8 : i32
      %mul3A_38 = arith.muli %mul3A_37, %scan3A_28 : i32
      %add3A_39 = arith.constant 1 : i32
      %add3A_40 = arith.addi %mul3A_38, %add3A_39 : i32
      %dma_start3A_41 = arith.constant 0 : i32
      %dma_start3A_42 = tpu.memref_slice %arg4[%add3A_40, %dma_start3A_41] : memref<80x128xi32, #tpu.memory_space<vmem>> -> memref<1x128xi32, #tpu.memory_space<vmem>>
      %dma_start3A_43 = tpu.memref_squeeze %dma_start3A_42 : memref<1x128xi32, #tpu.memory_space<vmem>> -> memref<128xi32, #tpu.memory_space<vmem>>
      %dma_start3A_44 = arith.constant 0 : i32
      %dma_start3A_45 = tpu.memref_slice %arg7[%dma_start3A_44] : memref<10240xf32, #tpu.memory_space<vmem_shared>> -> memref<10240xf32, #tpu.memory_space<vmem_shared>>
      tpu.enqueue_indirect_dma source(%arg5 : memref<128xf32, #tpu.memory_space<vmem>>) target(%dma_start3A_45 : memref<10240xf32, #tpu.memory_space<vmem_shared>>) offsets(%dma_start3A_43 : memref<128xi32, #tpu.memory_space<vmem>>) semaphore(%arg8 : memref<!tpu.dma_semaphore, #tpu.memory_space<semaphore_mem>>) {add = true}
      %mul3A_46 = arith.constant 8 : i32
      %mul3A_47 = arith.muli %mul3A_46, %scan3A_28 : i32
      %add3A_48 = arith.constant 2 : i32
      %add3A_49 = arith.addi %mul3A_47, %add3A_48 : i32
      %dma_start3A_50 = arith.constant 0 : i32
      %dma_start3A_51 = tpu.memref_slice %arg4[%add3A_49, %dma_start3A_50] : memref<80x128xi32, #tpu.memory_space<vmem>> -> memref<1x128xi32, #tpu.memory_space<vmem>>
      %dma_start3A_52 = tpu.memref_squeeze %dma_start3A_51 : memref<1x128xi32, #tpu.memory_space<vmem>> -> memref<128xi32, #tpu.memory_space<vmem>>
      %dma_start3A_53 = arith.constant 0 : i32
      %dma_start3A_54 = tpu.memref_slice %arg7[%dma_start3A_53] : memref<10240xf32, #tpu.memory_space<vmem_shared>> -> memref<10240xf32, #tpu.memory_space<vmem_shared>>
      tpu.enqueue_indirect_dma source(%arg5 : memref<128xf32, #tpu.memory_space<vmem>>) target(%dma_start3A_54 : memref<10240xf32, #tpu.memory_space<vmem_shared>>) offsets(%dma_start3A_52 : memref<128xi32, #tpu.memory_space<vmem>>) semaphore(%arg8 : memref<!tpu.dma_semaphore, #tpu.memory_space<semaphore_mem>>) {add = true}
      %mul3A_55 = arith.constant 8 : i32
      %mul3A_56 = arith.muli %mul3A_55, %scan3A_28 : i32
      %add3A_57 = arith.constant 3 : i32
      %add3A_58 = arith.addi %mul3A_56, %add3A_57 : i32
      %dma_start3A_59 = arith.constant 0 : i32
      %dma_start3A_60 = tpu.memref_slice %arg4[%add3A_58, %dma_start3A_59] : memref<80x128xi32, #tpu.memory_space<vmem>> -> memref<1x128xi32, #tpu.memory_space<vmem>>
      %dma_start3A_61 = tpu.memref_squeeze %dma_start3A_60 : memref<1x128xi32, #tpu.memory_space<vmem>> -> memref<128xi32, #tpu.memory_space<vmem>>
      %dma_start3A_62 = arith.constant 0 : i32
      %dma_start3A_63 = tpu.memref_slice %arg7[%dma_start3A_62] : memref<10240xf32, #tpu.memory_space<vmem_shared>> -> memref<10240xf32, #tpu.memory_space<vmem_shared>>
      tpu.enqueue_indirect_dma source(%arg5 : memref<128xf32, #tpu.memory_space<vmem>>) target(%dma_start3A_63 : memref<10240xf32, #tpu.memory_space<vmem_shared>>) offsets(%dma_start3A_61 : memref<128xi32, #tpu.memory_space<vmem>>) semaphore(%arg8 : memref<!tpu.dma_semaphore, #tpu.memory_space<semaphore_mem>>) {add = true}
      %mul3A_64 = arith.constant 8 : i32
      %mul3A_65 = arith.muli %mul3A_64, %scan3A_28 : i32
      %add3A_66 = arith.constant 4 : i32
      %add3A_67 = arith.addi %mul3A_65, %add3A_66 : i32
      %dma_start3A_68 = arith.constant 0 : i32
      %dma_start3A_69 = tpu.memref_slice %arg4[%add3A_67, %dma_start3A_68] : memref<80x128xi32, #tpu.memory_space<vmem>> -> memref<1x128xi32, #tpu.memory_space<vmem>>
      %dma_start3A_70 = tpu.memref_squeeze %dma_start3A_69 : memref<1x128xi32, #tpu.memory_space<vmem>> -> memref<128xi32, #tpu.memory_space<vmem>>
      %dma_start3A_71 = arith.constant 0 : i32
      %dma_start3A_72 = tpu.memref_slice %arg7[%dma_start3A_71] : memref<10240xf32, #tpu.memory_space<vmem_shared>> -> memref<10240xf32, #tpu.memory_space<vmem_shared>>
      tpu.enqueue_indirect_dma source(%arg5 : memref<128xf32, #tpu.memory_space<vmem>>) target(%dma_start3A_72 : memref<10240xf32, #tpu.memory_space<vmem_shared>>) offsets(%dma_start3A_70 : memref<128xi32, #tpu.memory_space<vmem>>) semaphore(%arg8 : memref<!tpu.dma_semaphore, #tpu.memory_space<semaphore_mem>>) {add = true}
      %mul3A_73 = arith.constant 8 : i32
      %mul3A_74 = arith.muli %mul3A_73, %scan3A_28 : i32
      %add3A_75 = arith.constant 5 : i32
      %add3A_76 = arith.addi %mul3A_74, %add3A_75 : i32
      %dma_start3A_77 = arith.constant 0 : i32
      %dma_start3A_78 = tpu.memref_slice %arg4[%add3A_76, %dma_start3A_77] : memref<80x128xi32, #tpu.memory_space<vmem>> -> memref<1x128xi32, #tpu.memory_space<vmem>>
      %dma_start3A_79 = tpu.memref_squeeze %dma_start3A_78 : memref<1x128xi32, #tpu.memory_space<vmem>> -> memref<128xi32, #tpu.memory_space<vmem>>
      %dma_start3A_80 = arith.constant 0 : i32
      %dma_start3A_81 = tpu.memref_slice %arg7[%dma_start3A_80] : memref<10240xf32, #tpu.memory_space<vmem_shared>> -> memref<10240xf32, #tpu.memory_space<vmem_shared>>
      tpu.enqueue_indirect_dma source(%arg5 : memref<128xf32, #tpu.memory_space<vmem>>) target(%dma_start3A_81 : memref<10240xf32, #tpu.memory_space<vmem_shared>>) offsets(%dma_start3A_79 : memref<128xi32, #tpu.memory_space<vmem>>) semaphore(%arg8 : memref<!tpu.dma_semaphore, #tpu.memory_space<semaphore_mem>>) {add = true}
      %mul3A_82 = arith.constant 8 : i32
      %mul3A_83 = arith.muli %mul3A_82, %scan3A_28 : i32
      %add3A_84 = arith.constant 6 : i32
      %add3A_85 = arith.addi %mul3A_83, %add3A_84 : i32
      %dma_start3A_86 = arith.constant 0 : i32
      %dma_start3A_87 = tpu.memref_slice %arg4[%add3A_85, %dma_start3A_86] : memref<80x128xi32, #tpu.memory_space<vmem>> -> memref<1x128xi32, #tpu.memory_space<vmem>>
      %dma_start3A_88 = tpu.memref_squeeze %dma_start3A_87 : memref<1x128xi32, #tpu.memory_space<vmem>> -> memref<128xi32, #tpu.memory_space<vmem>>
      %dma_start3A_89 = arith.constant 0 : i32
      %dma_start3A_90 = tpu.memref_slice %arg7[%dma_start3A_89] : memref<10240xf32, #tpu.memory_space<vmem_shared>> -> memref<10240xf32, #tpu.memory_space<vmem_shared>>
      tpu.enqueue_indirect_dma source(%arg5 : memref<128xf32, #tpu.memory_space<vmem>>) target(%dma_start3A_90 : memref<10240xf32, #tpu.memory_space<vmem_shared>>) offsets(%dma_start3A_88 : memref<128xi32, #tpu.memory_space<vmem>>) semaphore(%arg8 : memref<!tpu.dma_semaphore, #tpu.memory_space<semaphore_mem>>) {add = true}
      %mul3A_91 = arith.constant 8 : i32
      %mul3A_92 = arith.muli %mul3A_91, %scan3A_28 : i32
      %add3A_93 = arith.constant 7 : i32
      %add3A_94 = arith.addi %mul3A_92, %add3A_93 : i32
      %dma_start3A_95 = arith.constant 0 : i32
      %dma_start3A_96 = tpu.memref_slice %arg4[%add3A_94, %dma_start3A_95] : memref<80x128xi32, #tpu.memory_space<vmem>> -> memref<1x128xi32, #tpu.memory_space<vmem>>
      %dma_start3A_97 = tpu.memref_squeeze %dma_start3A_96 : memref<1x128xi32, #tpu.memory_space<vmem>> -> memref<128xi32, #tpu.memory_space<vmem>>
      %dma_start3A_98 = arith.constant 0 : i32
      %dma_start3A_99 = tpu.memref_slice %arg7[%dma_start3A_98] : memref<10240xf32, #tpu.memory_space<vmem_shared>> -> memref<10240xf32, #tpu.memory_space<vmem_shared>>
      tpu.enqueue_indirect_dma source(%arg5 : memref<128xf32, #tpu.memory_space<vmem>>) target(%dma_start3A_99 : memref<10240xf32, #tpu.memory_space<vmem_shared>>) offsets(%dma_start3A_97 : memref<128xi32, #tpu.memory_space<vmem>>) semaphore(%arg8 : memref<!tpu.dma_semaphore, #tpu.memory_space<semaphore_mem>>) {add = true}
      %mul3A_100 = arith.constant 8 : i32
      %mul3A_101 = arith.muli %mul3A_100, %scan3A_28 : i32
      %add3A_102 = arith.constant 0 : i32
      %add3A_103 = arith.addi %mul3A_101, %add3A_102 : i32
      %dma_wait3A = arith.constant 0 : i32
      %dma_wait3A_104 = tpu.memref_slice %arg4[%add3A_103, %dma_wait3A] : memref<80x128xi32, #tpu.memory_space<vmem>> -> memref<1x128xi32, #tpu.memory_space<vmem>>
      %dma_wait3A_105 = tpu.memref_squeeze %dma_wait3A_104 : memref<1x128xi32, #tpu.memory_space<vmem>> -> memref<128xi32, #tpu.memory_space<vmem>>
      %dma_wait3A_106 = arith.constant 0 : i32
      %dma_wait3A_107 = tpu.memref_slice %arg7[%dma_wait3A_106] : memref<10240xf32, #tpu.memory_space<vmem_shared>> -> memref<10240xf32, #tpu.memory_space<vmem_shared>>
      tpu.wait_indirect_dma semaphore(%arg8 : memref<!tpu.dma_semaphore, #tpu.memory_space<semaphore_mem>>) src(%arg5 : memref<128xf32, #tpu.memory_space<vmem>>) dst(%dma_wait3A_107 : memref<10240xf32, #tpu.memory_space<vmem_shared>>)
      %mul3A_108 = arith.constant 8 : i32
      %mul3A_109 = arith.muli %mul3A_108, %scan3A_28 : i32
      %add3A_110 = arith.constant 1 : i32
      %add3A_111 = arith.addi %mul3A_109, %add3A_110 : i32
      %dma_wait3A_112 = arith.constant 0 : i32
      %dma_wait3A_113 = tpu.memref_slice %arg4[%add3A_111, %dma_wait3A_112] : memref<80x128xi32, #tpu.memory_space<vmem>> -> memref<1x128xi32, #tpu.memory_space<vmem>>
      %dma_wait3A_114 = tpu.memref_squeeze %dma_wait3A_113 : memref<1x128xi32, #tpu.memory_space<vmem>> -> memref<128xi32, #tpu.memory_space<vmem>>
      %dma_wait3A_115 = arith.constant 0 : i32
      %dma_wait3A_116 = tpu.memref_slice %arg7[%dma_wait3A_115] : memref<10240xf32, #tpu.memory_space<vmem_shared>> -> memref<10240xf32, #tpu.memory_space<vmem_shared>>
      tpu.wait_indirect_dma semaphore(%arg8 : memref<!tpu.dma_semaphore, #tpu.memory_space<semaphore_mem>>) src(%arg5 : memref<128xf32, #tpu.memory_space<vmem>>) dst(%dma_wait3A_116 : memref<10240xf32, #tpu.memory_space<vmem_shared>>)
      %mul3A_117 = arith.constant 8 : i32
      %mul3A_118 = arith.muli %mul3A_117, %scan3A_28 : i32
      %add3A_119 = arith.constant 2 : i32
      %add3A_120 = arith.addi %mul3A_118, %add3A_119 : i32
      %dma_wait3A_121 = arith.constant 0 : i32
      %dma_wait3A_122 = tpu.memref_slice %arg4[%add3A_120, %dma_wait3A_121] : memref<80x128xi32, #tpu.memory_space<vmem>> -> memref<1x128xi32, #tpu.memory_space<vmem>>
      %dma_wait3A_123 = tpu.memref_squeeze %dma_wait3A_122 : memref<1x128xi32, #tpu.memory_space<vmem>> -> memref<128xi32, #tpu.memory_space<vmem>>
      %dma_wait3A_124 = arith.constant 0 : i32
      %dma_wait3A_125 = tpu.memref_slice %arg7[%dma_wait3A_124] : memref<10240xf32, #tpu.memory_space<vmem_shared>> -> memref<10240xf32, #tpu.memory_space<vmem_shared>>
      tpu.wait_indirect_dma semaphore(%arg8 : memref<!tpu.dma_semaphore, #tpu.memory_space<semaphore_mem>>) src(%arg5 : memref<128xf32, #tpu.memory_space<vmem>>) dst(%dma_wait3A_125 : memref<10240xf32, #tpu.memory_space<vmem_shared>>)
      %mul3A_126 = arith.constant 8 : i32
      %mul3A_127 = arith.muli %mul3A_126, %scan3A_28 : i32
      %add3A_128 = arith.constant 3 : i32
      %add3A_129 = arith.addi %mul3A_127, %add3A_128 : i32
      %dma_wait3A_130 = arith.constant 0 : i32
      %dma_wait3A_131 = tpu.memref_slice %arg4[%add3A_129, %dma_wait3A_130] : memref<80x128xi32, #tpu.memory_space<vmem>> -> memref<1x128xi32, #tpu.memory_space<vmem>>
      %dma_wait3A_132 = tpu.memref_squeeze %dma_wait3A_131 : memref<1x128xi32, #tpu.memory_space<vmem>> -> memref<128xi32, #tpu.memory_space<vmem>>
      %dma_wait3A_133 = arith.constant 0 : i32
      %dma_wait3A_134 = tpu.memref_slice %arg7[%dma_wait3A_133] : memref<10240xf32, #tpu.memory_space<vmem_shared>> -> memref<10240xf32, #tpu.memory_space<vmem_shared>>
      tpu.wait_indirect_dma semaphore(%arg8 : memref<!tpu.dma_semaphore, #tpu.memory_space<semaphore_mem>>) src(%arg5 : memref<128xf32, #tpu.memory_space<vmem>>) dst(%dma_wait3A_134 : memref<10240xf32, #tpu.memory_space<vmem_shared>>)
      %mul3A_135 = arith.constant 8 : i32
      %mul3A_136 = arith.muli %mul3A_135, %scan3A_28 : i32
      %add3A_137 = arith.constant 4 : i32
      %add3A_138 = arith.addi %mul3A_136, %add3A_137 : i32
      %dma_wait3A_139 = arith.constant 0 : i32
      %dma_wait3A_140 = tpu.memref_slice %arg4[%add3A_138, %dma_wait3A_139] : memref<80x128xi32, #tpu.memory_space<vmem>> -> memref<1x128xi32, #tpu.memory_space<vmem>>
      %dma_wait3A_141 = tpu.memref_squeeze %dma_wait3A_140 : memref<1x128xi32, #tpu.memory_space<vmem>> -> memref<128xi32, #tpu.memory_space<vmem>>
      %dma_wait3A_142 = arith.constant 0 : i32
      %dma_wait3A_143 = tpu.memref_slice %arg7[%dma_wait3A_142] : memref<10240xf32, #tpu.memory_space<vmem_shared>> -> memref<10240xf32, #tpu.memory_space<vmem_shared>>
      tpu.wait_indirect_dma semaphore(%arg8 : memref<!tpu.dma_semaphore, #tpu.memory_space<semaphore_mem>>) src(%arg5 : memref<128xf32, #tpu.memory_space<vmem>>) dst(%dma_wait3A_143 : memref<10240xf32, #tpu.memory_space<vmem_shared>>)
      %mul3A_144 = arith.constant 8 : i32
      %mul3A_145 = arith.muli %mul3A_144, %scan3A_28 : i32
      %add3A_146 = arith.constant 5 : i32
      %add3A_147 = arith.addi %mul3A_145, %add3A_146 : i32
      %dma_wait3A_148 = arith.constant 0 : i32
      %dma_wait3A_149 = tpu.memref_slice %arg4[%add3A_147, %dma_wait3A_148] : memref<80x128xi32, #tpu.memory_space<vmem>> -> memref<1x128xi32, #tpu.memory_space<vmem>>
      %dma_wait3A_150 = tpu.memref_squeeze %dma_wait3A_149 : memref<1x128xi32, #tpu.memory_space<vmem>> -> memref<128xi32, #tpu.memory_space<vmem>>
      %dma_wait3A_151 = arith.constant 0 : i32
      %dma_wait3A_152 = tpu.memref_slice %arg7[%dma_wait3A_151] : memref<10240xf32, #tpu.memory_space<vmem_shared>> -> memref<10240xf32, #tpu.memory_space<vmem_shared>>
      tpu.wait_indirect_dma semaphore(%arg8 : memref<!tpu.dma_semaphore, #tpu.memory_space<semaphore_mem>>) src(%arg5 : memref<128xf32, #tpu.memory_space<vmem>>) dst(%dma_wait3A_152 : memref<10240xf32, #tpu.memory_space<vmem_shared>>)
      %mul3A_153 = arith.constant 8 : i32
      %mul3A_154 = arith.muli %mul3A_153, %scan3A_28 : i32
      %add3A_155 = arith.constant 6 : i32
      %add3A_156 = arith.addi %mul3A_154, %add3A_155 : i32
      %dma_wait3A_157 = arith.constant 0 : i32
      %dma_wait3A_158 = tpu.memref_slice %arg4[%add3A_156, %dma_wait3A_157] : memref<80x128xi32, #tpu.memory_space<vmem>> -> memref<1x128xi32, #tpu.memory_space<vmem>>
      %dma_wait3A_159 = tpu.memref_squeeze %dma_wait3A_158 : memref<1x128xi32, #tpu.memory_space<vmem>> -> memref<128xi32, #tpu.memory_space<vmem>>
      %dma_wait3A_160 = arith.constant 0 : i32
      %dma_wait3A_161 = tpu.memref_slice %arg7[%dma_wait3A_160] : memref<10240xf32, #tpu.memory_space<vmem_shared>> -> memref<10240xf32, #tpu.memory_space<vmem_shared>>
      tpu.wait_indirect_dma semaphore(%arg8 : memref<!tpu.dma_semaphore, #tpu.memory_space<semaphore_mem>>) src(%arg5 : memref<128xf32, #tpu.memory_space<vmem>>) dst(%dma_wait3A_161 : memref<10240xf32, #tpu.memory_space<vmem_shared>>)
      %mul3A_162 = arith.constant 8 : i32
      %mul3A_163 = arith.muli %mul3A_162, %scan3A_28 : i32
      %add3A_164 = arith.constant 7 : i32
      %add3A_165 = arith.addi %mul3A_163, %add3A_164 : i32
      %dma_wait3A_166 = arith.constant 0 : i32
      %dma_wait3A_167 = tpu.memref_slice %arg4[%add3A_165, %dma_wait3A_166] : memref<80x128xi32, #tpu.memory_space<vmem>> -> memref<1x128xi32, #tpu.memory_space<vmem>>
      %dma_wait3A_168 = tpu.memref_squeeze %dma_wait3A_167 : memref<1x128xi32, #tpu.memory_space<vmem>> -> memref<128xi32, #tpu.memory_space<vmem>>
      %dma_wait3A_169 = arith.constant 0 : i32
      %dma_wait3A_170 = tpu.memref_slice %arg7[%dma_wait3A_169] : memref<10240xf32, #tpu.memory_space<vmem_shared>> -> memref<10240xf32, #tpu.memory_space<vmem_shared>>
      tpu.wait_indirect_dma semaphore(%arg8 : memref<!tpu.dma_semaphore, #tpu.memory_space<semaphore_mem>>) src(%arg5 : memref<128xf32, #tpu.memory_space<vmem>>) dst(%dma_wait3A_170 : memref<10240xf32, #tpu.memory_space<vmem_shared>>)
    }
    %scan3A_22 = arith.constant 10 : i32
    %barrier3A_23 = arith.constant 0 : index
    tpu.barrier barrier_id(%barrier3A_23)
    %mul3A_24 = arith.constant 640 : i32
    %mul3A_25 = arith.muli %arg1, %mul3A_24 : i32
    %mul3A_26 = arith.constant 640 : i32
    %mul3A_27 = arith.muli %arg1, %mul3A_26 : i32
    "tpu.region"() ({
      %run_scoped3A = tpu.sem_alloc : memref<!tpu.dma_semaphore, #tpu.memory_space<semaphore_mem>>
      %dma_start3A = arith.constant 0 : i32
      %dma_start3A_28 = tpu.memref_slice %arg3[%arg0, %dma_start3A] : memref<2x10240xf32, #tpu.memory_space<hbm>> -> memref<1x10240xf32, #tpu.memory_space<hbm>>
      %dma_start3A_29 = tpu.memref_squeeze %dma_start3A_28 : memref<1x10240xf32, #tpu.memory_space<hbm>> -> memref<10240xf32, #tpu.memory_space<hbm>>
      %dma_start3A_30 = tpu.memref_slice %dma_start3A_29[%mul3A_27] : memref<10240xf32, #tpu.memory_space<hbm>> -> memref<640xf32, #tpu.memory_space<hbm>>
      %dma_start3A_31 = tpu.memref_slice %arg7[%mul3A_25] : memref<10240xf32, #tpu.memory_space<vmem_shared>> -> memref<640xf32, #tpu.memory_space<vmem_shared>>
      tpu.enqueue_dma source(%dma_start3A_31 : memref<640xf32, #tpu.memory_space<vmem_shared>>) target(%dma_start3A_30 : memref<640xf32, #tpu.memory_space<hbm>>) target_semaphore(%run_scoped3A : memref<!tpu.dma_semaphore, #tpu.memory_space<semaphore_mem>>)
      %dma_wait3A = arith.constant 0 : i32
      %dma_wait3A_32 = tpu.memref_slice %arg3[%arg0, %dma_wait3A] : memref<2x10240xf32, #tpu.memory_space<hbm>> -> memref<1x10240xf32, #tpu.memory_space<hbm>>
      %dma_wait3A_33 = tpu.memref_squeeze %dma_wait3A_32 : memref<1x10240xf32, #tpu.memory_space<hbm>> -> memref<10240xf32, #tpu.memory_space<hbm>>
      %dma_wait3A_34 = tpu.memref_slice %dma_wait3A_33[%mul3A_27] : memref<10240xf32, #tpu.memory_space<hbm>> -> memref<640xf32, #tpu.memory_space<hbm>>
      %dma_wait3A_35 = tpu.memref_slice %arg7[%mul3A_25] : memref<10240xf32, #tpu.memory_space<vmem_shared>> -> memref<640xf32, #tpu.memory_space<vmem_shared>>
      tpu.wait_dma2 semaphore(%run_scoped3A : memref<!tpu.dma_semaphore, #tpu.memory_space<semaphore_mem>>) src(%dma_wait3A_35 : memref<640xf32, #tpu.memory_space<vmem_shared>>) dst(%dma_wait3A_34 : memref<640xf32, #tpu.memory_space<hbm>>)
      tpu.yield
    }) : () -> ()
    return
  }
}

#map = affine_map<(d0, d1) -> (0, 0, 0, 0)>
#map1 = affine_map<(d0, d1) -> (0, 0)>
#map2 = affine_map<(d0, d1) -> (0, 0, 0)>
module attributes {stable_mosaic.version = 14 : i64} {
  func.func @_scatter_kernel(%arg0: i32, %arg1: i32, %arg2: memref<32x4x40x64xi32, #tpu.memory_space<hbm>>, %arg3: memref<32x4x40x64xi32, #tpu.memory_space<hbm>>, %arg4: memref<10240x128xf32, #tpu.memory_space<hbm>>, %arg5: memref<2x10240x128xf32, #tpu.memory_space<hbm>>, %arg6: memref<40x64xi32, #tpu.memory_space<vmem>>, %arg7: memref<40x64xi32, #tpu.memory_space<vmem>>, %arg8: memref<64x128xf32, #tpu.memory_space<vmem>>, %arg9: memref<64x128xf32, #tpu.memory_space<vmem>>, %arg10: memref<64x128xf32, #tpu.memory_space<vmem>>, %arg11: memref<64x128xf32, #tpu.memory_space<vmem>>, %arg12: memref<10240x128xf32, #tpu.memory_space<vmem_shared>>, %arg13: memref<!tpu.dma_semaphore, #tpu.memory_space<semaphore_mem>>, %arg14: memref<!tpu.dma_semaphore, #tpu.memory_space<semaphore_mem>>, %arg15: memref<!tpu.dma_semaphore, #tpu.memory_space<semaphore_mem>>, %arg16: memref<!tpu.dma_semaphore, #tpu.memory_space<semaphore_mem>>, %arg17: memref<!tpu.dma_semaphore, #tpu.memory_space<semaphore_mem>>, %arg18: memref<!tpu.dma_semaphore, #tpu.memory_space<semaphore_mem>>, %arg19: memref<!tpu.dma_semaphore, #tpu.memory_space<semaphore_mem>>, %arg20: memref<!tpu.dma_semaphore, #tpu.memory_space<semaphore_mem>>) attributes {dimension_semantics = [#tpu.dimension_semantics<core_parallel>, #tpu.dimension_semantics<subcore_parallel>], iteration_bounds = array<i64: 2, 16>, scalar_prefetch = 0 : i64, scratch_operands = 15 : i64, tpu.core_type = #tpu.core_type<sc_vector_subcore>, window_params = [{transform_indices = #map}, {transform_indices = #map}, {transform_indices = #map1}, {transform_indices = #map2}]} {
    %mul3A = arith.constant 2 : i32
    %mul3A_0 = arith.muli %arg1, %mul3A : i32
    %add3A = arith.addi %mul3A_0, %arg0 : i32
    %broadcast_in_dim3A = arith.constant 0.000000e+00 : f32
    %broadcast_in_dim3A_1 = vector.broadcast %broadcast_in_dim3A : f32 to vector<16xf32>
    %scan3A = arith.constant 0 : i32
    %scan3A_2 = arith.constant 0 : i32
    %scan3A_3 = arith.constant 512 : i32
    %scan3A_4 = arith.addi %scan3A_2, %scan3A_3 : i32
    %scan3A_5 = arith.constant 1 : i32
    scf.for %scan3A_194 = %scan3A_2 to %scan3A_4 step %scan3A_5  : i32 {
      %jit3A = arith.constant 8 : i32
      %div3A = arith.divsi %scan3A_194, %jit3A : i32
      %sign3A = arith.constant 0 : i32
      %sign3A_195 = arith.cmpi sgt, %scan3A_194, %sign3A : i32
      %sign3A_196 = arith.extui %sign3A_195 : i1 to i32
      %sign3A_197 = arith.constant 0 : i32
      %sign3A_198 = arith.cmpi slt, %scan3A_194, %sign3A_197 : i32
      %sign3A_199 = arith.extui %sign3A_198 : i1 to i32
      %sign3A_200 = arith.subi %sign3A_196, %sign3A_199 : i32
      %sign3A_201 = arith.constant 0 : i32
      %sign3A_202 = arith.cmpi sgt, %jit3A, %sign3A_201 : i32
      %sign3A_203 = arith.extui %sign3A_202 : i1 to i32
      %sign3A_204 = arith.constant 0 : i32
      %sign3A_205 = arith.cmpi slt, %jit3A, %sign3A_204 : i32
      %sign3A_206 = arith.extui %sign3A_205 : i1 to i32
      %sign3A_207 = arith.subi %sign3A_203, %sign3A_206 : i32
      %ne3A = arith.cmpi ne, %sign3A_200, %sign3A_207 : i32
      %rem3A = arith.remsi %scan3A_194, %jit3A : i32
      %ne3A_208 = arith.constant 0 : i32
      %ne3A_209 = arith.cmpi ne, %rem3A, %ne3A_208 : i32
      %and3A = arith.andi %ne3A, %ne3A_209 : i1
      %sub3A = arith.constant 1 : i32
      %sub3A_210 = arith.subi %div3A, %sub3A : i32
      %select_n3A = arith.select %and3A, %sub3A_210, %div3A : i32
      %jit3A_211 = arith.constant 8 : i32
      %eq3A = arith.constant 0 : i32
      %eq3A_212 = arith.cmpi eq, %jit3A_211, %eq3A : i32
      %jit3A_213 = arith.constant 1 : i32
      %select_n3A_214 = arith.select %eq3A_212, %jit3A_213, %jit3A_211 : i32
      %rem3A_215 = arith.remsi %scan3A_194, %select_n3A_214 : i32
      %ne3A_216 = arith.constant 0 : i32
      %ne3A_217 = arith.cmpi ne, %rem3A_215, %ne3A_216 : i32
      %lt3A = arith.constant 0 : i32
      %lt3A_218 = arith.cmpi slt, %rem3A_215, %lt3A : i32
      %lt3A_219 = arith.constant 0 : i32
      %lt3A_220 = arith.cmpi slt, %select_n3A_214, %lt3A_219 : i32
      %ne3A_221 = arith.xori %lt3A_218, %lt3A_220 : i1
      %and3A_222 = arith.andi %ne3A_221, %ne3A_217 : i1
      %add3A_223 = arith.addi %rem3A_215, %select_n3A_214 : i32
      %select_n3A_224 = arith.select %and3A_222, %add3A_223, %rem3A_215 : i32
      %mul3A_225 = arith.constant 16 : i32
      %mul3A_226 = arith.muli %select_n3A_224, %mul3A_225 : i32
      %swap3A = arith.index_cast %select_n3A : i32 to index
      %swap3A_227 = arith.index_cast %mul3A_226 : i32 to index
      %swap3A_228 = tpu.vector_load %arg8[%swap3A, %swap3A_227] {strides = array<i32>} : memref<64x128xf32, #tpu.memory_space<vmem>>, vector<1x16xf32>,
      %swap3A_229 = vector.shape_cast %swap3A_228 : vector<1x16xf32> to vector<16xf32>
      %swap3A_230 = vector.shape_cast %broadcast_in_dim3A_1 : vector<16xf32> to vector<1x16xf32>
      tpu.vector_store %arg8[%swap3A, %swap3A_227], %swap3A_230 {strides = array<i32>} : memref<64x128xf32, #tpu.memory_space<vmem>>, vector<1x16xf32>,
    }
    %scan3A_6 = arith.constant 512 : i32
    %mul3A_7 = arith.constant 640 : i32
    %mul3A_8 = arith.muli %arg1, %mul3A_7 : i32
    %add3A_9 = arith.constant 0 : i32
    %add3A_10 = arith.addi %mul3A_8, %add3A_9 : i32
    "tpu.region"() ({
      %run_scoped3A_194 = tpu.sem_alloc : memref<!tpu.dma_semaphore, #tpu.memory_space<semaphore_mem>>
      %dma_start3A_195 = arith.constant 0 : i32
      %dma_start3A_196 = tpu.memref_slice %arg12[%add3A_10, %dma_start3A_195] : memref<10240x128xf32, #tpu.memory_space<vmem_shared>> -> memref<64x128xf32, #tpu.memory_space<vmem_shared>>
      %dma_start3A_197 = arith.constant 0 : i32
      %dma_start3A_198 = tpu.memref_slice %arg12[%add3A_10, %dma_start3A_197] : memref<10240x128xf32, #tpu.memory_space<vmem_shared>> -> memref<64x128xf32, #tpu.memory_space<vmem_shared>>
      tpu.enqueue_dma source(%arg8 : memref<64x128xf32, #tpu.memory_space<vmem>>) target(%dma_start3A_198 : memref<64x128xf32, #tpu.memory_space<vmem_shared>>) target_semaphore(%run_scoped3A_194 : memref<!tpu.dma_semaphore, #tpu.memory_space<semaphore_mem>>)
      %dma_wait3A = arith.constant 0 : i32
      %dma_wait3A_199 = tpu.memref_slice %arg12[%add3A_10, %dma_wait3A] : memref<10240x128xf32, #tpu.memory_space<vmem_shared>> -> memref<64x128xf32, #tpu.memory_space<vmem_shared>>
      %dma_wait3A_200 = arith.constant 0 : i32
      %dma_wait3A_201 = tpu.memref_slice %arg12[%add3A_10, %dma_wait3A_200] : memref<10240x128xf32, #tpu.memory_space<vmem_shared>> -> memref<64x128xf32, #tpu.memory_space<vmem_shared>>
      tpu.wait_dma2 semaphore(%run_scoped3A_194 : memref<!tpu.dma_semaphore, #tpu.memory_space<semaphore_mem>>) src(%arg8 : memref<64x128xf32, #tpu.memory_space<vmem>>) dst(%dma_wait3A_201 : memref<64x128xf32, #tpu.memory_space<vmem_shared>>)
      tpu.yield
    }) : () -> ()
    %mul3A_11 = arith.constant 640 : i32
    %mul3A_12 = arith.muli %arg1, %mul3A_11 : i32
    %add3A_13 = arith.constant 64 : i32
    %add3A_14 = arith.addi %mul3A_12, %add3A_13 : i32
    "tpu.region"() ({
      %run_scoped3A_194 = tpu.sem_alloc : memref<!tpu.dma_semaphore, #tpu.memory_space<semaphore_mem>>
      %dma_start3A_195 = arith.constant 0 : i32
      %dma_start3A_196 = tpu.memref_slice %arg12[%add3A_14, %dma_start3A_195] : memref<10240x128xf32, #tpu.memory_space<vmem_shared>> -> memref<64x128xf32, #tpu.memory_space<vmem_shared>>
      %dma_start3A_197 = arith.constant 0 : i32
      %dma_start3A_198 = tpu.memref_slice %arg12[%add3A_14, %dma_start3A_197] : memref<10240x128xf32, #tpu.memory_space<vmem_shared>> -> memref<64x128xf32, #tpu.memory_space<vmem_shared>>
      tpu.enqueue_dma source(%arg8 : memref<64x128xf32, #tpu.memory_space<vmem>>) target(%dma_start3A_198 : memref<64x128xf32, #tpu.memory_space<vmem_shared>>) target_semaphore(%run_scoped3A_194 : memref<!tpu.dma_semaphore, #tpu.memory_space<semaphore_mem>>)
      %dma_wait3A = arith.constant 0 : i32
      %dma_wait3A_199 = tpu.memref_slice %arg12[%add3A_14, %dma_wait3A] : memref<10240x128xf32, #tpu.memory_space<vmem_shared>> -> memref<64x128xf32, #tpu.memory_space<vmem_shared>>
      %dma_wait3A_200 = arith.constant 0 : i32
      %dma_wait3A_201 = tpu.memref_slice %arg12[%add3A_14, %dma_wait3A_200] : memref<10240x128xf32, #tpu.memory_space<vmem_shared>> -> memref<64x128xf32, #tpu.memory_space<vmem_shared>>
      tpu.wait_dma2 semaphore(%run_scoped3A_194 : memref<!tpu.dma_semaphore, #tpu.memory_space<semaphore_mem>>) src(%arg8 : memref<64x128xf32, #tpu.memory_space<vmem>>) dst(%dma_wait3A_201 : memref<64x128xf32, #tpu.memory_space<vmem_shared>>)
      tpu.yield
    }) : () -> ()
    %mul3A_15 = arith.constant 640 : i32
    %mul3A_16 = arith.muli %arg1, %mul3A_15 : i32
    %add3A_17 = arith.constant 128 : i32
    %add3A_18 = arith.addi %mul3A_16, %add3A_17 : i32
    "tpu.region"() ({
      %run_scoped3A_194 = tpu.sem_alloc : memref<!tpu.dma_semaphore, #tpu.memory_space<semaphore_mem>>
      %dma_start3A_195 = arith.constant 0 : i32
      %dma_start3A_196 = tpu.memref_slice %arg12[%add3A_18, %dma_start3A_195] : memref<10240x128xf32, #tpu.memory_space<vmem_shared>> -> memref<64x128xf32, #tpu.memory_space<vmem_shared>>
      %dma_start3A_197 = arith.constant 0 : i32
      %dma_start3A_198 = tpu.memref_slice %arg12[%add3A_18, %dma_start3A_197] : memref<10240x128xf32, #tpu.memory_space<vmem_shared>> -> memref<64x128xf32, #tpu.memory_space<vmem_shared>>
      tpu.enqueue_dma source(%arg8 : memref<64x128xf32, #tpu.memory_space<vmem>>) target(%dma_start3A_198 : memref<64x128xf32, #tpu.memory_space<vmem_shared>>) target_semaphore(%run_scoped3A_194 : memref<!tpu.dma_semaphore, #tpu.memory_space<semaphore_mem>>)
      %dma_wait3A = arith.constant 0 : i32
      %dma_wait3A_199 = tpu.memref_slice %arg12[%add3A_18, %dma_wait3A] : memref<10240x128xf32, #tpu.memory_space<vmem_shared>> -> memref<64x128xf32, #tpu.memory_space<vmem_shared>>
      %dma_wait3A_200 = arith.constant 0 : i32
      %dma_wait3A_201 = tpu.memref_slice %arg12[%add3A_18, %dma_wait3A_200] : memref<10240x128xf32, #tpu.memory_space<vmem_shared>> -> memref<64x128xf32, #tpu.memory_space<vmem_shared>>
      tpu.wait_dma2 semaphore(%run_scoped3A_194 : memref<!tpu.dma_semaphore, #tpu.memory_space<semaphore_mem>>) src(%arg8 : memref<64x128xf32, #tpu.memory_space<vmem>>) dst(%dma_wait3A_201 : memref<64x128xf32, #tpu.memory_space<vmem_shared>>)
      tpu.yield
    }) : () -> ()
    %mul3A_19 = arith.constant 640 : i32
    %mul3A_20 = arith.muli %arg1, %mul3A_19 : i32
    %add3A_21 = arith.constant 192 : i32
    %add3A_22 = arith.addi %mul3A_20, %add3A_21 : i32
    "tpu.region"() ({
      %run_scoped3A_194 = tpu.sem_alloc : memref<!tpu.dma_semaphore, #tpu.memory_space<semaphore_mem>>
      %dma_start3A_195 = arith.constant 0 : i32
      %dma_start3A_196 = tpu.memref_slice %arg12[%add3A_22, %dma_start3A_195] : memref<10240x128xf32, #tpu.memory_space<vmem_shared>> -> memref<64x128xf32, #tpu.memory_space<vmem_shared>>
      %dma_start3A_197 = arith.constant 0 : i32
      %dma_start3A_198 = tpu.memref_slice %arg12[%add3A_22, %dma_start3A_197] : memref<10240x128xf32, #tpu.memory_space<vmem_shared>> -> memref<64x128xf32, #tpu.memory_space<vmem_shared>>
      tpu.enqueue_dma source(%arg8 : memref<64x128xf32, #tpu.memory_space<vmem>>) target(%dma_start3A_198 : memref<64x128xf32, #tpu.memory_space<vmem_shared>>) target_semaphore(%run_scoped3A_194 : memref<!tpu.dma_semaphore, #tpu.memory_space<semaphore_mem>>)
      %dma_wait3A = arith.constant 0 : i32
      %dma_wait3A_199 = tpu.memref_slice %arg12[%add3A_22, %dma_wait3A] : memref<10240x128xf32, #tpu.memory_space<vmem_shared>> -> memref<64x128xf32, #tpu.memory_space<vmem_shared>>
      %dma_wait3A_200 = arith.constant 0 : i32
      %dma_wait3A_201 = tpu.memref_slice %arg12[%add3A_22, %dma_wait3A_200] : memref<10240x128xf32, #tpu.memory_space<vmem_shared>> -> memref<64x128xf32, #tpu.memory_space<vmem_shared>>
      tpu.wait_dma2 semaphore(%run_scoped3A_194 : memref<!tpu.dma_semaphore, #tpu.memory_space<semaphore_mem>>) src(%arg8 : memref<64x128xf32, #tpu.memory_space<vmem>>) dst(%dma_wait3A_201 : memref<64x128xf32, #tpu.memory_space<vmem_shared>>)
      tpu.yield
    }) : () -> ()
    %mul3A_23 = arith.constant 640 : i32
    %mul3A_24 = arith.muli %arg1, %mul3A_23 : i32
    %add3A_25 = arith.constant 256 : i32
    %add3A_26 = arith.addi %mul3A_24, %add3A_25 : i32
    "tpu.region"() ({
      %run_scoped3A_194 = tpu.sem_alloc : memref<!tpu.dma_semaphore, #tpu.memory_space<semaphore_mem>>
      %dma_start3A_195 = arith.constant 0 : i32
      %dma_start3A_196 = tpu.memref_slice %arg12[%add3A_26, %dma_start3A_195] : memref<10240x128xf32, #tpu.memory_space<vmem_shared>> -> memref<64x128xf32, #tpu.memory_space<vmem_shared>>
      %dma_start3A_197 = arith.constant 0 : i32
      %dma_start3A_198 = tpu.memref_slice %arg12[%add3A_26, %dma_start3A_197] : memref<10240x128xf32, #tpu.memory_space<vmem_shared>> -> memref<64x128xf32, #tpu.memory_space<vmem_shared>>
      tpu.enqueue_dma source(%arg8 : memref<64x128xf32, #tpu.memory_space<vmem>>) target(%dma_start3A_198 : memref<64x128xf32, #tpu.memory_space<vmem_shared>>) target_semaphore(%run_scoped3A_194 : memref<!tpu.dma_semaphore, #tpu.memory_space<semaphore_mem>>)
      %dma_wait3A = arith.constant 0 : i32
      %dma_wait3A_199 = tpu.memref_slice %arg12[%add3A_26, %dma_wait3A] : memref<10240x128xf32, #tpu.memory_space<vmem_shared>> -> memref<64x128xf32, #tpu.memory_space<vmem_shared>>
      %dma_wait3A_200 = arith.constant 0 : i32
      %dma_wait3A_201 = tpu.memref_slice %arg12[%add3A_26, %dma_wait3A_200] : memref<10240x128xf32, #tpu.memory_space<vmem_shared>> -> memref<64x128xf32, #tpu.memory_space<vmem_shared>>
      tpu.wait_dma2 semaphore(%run_scoped3A_194 : memref<!tpu.dma_semaphore, #tpu.memory_space<semaphore_mem>>) src(%arg8 : memref<64x128xf32, #tpu.memory_space<vmem>>) dst(%dma_wait3A_201 : memref<64x128xf32, #tpu.memory_space<vmem_shared>>)
      tpu.yield
    }) : () -> ()
    %mul3A_27 = arith.constant 640 : i32
    %mul3A_28 = arith.muli %arg1, %mul3A_27 : i32
    %add3A_29 = arith.constant 320 : i32
    %add3A_30 = arith.addi %mul3A_28, %add3A_29 : i32
    "tpu.region"() ({
      %run_scoped3A_194 = tpu.sem_alloc : memref<!tpu.dma_semaphore, #tpu.memory_space<semaphore_mem>>
      %dma_start3A_195 = arith.constant 0 : i32
      %dma_start3A_196 = tpu.memref_slice %arg12[%add3A_30, %dma_start3A_195] : memref<10240x128xf32, #tpu.memory_space<vmem_shared>> -> memref<64x128xf32, #tpu.memory_space<vmem_shared>>
      %dma_start3A_197 = arith.constant 0 : i32
      %dma_start3A_198 = tpu.memref_slice %arg12[%add3A_30, %dma_start3A_197] : memref<10240x128xf32, #tpu.memory_space<vmem_shared>> -> memref<64x128xf32, #tpu.memory_space<vmem_shared>>
      tpu.enqueue_dma source(%arg8 : memref<64x128xf32, #tpu.memory_space<vmem>>) target(%dma_start3A_198 : memref<64x128xf32, #tpu.memory_space<vmem_shared>>) target_semaphore(%run_scoped3A_194 : memref<!tpu.dma_semaphore, #tpu.memory_space<semaphore_mem>>)
      %dma_wait3A = arith.constant 0 : i32
      %dma_wait3A_199 = tpu.memref_slice %arg12[%add3A_30, %dma_wait3A] : memref<10240x128xf32, #tpu.memory_space<vmem_shared>> -> memref<64x128xf32, #tpu.memory_space<vmem_shared>>
      %dma_wait3A_200 = arith.constant 0 : i32
      %dma_wait3A_201 = tpu.memref_slice %arg12[%add3A_30, %dma_wait3A_200] : memref<10240x128xf32, #tpu.memory_space<vmem_shared>> -> memref<64x128xf32, #tpu.memory_space<vmem_shared>>
      tpu.wait_dma2 semaphore(%run_scoped3A_194 : memref<!tpu.dma_semaphore, #tpu.memory_space<semaphore_mem>>) src(%arg8 : memref<64x128xf32, #tpu.memory_space<vmem>>) dst(%dma_wait3A_201 : memref<64x128xf32, #tpu.memory_space<vmem_shared>>)
      tpu.yield
    }) : () -> ()
    %mul3A_31 = arith.constant 640 : i32
    %mul3A_32 = arith.muli %arg1, %mul3A_31 : i32
    %add3A_33 = arith.constant 384 : i32
    %add3A_34 = arith.addi %mul3A_32, %add3A_33 : i32
    "tpu.region"() ({
      %run_scoped3A_194 = tpu.sem_alloc : memref<!tpu.dma_semaphore, #tpu.memory_space<semaphore_mem>>
      %dma_start3A_195 = arith.constant 0 : i32
      %dma_start3A_196 = tpu.memref_slice %arg12[%add3A_34, %dma_start3A_195] : memref<10240x128xf32, #tpu.memory_space<vmem_shared>> -> memref<64x128xf32, #tpu.memory_space<vmem_shared>>
      %dma_start3A_197 = arith.constant 0 : i32
      %dma_start3A_198 = tpu.memref_slice %arg12[%add3A_34, %dma_start3A_197] : memref<10240x128xf32, #tpu.memory_space<vmem_shared>> -> memref<64x128xf32, #tpu.memory_space<vmem_shared>>
      tpu.enqueue_dma source(%arg8 : memref<64x128xf32, #tpu.memory_space<vmem>>) target(%dma_start3A_198 : memref<64x128xf32, #tpu.memory_space<vmem_shared>>) target_semaphore(%run_scoped3A_194 : memref<!tpu.dma_semaphore, #tpu.memory_space<semaphore_mem>>)
      %dma_wait3A = arith.constant 0 : i32
      %dma_wait3A_199 = tpu.memref_slice %arg12[%add3A_34, %dma_wait3A] : memref<10240x128xf32, #tpu.memory_space<vmem_shared>> -> memref<64x128xf32, #tpu.memory_space<vmem_shared>>
      %dma_wait3A_200 = arith.constant 0 : i32
      %dma_wait3A_201 = tpu.memref_slice %arg12[%add3A_34, %dma_wait3A_200] : memref<10240x128xf32, #tpu.memory_space<vmem_shared>> -> memref<64x128xf32, #tpu.memory_space<vmem_shared>>
      tpu.wait_dma2 semaphore(%run_scoped3A_194 : memref<!tpu.dma_semaphore, #tpu.memory_space<semaphore_mem>>) src(%arg8 : memref<64x128xf32, #tpu.memory_space<vmem>>) dst(%dma_wait3A_201 : memref<64x128xf32, #tpu.memory_space<vmem_shared>>)
      tpu.yield
    }) : () -> ()
    %mul3A_35 = arith.constant 640 : i32
    %mul3A_36 = arith.muli %arg1, %mul3A_35 : i32
    %add3A_37 = arith.constant 448 : i32
    %add3A_38 = arith.addi %mul3A_36, %add3A_37 : i32
    "tpu.region"() ({
      %run_scoped3A_194 = tpu.sem_alloc : memref<!tpu.dma_semaphore, #tpu.memory_space<semaphore_mem>>
      %dma_start3A_195 = arith.constant 0 : i32
      %dma_start3A_196 = tpu.memref_slice %arg12[%add3A_38, %dma_start3A_195] : memref<10240x128xf32, #tpu.memory_space<vmem_shared>> -> memref<64x128xf32, #tpu.memory_space<vmem_shared>>
      %dma_start3A_197 = arith.constant 0 : i32
      %dma_start3A_198 = tpu.memref_slice %arg12[%add3A_38, %dma_start3A_197] : memref<10240x128xf32, #tpu.memory_space<vmem_shared>> -> memref<64x128xf32, #tpu.memory_space<vmem_shared>>
      tpu.enqueue_dma source(%arg8 : memref<64x128xf32, #tpu.memory_space<vmem>>) target(%dma_start3A_198 : memref<64x128xf32, #tpu.memory_space<vmem_shared>>) target_semaphore(%run_scoped3A_194 : memref<!tpu.dma_semaphore, #tpu.memory_space<semaphore_mem>>)
      %dma_wait3A = arith.constant 0 : i32
      %dma_wait3A_199 = tpu.memref_slice %arg12[%add3A_38, %dma_wait3A] : memref<10240x128xf32, #tpu.memory_space<vmem_shared>> -> memref<64x128xf32, #tpu.memory_space<vmem_shared>>
      %dma_wait3A_200 = arith.constant 0 : i32
      %dma_wait3A_201 = tpu.memref_slice %arg12[%add3A_38, %dma_wait3A_200] : memref<10240x128xf32, #tpu.memory_space<vmem_shared>> -> memref<64x128xf32, #tpu.memory_space<vmem_shared>>
      tpu.wait_dma2 semaphore(%run_scoped3A_194 : memref<!tpu.dma_semaphore, #tpu.memory_space<semaphore_mem>>) src(%arg8 : memref<64x128xf32, #tpu.memory_space<vmem>>) dst(%dma_wait3A_201 : memref<64x128xf32, #tpu.memory_space<vmem_shared>>)
      tpu.yield
    }) : () -> ()
    %mul3A_39 = arith.constant 640 : i32
    %mul3A_40 = arith.muli %arg1, %mul3A_39 : i32
    %add3A_41 = arith.constant 512 : i32
    %add3A_42 = arith.addi %mul3A_40, %add3A_41 : i32
    "tpu.region"() ({
      %run_scoped3A_194 = tpu.sem_alloc : memref<!tpu.dma_semaphore, #tpu.memory_space<semaphore_mem>>
      %dma_start3A_195 = arith.constant 0 : i32
      %dma_start3A_196 = tpu.memref_slice %arg12[%add3A_42, %dma_start3A_195] : memref<10240x128xf32, #tpu.memory_space<vmem_shared>> -> memref<64x128xf32, #tpu.memory_space<vmem_shared>>
      %dma_start3A_197 = arith.constant 0 : i32
      %dma_start3A_198 = tpu.memref_slice %arg12[%add3A_42, %dma_start3A_197] : memref<10240x128xf32, #tpu.memory_space<vmem_shared>> -> memref<64x128xf32, #tpu.memory_space<vmem_shared>>
      tpu.enqueue_dma source(%arg8 : memref<64x128xf32, #tpu.memory_space<vmem>>) target(%dma_start3A_198 : memref<64x128xf32, #tpu.memory_space<vmem_shared>>) target_semaphore(%run_scoped3A_194 : memref<!tpu.dma_semaphore, #tpu.memory_space<semaphore_mem>>)
      %dma_wait3A = arith.constant 0 : i32
      %dma_wait3A_199 = tpu.memref_slice %arg12[%add3A_42, %dma_wait3A] : memref<10240x128xf32, #tpu.memory_space<vmem_shared>> -> memref<64x128xf32, #tpu.memory_space<vmem_shared>>
      %dma_wait3A_200 = arith.constant 0 : i32
      %dma_wait3A_201 = tpu.memref_slice %arg12[%add3A_42, %dma_wait3A_200] : memref<10240x128xf32, #tpu.memory_space<vmem_shared>> -> memref<64x128xf32, #tpu.memory_space<vmem_shared>>
      tpu.wait_dma2 semaphore(%run_scoped3A_194 : memref<!tpu.dma_semaphore, #tpu.memory_space<semaphore_mem>>) src(%arg8 : memref<64x128xf32, #tpu.memory_space<vmem>>) dst(%dma_wait3A_201 : memref<64x128xf32, #tpu.memory_space<vmem_shared>>)
      tpu.yield
    }) : () -> ()
    %mul3A_43 = arith.constant 640 : i32
    %mul3A_44 = arith.muli %arg1, %mul3A_43 : i32
    %add3A_45 = arith.constant 576 : i32
    %add3A_46 = arith.addi %mul3A_44, %add3A_45 : i32
    "tpu.region"() ({
      %run_scoped3A_194 = tpu.sem_alloc : memref<!tpu.dma_semaphore, #tpu.memory_space<semaphore_mem>>
      %dma_start3A_195 = arith.constant 0 : i32
      %dma_start3A_196 = tpu.memref_slice %arg12[%add3A_46, %dma_start3A_195] : memref<10240x128xf32, #tpu.memory_space<vmem_shared>> -> memref<64x128xf32, #tpu.memory_space<vmem_shared>>
      %dma_start3A_197 = arith.constant 0 : i32
      %dma_start3A_198 = tpu.memref_slice %arg12[%add3A_46, %dma_start3A_197] : memref<10240x128xf32, #tpu.memory_space<vmem_shared>> -> memref<64x128xf32, #tpu.memory_space<vmem_shared>>
      tpu.enqueue_dma source(%arg8 : memref<64x128xf32, #tpu.memory_space<vmem>>) target(%dma_start3A_198 : memref<64x128xf32, #tpu.memory_space<vmem_shared>>) target_semaphore(%run_scoped3A_194 : memref<!tpu.dma_semaphore, #tpu.memory_space<semaphore_mem>>)
      %dma_wait3A = arith.constant 0 : i32
      %dma_wait3A_199 = tpu.memref_slice %arg12[%add3A_46, %dma_wait3A] : memref<10240x128xf32, #tpu.memory_space<vmem_shared>> -> memref<64x128xf32, #tpu.memory_space<vmem_shared>>
      %dma_wait3A_200 = arith.constant 0 : i32
      %dma_wait3A_201 = tpu.memref_slice %arg12[%add3A_46, %dma_wait3A_200] : memref<10240x128xf32, #tpu.memory_space<vmem_shared>> -> memref<64x128xf32, #tpu.memory_space<vmem_shared>>
      tpu.wait_dma2 semaphore(%run_scoped3A_194 : memref<!tpu.dma_semaphore, #tpu.memory_space<semaphore_mem>>) src(%arg8 : memref<64x128xf32, #tpu.memory_space<vmem>>) dst(%dma_wait3A_201 : memref<64x128xf32, #tpu.memory_space<vmem_shared>>)
      tpu.yield
    }) : () -> ()
    %barrier3A = arith.constant 0 : index
    tpu.barrier barrier_id(%barrier3A)
    %run_scoped3A = arith.constant 0 : i32
    "tpu.region"() ({
      %run_scoped3A_194 = tpu.sem_alloc : memref<!tpu.dma_semaphore, #tpu.memory_space<semaphore_mem>>
      %dma_start3A_195 = arith.constant 0 : i32
      %dma_start3A_196 = arith.constant 0 : i32
      %dma_start3A_197 = arith.constant 0 : i32
      %dma_start3A_198 = tpu.memref_slice %arg2[%add3A, %dma_start3A_195, %dma_start3A_196, %dma_start3A_197] : memref<32x4x40x64xi32, #tpu.memory_space<hbm>> -> memref<1x4x40x64xi32, #tpu.memory_space<hbm>>
      %dma_start3A_199 = tpu.memref_squeeze %dma_start3A_198 : memref<1x4x40x64xi32, #tpu.memory_space<hbm>> -> memref<4x40x64xi32, #tpu.memory_space<hbm>>
      %dma_start3A_200 = arith.constant 0 : i32
      %dma_start3A_201 = arith.constant 0 : i32
      %dma_start3A_202 = tpu.memref_slice %dma_start3A_199[%run_scoped3A, %dma_start3A_200, %dma_start3A_201] : memref<4x40x64xi32, #tpu.memory_space<hbm>> -> memref<1x40x64xi32, #tpu.memory_space<hbm>>
      %dma_start3A_203 = tpu.memref_squeeze %dma_start3A_202 : memref<1x40x64xi32, #tpu.memory_space<hbm>> -> memref<40x64xi32, #tpu.memory_space<hbm>>
      %dma_start3A_204 = arith.constant 0 : i32
      %dma_start3A_205 = arith.constant 0 : i32
      %dma_start3A_206 = arith.constant 0 : i32
      %dma_start3A_207 = tpu.memref_slice %arg2[%add3A, %dma_start3A_204, %dma_start3A_205, %dma_start3A_206] : memref<32x4x40x64xi32, #tpu.memory_space<hbm>> -> memref<1x4x40x64xi32, #tpu.memory_space<hbm>>
      %dma_start3A_208 = tpu.memref_squeeze %dma_start3A_207 : memref<1x4x40x64xi32, #tpu.memory_space<hbm>> -> memref<4x40x64xi32, #tpu.memory_space<hbm>>
      %dma_start3A_209 = arith.constant 0 : i32
      %dma_start3A_210 = arith.constant 0 : i32
      %dma_start3A_211 = tpu.memref_slice %dma_start3A_208[%run_scoped3A, %dma_start3A_209, %dma_start3A_210] : memref<4x40x64xi32, #tpu.memory_space<hbm>> -> memref<1x40x64xi32, #tpu.memory_space<hbm>>
      %dma_start3A_212 = tpu.memref_squeeze %dma_start3A_211 : memref<1x40x64xi32, #tpu.memory_space<hbm>> -> memref<40x64xi32, #tpu.memory_space<hbm>>
      tpu.enqueue_dma source(%dma_start3A_212 : memref<40x64xi32, #tpu.memory_space<hbm>>) target(%arg6 : memref<40x64xi32, #tpu.memory_space<vmem>>) target_semaphore(%run_scoped3A_194 : memref<!tpu.dma_semaphore, #tpu.memory_space<semaphore_mem>>)
      %dma_wait3A = arith.constant 0 : i32
      %dma_wait3A_213 = arith.constant 0 : i32
      %dma_wait3A_214 = arith.constant 0 : i32
      %dma_wait3A_215 = tpu.memref_slice %arg2[%add3A, %dma_wait3A, %dma_wait3A_213, %dma_wait3A_214] : memref<32x4x40x64xi32, #tpu.memory_space<hbm>> -> memref<1x4x40x64xi32, #tpu.memory_space<hbm>>
      %dma_wait3A_216 = tpu.memref_squeeze %dma_wait3A_215 : memref<1x4x40x64xi32, #tpu.memory_space<hbm>> -> memref<4x40x64xi32, #tpu.memory_space<hbm>>
      %dma_wait3A_217 = arith.constant 0 : i32
      %dma_wait3A_218 = arith.constant 0 : i32
      %dma_wait3A_219 = tpu.memref_slice %dma_wait3A_216[%run_scoped3A, %dma_wait3A_217, %dma_wait3A_218] : memref<4x40x64xi32, #tpu.memory_space<hbm>> -> memref<1x40x64xi32, #tpu.memory_space<hbm>>
      %dma_wait3A_220 = tpu.memref_squeeze %dma_wait3A_219 : memref<1x40x64xi32, #tpu.memory_space<hbm>> -> memref<40x64xi32, #tpu.memory_space<hbm>>
      %dma_wait3A_221 = arith.constant 0 : i32
      %dma_wait3A_222 = arith.constant 0 : i32
      %dma_wait3A_223 = arith.constant 0 : i32
      %dma_wait3A_224 = tpu.memref_slice %arg2[%add3A, %dma_wait3A_221, %dma_wait3A_222, %dma_wait3A_223] : memref<32x4x40x64xi32, #tpu.memory_space<hbm>> -> memref<1x4x40x64xi32, #tpu.memory_space<hbm>>
      %dma_wait3A_225 = tpu.memref_squeeze %dma_wait3A_224 : memref<1x4x40x64xi32, #tpu.memory_space<hbm>> -> memref<4x40x64xi32, #tpu.memory_space<hbm>>
      %dma_wait3A_226 = arith.constant 0 : i32
      %dma_wait3A_227 = arith.constant 0 : i32
      %dma_wait3A_228 = tpu.memref_slice %dma_wait3A_225[%run_scoped3A, %dma_wait3A_226, %dma_wait3A_227] : memref<4x40x64xi32, #tpu.memory_space<hbm>> -> memref<1x40x64xi32, #tpu.memory_space<hbm>>
      %dma_wait3A_229 = tpu.memref_squeeze %dma_wait3A_228 : memref<1x40x64xi32, #tpu.memory_space<hbm>> -> memref<40x64xi32, #tpu.memory_space<hbm>>
      tpu.wait_dma2 semaphore(%run_scoped3A_194 : memref<!tpu.dma_semaphore, #tpu.memory_space<semaphore_mem>>) src(%dma_wait3A_229 : memref<40x64xi32, #tpu.memory_space<hbm>>) dst(%arg6 : memref<40x64xi32, #tpu.memory_space<vmem>>)
      tpu.yield
    }) : () -> ()
    %run_scoped3A_47 = arith.constant 0 : i32
    "tpu.region"() ({
      %run_scoped3A_194 = tpu.sem_alloc : memref<!tpu.dma_semaphore, #tpu.memory_space<semaphore_mem>>
      %dma_start3A_195 = arith.constant 0 : i32
      %dma_start3A_196 = arith.constant 0 : i32
      %dma_start3A_197 = arith.constant 0 : i32
      %dma_start3A_198 = tpu.memref_slice %arg3[%add3A, %dma_start3A_195, %dma_start3A_196, %dma_start3A_197] : memref<32x4x40x64xi32, #tpu.memory_space<hbm>> -> memref<1x4x40x64xi32, #tpu.memory_space<hbm>>
      %dma_start3A_199 = tpu.memref_squeeze %dma_start3A_198 : memref<1x4x40x64xi32, #tpu.memory_space<hbm>> -> memref<4x40x64xi32, #tpu.memory_space<hbm>>
      %dma_start3A_200 = arith.constant 0 : i32
      %dma_start3A_201 = arith.constant 0 : i32
      %dma_start3A_202 = tpu.memref_slice %dma_start3A_199[%run_scoped3A_47, %dma_start3A_200, %dma_start3A_201] : memref<4x40x64xi32, #tpu.memory_space<hbm>> -> memref<1x40x64xi32, #tpu.memory_space<hbm>>
      %dma_start3A_203 = tpu.memref_squeeze %dma_start3A_202 : memref<1x40x64xi32, #tpu.memory_space<hbm>> -> memref<40x64xi32, #tpu.memory_space<hbm>>
      %dma_start3A_204 = arith.constant 0 : i32
      %dma_start3A_205 = arith.constant 0 : i32
      %dma_start3A_206 = arith.constant 0 : i32
      %dma_start3A_207 = tpu.memref_slice %arg3[%add3A, %dma_start3A_204, %dma_start3A_205, %dma_start3A_206] : memref<32x4x40x64xi32, #tpu.memory_space<hbm>> -> memref<1x4x40x64xi32, #tpu.memory_space<hbm>>
      %dma_start3A_208 = tpu.memref_squeeze %dma_start3A_207 : memref<1x4x40x64xi32, #tpu.memory_space<hbm>> -> memref<4x40x64xi32, #tpu.memory_space<hbm>>
      %dma_start3A_209 = arith.constant 0 : i32
      %dma_start3A_210 = arith.constant 0 : i32
      %dma_start3A_211 = tpu.memref_slice %dma_start3A_208[%run_scoped3A_47, %dma_start3A_209, %dma_start3A_210] : memref<4x40x64xi32, #tpu.memory_space<hbm>> -> memref<1x40x64xi32, #tpu.memory_space<hbm>>
      %dma_start3A_212 = tpu.memref_squeeze %dma_start3A_211 : memref<1x40x64xi32, #tpu.memory_space<hbm>> -> memref<40x64xi32, #tpu.memory_space<hbm>>
      tpu.enqueue_dma source(%dma_start3A_212 : memref<40x64xi32, #tpu.memory_space<hbm>>) target(%arg7 : memref<40x64xi32, #tpu.memory_space<vmem>>) target_semaphore(%run_scoped3A_194 : memref<!tpu.dma_semaphore, #tpu.memory_space<semaphore_mem>>)
      %dma_wait3A = arith.constant 0 : i32
      %dma_wait3A_213 = arith.constant 0 : i32
      %dma_wait3A_214 = arith.constant 0 : i32
      %dma_wait3A_215 = tpu.memref_slice %arg3[%add3A, %dma_wait3A, %dma_wait3A_213, %dma_wait3A_214] : memref<32x4x40x64xi32, #tpu.memory_space<hbm>> -> memref<1x4x40x64xi32, #tpu.memory_space<hbm>>
      %dma_wait3A_216 = tpu.memref_squeeze %dma_wait3A_215 : memref<1x4x40x64xi32, #tpu.memory_space<hbm>> -> memref<4x40x64xi32, #tpu.memory_space<hbm>>
      %dma_wait3A_217 = arith.constant 0 : i32
      %dma_wait3A_218 = arith.constant 0 : i32
      %dma_wait3A_219 = tpu.memref_slice %dma_wait3A_216[%run_scoped3A_47, %dma_wait3A_217, %dma_wait3A_218] : memref<4x40x64xi32, #tpu.memory_space<hbm>> -> memref<1x40x64xi32, #tpu.memory_space<hbm>>
      %dma_wait3A_220 = tpu.memref_squeeze %dma_wait3A_219 : memref<1x40x64xi32, #tpu.memory_space<hbm>> -> memref<40x64xi32, #tpu.memory_space<hbm>>
      %dma_wait3A_221 = arith.constant 0 : i32
      %dma_wait3A_222 = arith.constant 0 : i32
      %dma_wait3A_223 = arith.constant 0 : i32
      %dma_wait3A_224 = tpu.memref_slice %arg3[%add3A, %dma_wait3A_221, %dma_wait3A_222, %dma_wait3A_223] : memref<32x4x40x64xi32, #tpu.memory_space<hbm>> -> memref<1x4x40x64xi32, #tpu.memory_space<hbm>>
      %dma_wait3A_225 = tpu.memref_squeeze %dma_wait3A_224 : memref<1x4x40x64xi32, #tpu.memory_space<hbm>> -> memref<4x40x64xi32, #tpu.memory_space<hbm>>
      %dma_wait3A_226 = arith.constant 0 : i32
      %dma_wait3A_227 = arith.constant 0 : i32
      %dma_wait3A_228 = tpu.memref_slice %dma_wait3A_225[%run_scoped3A_47, %dma_wait3A_226, %dma_wait3A_227] : memref<4x40x64xi32, #tpu.memory_space<hbm>> -> memref<1x40x64xi32, #tpu.memory_space<hbm>>
      %dma_wait3A_229 = tpu.memref_squeeze %dma_wait3A_228 : memref<1x40x64xi32, #tpu.memory_space<hbm>> -> memref<40x64xi32, #tpu.memory_space<hbm>>
      tpu.wait_dma2 semaphore(%run_scoped3A_194 : memref<!tpu.dma_semaphore, #tpu.memory_space<semaphore_mem>>) src(%dma_wait3A_229 : memref<40x64xi32, #tpu.memory_space<hbm>>) dst(%arg7 : memref<40x64xi32, #tpu.memory_space<vmem>>)
      tpu.yield
    }) : () -> ()
    %dma_start3A = arith.constant 0 : i32
    %dma_start3A_48 = arith.constant 0 : i32
    %dma_start3A_49 = tpu.memref_slice %arg6[%dma_start3A, %dma_start3A_48] : memref<40x64xi32, #tpu.memory_space<vmem>> -> memref<1x64xi32, #tpu.memory_space<vmem>>
    %dma_start3A_50 = tpu.memref_squeeze %dma_start3A_49 : memref<1x64xi32, #tpu.memory_space<vmem>> -> memref<64xi32, #tpu.memory_space<vmem>>
    %dma_start3A_51 = arith.constant 0 : i32
    %dma_start3A_52 = arith.constant 0 : i32
    %dma_start3A_53 = tpu.memref_slice %arg4[%dma_start3A_51, %dma_start3A_52] : memref<10240x128xf32, #tpu.memory_space<hbm>> -> memref<10240x128xf32, #tpu.memory_space<hbm>>
    tpu.enqueue_indirect_dma source(%dma_start3A_53 : memref<10240x128xf32, #tpu.memory_space<hbm>>) target(%arg8 : memref<64x128xf32, #tpu.memory_space<vmem>>) offsets(%dma_start3A_50 : memref<64xi32, #tpu.memory_space<vmem>>) semaphore(%arg13 : memref<!tpu.dma_semaphore, #tpu.memory_space<semaphore_mem>>)
    %dma_start3A_54 = arith.constant 1 : i32
    %dma_start3A_55 = arith.constant 0 : i32
    %dma_start3A_56 = tpu.memref_slice %arg6[%dma_start3A_54, %dma_start3A_55] : memref<40x64xi32, #tpu.memory_space<vmem>> -> memref<1x64xi32, #tpu.memory_space<vmem>>
    %dma_start3A_57 = tpu.memref_squeeze %dma_start3A_56 : memref<1x64xi32, #tpu.memory_space<vmem>> -> memref<64xi32, #tpu.memory_space<vmem>>
    %dma_start3A_58 = arith.constant 0 : i32
    %dma_start3A_59 = arith.constant 0 : i32
    %dma_start3A_60 = tpu.memref_slice %arg4[%dma_start3A_58, %dma_start3A_59] : memref<10240x128xf32, #tpu.memory_space<hbm>> -> memref<10240x128xf32, #tpu.memory_space<hbm>>
    tpu.enqueue_indirect_dma source(%dma_start3A_60 : memref<10240x128xf32, #tpu.memory_space<hbm>>) target(%arg9 : memref<64x128xf32, #tpu.memory_space<vmem>>) offsets(%dma_start3A_57 : memref<64xi32, #tpu.memory_space<vmem>>) semaphore(%arg14 : memref<!tpu.dma_semaphore, #tpu.memory_space<semaphore_mem>>)
    %dma_start3A_61 = arith.constant 2 : i32
    %dma_start3A_62 = arith.constant 0 : i32
    %dma_start3A_63 = tpu.memref_slice %arg6[%dma_start3A_61, %dma_start3A_62] : memref<40x64xi32, #tpu.memory_space<vmem>> -> memref<1x64xi32, #tpu.memory_space<vmem>>
    %dma_start3A_64 = tpu.memref_squeeze %dma_start3A_63 : memref<1x64xi32, #tpu.memory_space<vmem>> -> memref<64xi32, #tpu.memory_space<vmem>>
    %dma_start3A_65 = arith.constant 0 : i32
    %dma_start3A_66 = arith.constant 0 : i32
    %dma_start3A_67 = tpu.memref_slice %arg4[%dma_start3A_65, %dma_start3A_66] : memref<10240x128xf32, #tpu.memory_space<hbm>> -> memref<10240x128xf32, #tpu.memory_space<hbm>>
    tpu.enqueue_indirect_dma source(%dma_start3A_67 : memref<10240x128xf32, #tpu.memory_space<hbm>>) target(%arg10 : memref<64x128xf32, #tpu.memory_space<vmem>>) offsets(%dma_start3A_64 : memref<64xi32, #tpu.memory_space<vmem>>) semaphore(%arg15 : memref<!tpu.dma_semaphore, #tpu.memory_space<semaphore_mem>>)
    %dma_start3A_68 = arith.constant 3 : i32
    %dma_start3A_69 = arith.constant 0 : i32
    %dma_start3A_70 = tpu.memref_slice %arg6[%dma_start3A_68, %dma_start3A_69] : memref<40x64xi32, #tpu.memory_space<vmem>> -> memref<1x64xi32, #tpu.memory_space<vmem>>
    %dma_start3A_71 = tpu.memref_squeeze %dma_start3A_70 : memref<1x64xi32, #tpu.memory_space<vmem>> -> memref<64xi32, #tpu.memory_space<vmem>>
    %dma_start3A_72 = arith.constant 0 : i32
    %dma_start3A_73 = arith.constant 0 : i32
    %dma_start3A_74 = tpu.memref_slice %arg4[%dma_start3A_72, %dma_start3A_73] : memref<10240x128xf32, #tpu.memory_space<hbm>> -> memref<10240x128xf32, #tpu.memory_space<hbm>>
    tpu.enqueue_indirect_dma source(%dma_start3A_74 : memref<10240x128xf32, #tpu.memory_space<hbm>>) target(%arg11 : memref<64x128xf32, #tpu.memory_space<vmem>>) offsets(%dma_start3A_71 : memref<64xi32, #tpu.memory_space<vmem>>) semaphore(%arg16 : memref<!tpu.dma_semaphore, #tpu.memory_space<semaphore_mem>>)
    %scan3A_75 = arith.constant 0 : i32
    %scan3A_76 = arith.constant 0 : i32
    %scan3A_77 = arith.constant 10 : i32
    %scan3A_78 = arith.addi %scan3A_76, %scan3A_77 : i32
    %scan3A_79 = arith.constant 1 : i32
    scf.for %scan3A_194 = %scan3A_76 to %scan3A_78 step %scan3A_79  : i32 {
      %mul3A_195 = arith.constant 4 : i32
      %mul3A_196 = arith.muli %mul3A_195, %scan3A_194 : i32
      %add3A_197 = arith.constant 0 : i32
      %add3A_198 = arith.addi %mul3A_196, %add3A_197 : i32
      %dma_wait3A = arith.constant 0 : i32
      %dma_wait3A_199 = tpu.memref_slice %arg6[%add3A_198, %dma_wait3A] : memref<40x64xi32, #tpu.memory_space<vmem>> -> memref<1x64xi32, #tpu.memory_space<vmem>>
      %dma_wait3A_200 = tpu.memref_squeeze %dma_wait3A_199 : memref<1x64xi32, #tpu.memory_space<vmem>> -> memref<64xi32, #tpu.memory_space<vmem>>
      %dma_wait3A_201 = arith.constant 0 : i32
      %dma_wait3A_202 = arith.constant 0 : i32
      %dma_wait3A_203 = tpu.memref_slice %arg4[%dma_wait3A_201, %dma_wait3A_202] : memref<10240x128xf32, #tpu.memory_space<hbm>> -> memref<10240x128xf32, #tpu.memory_space<hbm>>
      tpu.wait_indirect_dma semaphore(%arg13 : memref<!tpu.dma_semaphore, #tpu.memory_space<semaphore_mem>>) src(%dma_wait3A_203 : memref<10240x128xf32, #tpu.memory_space<hbm>>) dst(%arg8 : memref<64x128xf32, #tpu.memory_space<vmem>>)
      %dma_start3A_204 = arith.constant 0 : i32
      %dma_start3A_205 = tpu.memref_slice %arg7[%add3A_198, %dma_start3A_204] : memref<40x64xi32, #tpu.memory_space<vmem>> -> memref<1x64xi32, #tpu.memory_space<vmem>>
      %dma_start3A_206 = tpu.memref_squeeze %dma_start3A_205 : memref<1x64xi32, #tpu.memory_space<vmem>> -> memref<64xi32, #tpu.memory_space<vmem>>
      %dma_start3A_207 = arith.constant 0 : i32
      %dma_start3A_208 = arith.constant 0 : i32
      %dma_start3A_209 = tpu.memref_slice %arg12[%dma_start3A_207, %dma_start3A_208] : memref<10240x128xf32, #tpu.memory_space<vmem_shared>> -> memref<10240x128xf32, #tpu.memory_space<vmem_shared>>
      tpu.enqueue_indirect_dma source(%arg8 : memref<64x128xf32, #tpu.memory_space<vmem>>) target(%dma_start3A_209 : memref<10240x128xf32, #tpu.memory_space<vmem_shared>>) offsets(%dma_start3A_206 : memref<64xi32, #tpu.memory_space<vmem>>) semaphore(%arg17 : memref<!tpu.dma_semaphore, #tpu.memory_space<semaphore_mem>>) {add = true}
      %mul3A_210 = arith.constant 4 : i32
      %mul3A_211 = arith.muli %mul3A_210, %scan3A_194 : i32
      %add3A_212 = arith.constant 1 : i32
      %add3A_213 = arith.addi %mul3A_211, %add3A_212 : i32
      %dma_wait3A_214 = arith.constant 0 : i32
      %dma_wait3A_215 = tpu.memref_slice %arg6[%add3A_213, %dma_wait3A_214] : memref<40x64xi32, #tpu.memory_space<vmem>> -> memref<1x64xi32, #tpu.memory_space<vmem>>
      %dma_wait3A_216 = tpu.memref_squeeze %dma_wait3A_215 : memref<1x64xi32, #tpu.memory_space<vmem>> -> memref<64xi32, #tpu.memory_space<vmem>>
      %dma_wait3A_217 = arith.constant 0 : i32
      %dma_wait3A_218 = arith.constant 0 : i32
      %dma_wait3A_219 = tpu.memref_slice %arg4[%dma_wait3A_217, %dma_wait3A_218] : memref<10240x128xf32, #tpu.memory_space<hbm>> -> memref<10240x128xf32, #tpu.memory_space<hbm>>
      tpu.wait_indirect_dma semaphore(%arg14 : memref<!tpu.dma_semaphore, #tpu.memory_space<semaphore_mem>>) src(%dma_wait3A_219 : memref<10240x128xf32, #tpu.memory_space<hbm>>) dst(%arg9 : memref<64x128xf32, #tpu.memory_space<vmem>>)
      %dma_start3A_220 = arith.constant 0 : i32
      %dma_start3A_221 = tpu.memref_slice %arg7[%add3A_213, %dma_start3A_220] : memref<40x64xi32, #tpu.memory_space<vmem>> -> memref<1x64xi32, #tpu.memory_space<vmem>>
      %dma_start3A_222 = tpu.memref_squeeze %dma_start3A_221 : memref<1x64xi32, #tpu.memory_space<vmem>> -> memref<64xi32, #tpu.memory_space<vmem>>
      %dma_start3A_223 = arith.constant 0 : i32
      %dma_start3A_224 = arith.constant 0 : i32
      %dma_start3A_225 = tpu.memref_slice %arg12[%dma_start3A_223, %dma_start3A_224] : memref<10240x128xf32, #tpu.memory_space<vmem_shared>> -> memref<10240x128xf32, #tpu.memory_space<vmem_shared>>
      tpu.enqueue_indirect_dma source(%arg9 : memref<64x128xf32, #tpu.memory_space<vmem>>) target(%dma_start3A_225 : memref<10240x128xf32, #tpu.memory_space<vmem_shared>>) offsets(%dma_start3A_222 : memref<64xi32, #tpu.memory_space<vmem>>) semaphore(%arg18 : memref<!tpu.dma_semaphore, #tpu.memory_space<semaphore_mem>>) {add = true}
      %mul3A_226 = arith.constant 4 : i32
      %mul3A_227 = arith.muli %mul3A_226, %scan3A_194 : i32
      %add3A_228 = arith.constant 2 : i32
      %add3A_229 = arith.addi %mul3A_227, %add3A_228 : i32
      %dma_wait3A_230 = arith.constant 0 : i32
      %dma_wait3A_231 = tpu.memref_slice %arg6[%add3A_229, %dma_wait3A_230] : memref<40x64xi32, #tpu.memory_space<vmem>> -> memref<1x64xi32, #tpu.memory_space<vmem>>
      %dma_wait3A_232 = tpu.memref_squeeze %dma_wait3A_231 : memref<1x64xi32, #tpu.memory_space<vmem>> -> memref<64xi32, #tpu.memory_space<vmem>>
      %dma_wait3A_233 = arith.constant 0 : i32
      %dma_wait3A_234 = arith.constant 0 : i32
      %dma_wait3A_235 = tpu.memref_slice %arg4[%dma_wait3A_233, %dma_wait3A_234] : memref<10240x128xf32, #tpu.memory_space<hbm>> -> memref<10240x128xf32, #tpu.memory_space<hbm>>
      tpu.wait_indirect_dma semaphore(%arg15 : memref<!tpu.dma_semaphore, #tpu.memory_space<semaphore_mem>>) src(%dma_wait3A_235 : memref<10240x128xf32, #tpu.memory_space<hbm>>) dst(%arg10 : memref<64x128xf32, #tpu.memory_space<vmem>>)
      %dma_start3A_236 = arith.constant 0 : i32
      %dma_start3A_237 = tpu.memref_slice %arg7[%add3A_229, %dma_start3A_236] : memref<40x64xi32, #tpu.memory_space<vmem>> -> memref<1x64xi32, #tpu.memory_space<vmem>>
      %dma_start3A_238 = tpu.memref_squeeze %dma_start3A_237 : memref<1x64xi32, #tpu.memory_space<vmem>> -> memref<64xi32, #tpu.memory_space<vmem>>
      %dma_start3A_239 = arith.constant 0 : i32
      %dma_start3A_240 = arith.constant 0 : i32
      %dma_start3A_241 = tpu.memref_slice %arg12[%dma_start3A_239, %dma_start3A_240] : memref<10240x128xf32, #tpu.memory_space<vmem_shared>> -> memref<10240x128xf32, #tpu.memory_space<vmem_shared>>
      tpu.enqueue_indirect_dma source(%arg10 : memref<64x128xf32, #tpu.memory_space<vmem>>) target(%dma_start3A_241 : memref<10240x128xf32, #tpu.memory_space<vmem_shared>>) offsets(%dma_start3A_238 : memref<64xi32, #tpu.memory_space<vmem>>) semaphore(%arg19 : memref<!tpu.dma_semaphore, #tpu.memory_space<semaphore_mem>>) {add = true}
      %mul3A_242 = arith.constant 4 : i32
      %mul3A_243 = arith.muli %mul3A_242, %scan3A_194 : i32
      %add3A_244 = arith.constant 3 : i32
      %add3A_245 = arith.addi %mul3A_243, %add3A_244 : i32
      %dma_wait3A_246 = arith.constant 0 : i32
      %dma_wait3A_247 = tpu.memref_slice %arg6[%add3A_245, %dma_wait3A_246] : memref<40x64xi32, #tpu.memory_space<vmem>> -> memref<1x64xi32, #tpu.memory_space<vmem>>
      %dma_wait3A_248 = tpu.memref_squeeze %dma_wait3A_247 : memref<1x64xi32, #tpu.memory_space<vmem>> -> memref<64xi32, #tpu.memory_space<vmem>>
      %dma_wait3A_249 = arith.constant 0 : i32
      %dma_wait3A_250 = arith.constant 0 : i32
      %dma_wait3A_251 = tpu.memref_slice %arg4[%dma_wait3A_249, %dma_wait3A_250] : memref<10240x128xf32, #tpu.memory_space<hbm>> -> memref<10240x128xf32, #tpu.memory_space<hbm>>
      tpu.wait_indirect_dma semaphore(%arg16 : memref<!tpu.dma_semaphore, #tpu.memory_space<semaphore_mem>>) src(%dma_wait3A_251 : memref<10240x128xf32, #tpu.memory_space<hbm>>) dst(%arg11 : memref<64x128xf32, #tpu.memory_space<vmem>>)
      %dma_start3A_252 = arith.constant 0 : i32
      %dma_start3A_253 = tpu.memref_slice %arg7[%add3A_245, %dma_start3A_252] : memref<40x64xi32, #tpu.memory_space<vmem>> -> memref<1x64xi32, #tpu.memory_space<vmem>>
      %dma_start3A_254 = tpu.memref_squeeze %dma_start3A_253 : memref<1x64xi32, #tpu.memory_space<vmem>> -> memref<64xi32, #tpu.memory_space<vmem>>
      %dma_start3A_255 = arith.constant 0 : i32
      %dma_start3A_256 = arith.constant 0 : i32
      %dma_start3A_257 = tpu.memref_slice %arg12[%dma_start3A_255, %dma_start3A_256] : memref<10240x128xf32, #tpu.memory_space<vmem_shared>> -> memref<10240x128xf32, #tpu.memory_space<vmem_shared>>
      tpu.enqueue_indirect_dma source(%arg11 : memref<64x128xf32, #tpu.memory_space<vmem>>) target(%dma_start3A_257 : memref<10240x128xf32, #tpu.memory_space<vmem_shared>>) offsets(%dma_start3A_254 : memref<64xi32, #tpu.memory_space<vmem>>) semaphore(%arg20 : memref<!tpu.dma_semaphore, #tpu.memory_space<semaphore_mem>>) {add = true}
      %mul3A_258 = arith.constant 4 : i32
      %mul3A_259 = arith.muli %mul3A_258, %scan3A_194 : i32
      %add3A_260 = arith.constant 0 : i32
      %add3A_261 = arith.addi %mul3A_259, %add3A_260 : i32
      %dma_wait3A_262 = arith.constant 0 : i32
      %dma_wait3A_263 = tpu.memref_slice %arg7[%add3A_261, %dma_wait3A_262] : memref<40x64xi32, #tpu.memory_space<vmem>> -> memref<1x64xi32, #tpu.memory_space<vmem>>
      %dma_wait3A_264 = tpu.memref_squeeze %dma_wait3A_263 : memref<1x64xi32, #tpu.memory_space<vmem>> -> memref<64xi32, #tpu.memory_space<vmem>>
      %dma_wait3A_265 = arith.constant 0 : i32
      %dma_wait3A_266 = arith.constant 0 : i32
      %dma_wait3A_267 = tpu.memref_slice %arg12[%dma_wait3A_265, %dma_wait3A_266] : memref<10240x128xf32, #tpu.memory_space<vmem_shared>> -> memref<10240x128xf32, #tpu.memory_space<vmem_shared>>
      tpu.wait_indirect_dma semaphore(%arg17 : memref<!tpu.dma_semaphore, #tpu.memory_space<semaphore_mem>>) src(%arg8 : memref<64x128xf32, #tpu.memory_space<vmem>>) dst(%dma_wait3A_267 : memref<10240x128xf32, #tpu.memory_space<vmem_shared>>)
      %lt3A = arith.constant 9 : i32
      %lt3A_268 = arith.cmpi slt, %scan3A_194, %lt3A : i32
      %convert_element_type3A = arith.extui %lt3A_268 : i1 to i32
      %cond3A = arith.constant 0 : i32
      %cond3A_269 = arith.cmpi ne, %convert_element_type3A, %cond3A : i32
      scf.if %cond3A_269 {
        %add3A_315 = arith.constant 4 : i32
        %add3A_316 = arith.addi %add3A_261, %add3A_315 : i32
        %dma_start3A_317 = arith.constant 0 : i32
        %dma_start3A_318 = tpu.memref_slice %arg6[%add3A_316, %dma_start3A_317] : memref<40x64xi32, #tpu.memory_space<vmem>> -> memref<1x64xi32, #tpu.memory_space<vmem>>
        %dma_start3A_319 = tpu.memref_squeeze %dma_start3A_318 : memref<1x64xi32, #tpu.memory_space<vmem>> -> memref<64xi32, #tpu.memory_space<vmem>>
        %dma_start3A_320 = arith.constant 0 : i32
        %dma_start3A_321 = arith.constant 0 : i32
        %dma_start3A_322 = tpu.memref_slice %arg4[%dma_start3A_320, %dma_start3A_321] : memref<10240x128xf32, #tpu.memory_space<hbm>> -> memref<10240x128xf32, #tpu.memory_space<hbm>>
        tpu.enqueue_indirect_dma source(%dma_start3A_322 : memref<10240x128xf32, #tpu.memory_space<hbm>>) target(%arg8 : memref<64x128xf32, #tpu.memory_space<vmem>>) offsets(%dma_start3A_319 : memref<64xi32, #tpu.memory_space<vmem>>) semaphore(%arg13 : memref<!tpu.dma_semaphore, #tpu.memory_space<semaphore_mem>>)
      } else {
      }
      %mul3A_270 = arith.constant 4 : i32
      %mul3A_271 = arith.muli %mul3A_270, %scan3A_194 : i32
      %add3A_272 = arith.constant 1 : i32
      %add3A_273 = arith.addi %mul3A_271, %add3A_272 : i32
      %dma_wait3A_274 = arith.constant 0 : i32
      %dma_wait3A_275 = tpu.memref_slice %arg7[%add3A_273, %dma_wait3A_274] : memref<40x64xi32, #tpu.memory_space<vmem>> -> memref<1x64xi32, #tpu.memory_space<vmem>>
      %dma_wait3A_276 = tpu.memref_squeeze %dma_wait3A_275 : memref<1x64xi32, #tpu.memory_space<vmem>> -> memref<64xi32, #tpu.memory_space<vmem>>
      %dma_wait3A_277 = arith.constant 0 : i32
      %dma_wait3A_278 = arith.constant 0 : i32
      %dma_wait3A_279 = tpu.memref_slice %arg12[%dma_wait3A_277, %dma_wait3A_278] : memref<10240x128xf32, #tpu.memory_space<vmem_shared>> -> memref<10240x128xf32, #tpu.memory_space<vmem_shared>>
      tpu.wait_indirect_dma semaphore(%arg18 : memref<!tpu.dma_semaphore, #tpu.memory_space<semaphore_mem>>) src(%arg9 : memref<64x128xf32, #tpu.memory_space<vmem>>) dst(%dma_wait3A_279 : memref<10240x128xf32, #tpu.memory_space<vmem_shared>>)
      %lt3A_280 = arith.constant 9 : i32
      %lt3A_281 = arith.cmpi slt, %scan3A_194, %lt3A_280 : i32
      %convert_element_type3A_282 = arith.extui %lt3A_281 : i1 to i32
      %cond3A_283 = arith.constant 0 : i32
      %cond3A_284 = arith.cmpi ne, %convert_element_type3A_282, %cond3A_283 : i32
      scf.if %cond3A_284 {
        %add3A_315 = arith.constant 4 : i32
        %add3A_316 = arith.addi %add3A_273, %add3A_315 : i32
        %dma_start3A_317 = arith.constant 0 : i32
        %dma_start3A_318 = tpu.memref_slice %arg6[%add3A_316, %dma_start3A_317] : memref<40x64xi32, #tpu.memory_space<vmem>> -> memref<1x64xi32, #tpu.memory_space<vmem>>
        %dma_start3A_319 = tpu.memref_squeeze %dma_start3A_318 : memref<1x64xi32, #tpu.memory_space<vmem>> -> memref<64xi32, #tpu.memory_space<vmem>>
        %dma_start3A_320 = arith.constant 0 : i32
        %dma_start3A_321 = arith.constant 0 : i32
        %dma_start3A_322 = tpu.memref_slice %arg4[%dma_start3A_320, %dma_start3A_321] : memref<10240x128xf32, #tpu.memory_space<hbm>> -> memref<10240x128xf32, #tpu.memory_space<hbm>>
        tpu.enqueue_indirect_dma source(%dma_start3A_322 : memref<10240x128xf32, #tpu.memory_space<hbm>>) target(%arg9 : memref<64x128xf32, #tpu.memory_space<vmem>>) offsets(%dma_start3A_319 : memref<64xi32, #tpu.memory_space<vmem>>) semaphore(%arg14 : memref<!tpu.dma_semaphore, #tpu.memory_space<semaphore_mem>>)
      } else {
      }
      %mul3A_285 = arith.constant 4 : i32
      %mul3A_286 = arith.muli %mul3A_285, %scan3A_194 : i32
      %add3A_287 = arith.constant 2 : i32
      %add3A_288 = arith.addi %mul3A_286, %add3A_287 : i32
      %dma_wait3A_289 = arith.constant 0 : i32
      %dma_wait3A_290 = tpu.memref_slice %arg7[%add3A_288, %dma_wait3A_289] : memref<40x64xi32, #tpu.memory_space<vmem>> -> memref<1x64xi32, #tpu.memory_space<vmem>>
      %dma_wait3A_291 = tpu.memref_squeeze %dma_wait3A_290 : memref<1x64xi32, #tpu.memory_space<vmem>> -> memref<64xi32, #tpu.memory_space<vmem>>
      %dma_wait3A_292 = arith.constant 0 : i32
      %dma_wait3A_293 = arith.constant 0 : i32
      %dma_wait3A_294 = tpu.memref_slice %arg12[%dma_wait3A_292, %dma_wait3A_293] : memref<10240x128xf32, #tpu.memory_space<vmem_shared>> -> memref<10240x128xf32, #tpu.memory_space<vmem_shared>>
      tpu.wait_indirect_dma semaphore(%arg19 : memref<!tpu.dma_semaphore, #tpu.memory_space<semaphore_mem>>) src(%arg10 : memref<64x128xf32, #tpu.memory_space<vmem>>) dst(%dma_wait3A_294 : memref<10240x128xf32, #tpu.memory_space<vmem_shared>>)
      %lt3A_295 = arith.constant 9 : i32
      %lt3A_296 = arith.cmpi slt, %scan3A_194, %lt3A_295 : i32
      %convert_element_type3A_297 = arith.extui %lt3A_296 : i1 to i32
      %cond3A_298 = arith.constant 0 : i32
      %cond3A_299 = arith.cmpi ne, %convert_element_type3A_297, %cond3A_298 : i32
      scf.if %cond3A_299 {
        %add3A_315 = arith.constant 4 : i32
        %add3A_316 = arith.addi %add3A_288, %add3A_315 : i32
        %dma_start3A_317 = arith.constant 0 : i32
        %dma_start3A_318 = tpu.memref_slice %arg6[%add3A_316, %dma_start3A_317] : memref<40x64xi32, #tpu.memory_space<vmem>> -> memref<1x64xi32, #tpu.memory_space<vmem>>
        %dma_start3A_319 = tpu.memref_squeeze %dma_start3A_318 : memref<1x64xi32, #tpu.memory_space<vmem>> -> memref<64xi32, #tpu.memory_space<vmem>>
        %dma_start3A_320 = arith.constant 0 : i32
        %dma_start3A_321 = arith.constant 0 : i32
        %dma_start3A_322 = tpu.memref_slice %arg4[%dma_start3A_320, %dma_start3A_321] : memref<10240x128xf32, #tpu.memory_space<hbm>> -> memref<10240x128xf32, #tpu.memory_space<hbm>>
        tpu.enqueue_indirect_dma source(%dma_start3A_322 : memref<10240x128xf32, #tpu.memory_space<hbm>>) target(%arg10 : memref<64x128xf32, #tpu.memory_space<vmem>>) offsets(%dma_start3A_319 : memref<64xi32, #tpu.memory_space<vmem>>) semaphore(%arg15 : memref<!tpu.dma_semaphore, #tpu.memory_space<semaphore_mem>>)
      } else {
      }
      %mul3A_300 = arith.constant 4 : i32
      %mul3A_301 = arith.muli %mul3A_300, %scan3A_194 : i32
      %add3A_302 = arith.constant 3 : i32
      %add3A_303 = arith.addi %mul3A_301, %add3A_302 : i32
      %dma_wait3A_304 = arith.constant 0 : i32
      %dma_wait3A_305 = tpu.memref_slice %arg7[%add3A_303, %dma_wait3A_304] : memref<40x64xi32, #tpu.memory_space<vmem>> -> memref<1x64xi32, #tpu.memory_space<vmem>>
      %dma_wait3A_306 = tpu.memref_squeeze %dma_wait3A_305 : memref<1x64xi32, #tpu.memory_space<vmem>> -> memref<64xi32, #tpu.memory_space<vmem>>
      %dma_wait3A_307 = arith.constant 0 : i32
      %dma_wait3A_308 = arith.constant 0 : i32
      %dma_wait3A_309 = tpu.memref_slice %arg12[%dma_wait3A_307, %dma_wait3A_308] : memref<10240x128xf32, #tpu.memory_space<vmem_shared>> -> memref<10240x128xf32, #tpu.memory_space<vmem_shared>>
      tpu.wait_indirect_dma semaphore(%arg20 : memref<!tpu.dma_semaphore, #tpu.memory_space<semaphore_mem>>) src(%arg11 : memref<64x128xf32, #tpu.memory_space<vmem>>) dst(%dma_wait3A_309 : memref<10240x128xf32, #tpu.memory_space<vmem_shared>>)
      %lt3A_310 = arith.constant 9 : i32
      %lt3A_311 = arith.cmpi slt, %scan3A_194, %lt3A_310 : i32
      %convert_element_type3A_312 = arith.extui %lt3A_311 : i1 to i32
      %cond3A_313 = arith.constant 0 : i32
      %cond3A_314 = arith.cmpi ne, %convert_element_type3A_312, %cond3A_313 : i32
      scf.if %cond3A_314 {
        %add3A_315 = arith.constant 4 : i32
        %add3A_316 = arith.addi %add3A_303, %add3A_315 : i32
        %dma_start3A_317 = arith.constant 0 : i32
        %dma_start3A_318 = tpu.memref_slice %arg6[%add3A_316, %dma_start3A_317] : memref<40x64xi32, #tpu.memory_space<vmem>> -> memref<1x64xi32, #tpu.memory_space<vmem>>
        %dma_start3A_319 = tpu.memref_squeeze %dma_start3A_318 : memref<1x64xi32, #tpu.memory_space<vmem>> -> memref<64xi32, #tpu.memory_space<vmem>>
        %dma_start3A_320 = arith.constant 0 : i32
        %dma_start3A_321 = arith.constant 0 : i32
        %dma_start3A_322 = tpu.memref_slice %arg4[%dma_start3A_320, %dma_start3A_321] : memref<10240x128xf32, #tpu.memory_space<hbm>> -> memref<10240x128xf32, #tpu.memory_space<hbm>>
        tpu.enqueue_indirect_dma source(%dma_start3A_322 : memref<10240x128xf32, #tpu.memory_space<hbm>>) target(%arg11 : memref<64x128xf32, #tpu.memory_space<vmem>>) offsets(%dma_start3A_319 : memref<64xi32, #tpu.memory_space<vmem>>) semaphore(%arg16 : memref<!tpu.dma_semaphore, #tpu.memory_space<semaphore_mem>>)
      } else {
      }
    }
    %scan3A_80 = arith.constant 10 : i32
    %run_scoped3A_81 = arith.constant 1 : i32
    "tpu.region"() ({
      %run_scoped3A_194 = tpu.sem_alloc : memref<!tpu.dma_semaphore, #tpu.memory_space<semaphore_mem>>
      %dma_start3A_195 = arith.constant 0 : i32
      %dma_start3A_196 = arith.constant 0 : i32
      %dma_start3A_197 = arith.constant 0 : i32
      %dma_start3A_198 = tpu.memref_slice %arg2[%add3A, %dma_start3A_195, %dma_start3A_196, %dma_start3A_197] : memref<32x4x40x64xi32, #tpu.memory_space<hbm>> -> memref<1x4x40x64xi32, #tpu.memory_space<hbm>>
      %dma_start3A_199 = tpu.memref_squeeze %dma_start3A_198 : memref<1x4x40x64xi32, #tpu.memory_space<hbm>> -> memref<4x40x64xi32, #tpu.memory_space<hbm>>
      %dma_start3A_200 = arith.constant 0 : i32
      %dma_start3A_201 = arith.constant 0 : i32
      %dma_start3A_202 = tpu.memref_slice %dma_start3A_199[%run_scoped3A_81, %dma_start3A_200, %dma_start3A_201] : memref<4x40x64xi32, #tpu.memory_space<hbm>> -> memref<1x40x64xi32, #tpu.memory_space<hbm>>
      %dma_start3A_203 = tpu.memref_squeeze %dma_start3A_202 : memref<1x40x64xi32, #tpu.memory_space<hbm>> -> memref<40x64xi32, #tpu.memory_space<hbm>>
      %dma_start3A_204 = arith.constant 0 : i32
      %dma_start3A_205 = arith.constant 0 : i32
      %dma_start3A_206 = arith.constant 0 : i32
      %dma_start3A_207 = tpu.memref_slice %arg2[%add3A, %dma_start3A_204, %dma_start3A_205, %dma_start3A_206] : memref<32x4x40x64xi32, #tpu.memory_space<hbm>> -> memref<1x4x40x64xi32, #tpu.memory_space<hbm>>
      %dma_start3A_208 = tpu.memref_squeeze %dma_start3A_207 : memref<1x4x40x64xi32, #tpu.memory_space<hbm>> -> memref<4x40x64xi32, #tpu.memory_space<hbm>>
      %dma_start3A_209 = arith.constant 0 : i32
      %dma_start3A_210 = arith.constant 0 : i32
      %dma_start3A_211 = tpu.memref_slice %dma_start3A_208[%run_scoped3A_81, %dma_start3A_209, %dma_start3A_210] : memref<4x40x64xi32, #tpu.memory_space<hbm>> -> memref<1x40x64xi32, #tpu.memory_space<hbm>>
      %dma_start3A_212 = tpu.memref_squeeze %dma_start3A_211 : memref<1x40x64xi32, #tpu.memory_space<hbm>> -> memref<40x64xi32, #tpu.memory_space<hbm>>
      tpu.enqueue_dma source(%dma_start3A_212 : memref<40x64xi32, #tpu.memory_space<hbm>>) target(%arg6 : memref<40x64xi32, #tpu.memory_space<vmem>>) target_semaphore(%run_scoped3A_194 : memref<!tpu.dma_semaphore, #tpu.memory_space<semaphore_mem>>)
      %dma_wait3A = arith.constant 0 : i32
      %dma_wait3A_213 = arith.constant 0 : i32
      %dma_wait3A_214 = arith.constant 0 : i32
      %dma_wait3A_215 = tpu.memref_slice %arg2[%add3A, %dma_wait3A, %dma_wait3A_213, %dma_wait3A_214] : memref<32x4x40x64xi32, #tpu.memory_space<hbm>> -> memref<1x4x40x64xi32, #tpu.memory_space<hbm>>
      %dma_wait3A_216 = tpu.memref_squeeze %dma_wait3A_215 : memref<1x4x40x64xi32, #tpu.memory_space<hbm>> -> memref<4x40x64xi32, #tpu.memory_space<hbm>>
      %dma_wait3A_217 = arith.constant 0 : i32
      %dma_wait3A_218 = arith.constant 0 : i32
      %dma_wait3A_219 = tpu.memref_slice %dma_wait3A_216[%run_scoped3A_81, %dma_wait3A_217, %dma_wait3A_218] : memref<4x40x64xi32, #tpu.memory_space<hbm>> -> memref<1x40x64xi32, #tpu.memory_space<hbm>>
      %dma_wait3A_220 = tpu.memref_squeeze %dma_wait3A_219 : memref<1x40x64xi32, #tpu.memory_space<hbm>> -> memref<40x64xi32, #tpu.memory_space<hbm>>
      %dma_wait3A_221 = arith.constant 0 : i32
      %dma_wait3A_222 = arith.constant 0 : i32
      %dma_wait3A_223 = arith.constant 0 : i32
      %dma_wait3A_224 = tpu.memref_slice %arg2[%add3A, %dma_wait3A_221, %dma_wait3A_222, %dma_wait3A_223] : memref<32x4x40x64xi32, #tpu.memory_space<hbm>> -> memref<1x4x40x64xi32, #tpu.memory_space<hbm>>
      %dma_wait3A_225 = tpu.memref_squeeze %dma_wait3A_224 : memref<1x4x40x64xi32, #tpu.memory_space<hbm>> -> memref<4x40x64xi32, #tpu.memory_space<hbm>>
      %dma_wait3A_226 = arith.constant 0 : i32
      %dma_wait3A_227 = arith.constant 0 : i32
      %dma_wait3A_228 = tpu.memref_slice %dma_wait3A_225[%run_scoped3A_81, %dma_wait3A_226, %dma_wait3A_227] : memref<4x40x64xi32, #tpu.memory_space<hbm>> -> memref<1x40x64xi32, #tpu.memory_space<hbm>>
      %dma_wait3A_229 = tpu.memref_squeeze %dma_wait3A_228 : memref<1x40x64xi32, #tpu.memory_space<hbm>> -> memref<40x64xi32, #tpu.memory_space<hbm>>
      tpu.wait_dma2 semaphore(%run_scoped3A_194 : memref<!tpu.dma_semaphore, #tpu.memory_space<semaphore_mem>>) src(%dma_wait3A_229 : memref<40x64xi32, #tpu.memory_space<hbm>>) dst(%arg6 : memref<40x64xi32, #tpu.memory_space<vmem>>)
      tpu.yield
    }) : () -> ()
    %run_scoped3A_82 = arith.constant 1 : i32
    "tpu.region"() ({
      %run_scoped3A_194 = tpu.sem_alloc : memref<!tpu.dma_semaphore, #tpu.memory_space<semaphore_mem>>
      %dma_start3A_195 = arith.constant 0 : i32
      %dma_start3A_196 = arith.constant 0 : i32
      %dma_start3A_197 = arith.constant 0 : i32
      %dma_start3A_198 = tpu.memref_slice %arg3[%add3A, %dma_start3A_195, %dma_start3A_196, %dma_start3A_197] : memref<32x4x40x64xi32, #tpu.memory_space<hbm>> -> memref<1x4x40x64xi32, #tpu.memory_space<hbm>>
      %dma_start3A_199 = tpu.memref_squeeze %dma_start3A_198 : memref<1x4x40x64xi32, #tpu.memory_space<hbm>> -> memref<4x40x64xi32, #tpu.memory_space<hbm>>
      %dma_start3A_200 = arith.constant 0 : i32
      %dma_start3A_201 = arith.constant 0 : i32
      %dma_start3A_202 = tpu.memref_slice %dma_start3A_199[%run_scoped3A_82, %dma_start3A_200, %dma_start3A_201] : memref<4x40x64xi32, #tpu.memory_space<hbm>> -> memref<1x40x64xi32, #tpu.memory_space<hbm>>
      %dma_start3A_203 = tpu.memref_squeeze %dma_start3A_202 : memref<1x40x64xi32, #tpu.memory_space<hbm>> -> memref<40x64xi32, #tpu.memory_space<hbm>>
      %dma_start3A_204 = arith.constant 0 : i32
      %dma_start3A_205 = arith.constant 0 : i32
      %dma_start3A_206 = arith.constant 0 : i32
      %dma_start3A_207 = tpu.memref_slice %arg3[%add3A, %dma_start3A_204, %dma_start3A_205, %dma_start3A_206] : memref<32x4x40x64xi32, #tpu.memory_space<hbm>> -> memref<1x4x40x64xi32, #tpu.memory_space<hbm>>
      %dma_start3A_208 = tpu.memref_squeeze %dma_start3A_207 : memref<1x4x40x64xi32, #tpu.memory_space<hbm>> -> memref<4x40x64xi32, #tpu.memory_space<hbm>>
      %dma_start3A_209 = arith.constant 0 : i32
      %dma_start3A_210 = arith.constant 0 : i32
      %dma_start3A_211 = tpu.memref_slice %dma_start3A_208[%run_scoped3A_82, %dma_start3A_209, %dma_start3A_210] : memref<4x40x64xi32, #tpu.memory_space<hbm>> -> memref<1x40x64xi32, #tpu.memory_space<hbm>>
      %dma_start3A_212 = tpu.memref_squeeze %dma_start3A_211 : memref<1x40x64xi32, #tpu.memory_space<hbm>> -> memref<40x64xi32, #tpu.memory_space<hbm>>
      tpu.enqueue_dma source(%dma_start3A_212 : memref<40x64xi32, #tpu.memory_space<hbm>>) target(%arg7 : memref<40x64xi32, #tpu.memory_space<vmem>>) target_semaphore(%run_scoped3A_194 : memref<!tpu.dma_semaphore, #tpu.memory_space<semaphore_mem>>)
      %dma_wait3A = arith.constant 0 : i32
      %dma_wait3A_213 = arith.constant 0 : i32
      %dma_wait3A_214 = arith.constant 0 : i32
      %dma_wait3A_215 = tpu.memref_slice %arg3[%add3A, %dma_wait3A, %dma_wait3A_213, %dma_wait3A_214] : memref<32x4x40x64xi32, #tpu.memory_space<hbm>> -> memref<1x4x40x64xi32, #tpu.memory_space<hbm>>
      %dma_wait3A_216 = tpu.memref_squeeze %dma_wait3A_215 : memref<1x4x40x64xi32, #tpu.memory_space<hbm>> -> memref<4x40x64xi32, #tpu.memory_space<hbm>>
      %dma_wait3A_217 = arith.constant 0 : i32
      %dma_wait3A_218 = arith.constant 0 : i32
      %dma_wait3A_219 = tpu.memref_slice %dma_wait3A_216[%run_scoped3A_82, %dma_wait3A_217, %dma_wait3A_218] : memref<4x40x64xi32, #tpu.memory_space<hbm>> -> memref<1x40x64xi32, #tpu.memory_space<hbm>>
      %dma_wait3A_220 = tpu.memref_squeeze %dma_wait3A_219 : memref<1x40x64xi32, #tpu.memory_space<hbm>> -> memref<40x64xi32, #tpu.memory_space<hbm>>
      %dma_wait3A_221 = arith.constant 0 : i32
      %dma_wait3A_222 = arith.constant 0 : i32
      %dma_wait3A_223 = arith.constant 0 : i32
      %dma_wait3A_224 = tpu.memref_slice %arg3[%add3A, %dma_wait3A_221, %dma_wait3A_222, %dma_wait3A_223] : memref<32x4x40x64xi32, #tpu.memory_space<hbm>> -> memref<1x4x40x64xi32, #tpu.memory_space<hbm>>
      %dma_wait3A_225 = tpu.memref_squeeze %dma_wait3A_224 : memref<1x4x40x64xi32, #tpu.memory_space<hbm>> -> memref<4x40x64xi32, #tpu.memory_space<hbm>>
      %dma_wait3A_226 = arith.constant 0 : i32
      %dma_wait3A_227 = arith.constant 0 : i32
      %dma_wait3A_228 = tpu.memref_slice %dma_wait3A_225[%run_scoped3A_82, %dma_wait3A_226, %dma_wait3A_227] : memref<4x40x64xi32, #tpu.memory_space<hbm>> -> memref<1x40x64xi32, #tpu.memory_space<hbm>>
      %dma_wait3A_229 = tpu.memref_squeeze %dma_wait3A_228 : memref<1x40x64xi32, #tpu.memory_space<hbm>> -> memref<40x64xi32, #tpu.memory_space<hbm>>
      tpu.wait_dma2 semaphore(%run_scoped3A_194 : memref<!tpu.dma_semaphore, #tpu.memory_space<semaphore_mem>>) src(%dma_wait3A_229 : memref<40x64xi32, #tpu.memory_space<hbm>>) dst(%arg7 : memref<40x64xi32, #tpu.memory_space<vmem>>)
      tpu.yield
    }) : () -> ()
    %dma_start3A_83 = arith.constant 0 : i32
    %dma_start3A_84 = arith.constant 0 : i32
    %dma_start3A_85 = tpu.memref_slice %arg6[%dma_start3A_83, %dma_start3A_84] : memref<40x64xi32, #tpu.memory_space<vmem>> -> memref<1x64xi32, #tpu.memory_space<vmem>>
    %dma_start3A_86 = tpu.memref_squeeze %dma_start3A_85 : memref<1x64xi32, #tpu.memory_space<vmem>> -> memref<64xi32, #tpu.memory_space<vmem>>
    %dma_start3A_87 = arith.constant 0 : i32
    %dma_start3A_88 = arith.constant 0 : i32
    %dma_start3A_89 = tpu.memref_slice %arg4[%dma_start3A_87, %dma_start3A_88] : memref<10240x128xf32, #tpu.memory_space<hbm>> -> memref<10240x128xf32, #tpu.memory_space<hbm>>
    tpu.enqueue_indirect_dma source(%dma_start3A_89 : memref<10240x128xf32, #tpu.memory_space<hbm>>) target(%arg8 : memref<64x128xf32, #tpu.memory_space<vmem>>) offsets(%dma_start3A_86 : memref<64xi32, #tpu.memory_space<vmem>>) semaphore(%arg13 : memref<!tpu.dma_semaphore, #tpu.memory_space<semaphore_mem>>)
    %dma_start3A_90 = arith.constant 1 : i32
    %dma_start3A_91 = arith.constant 0 : i32
    %dma_start3A_92 = tpu.memref_slice %arg6[%dma_start3A_90, %dma_start3A_91] : memref<40x64xi32, #tpu.memory_space<vmem>> -> memref<1x64xi32, #tpu.memory_space<vmem>>
    %dma_start3A_93 = tpu.memref_squeeze %dma_start3A_92 : memref<1x64xi32, #tpu.memory_space<vmem>> -> memref<64xi32, #tpu.memory_space<vmem>>
    %dma_start3A_94 = arith.constant 0 : i32
    %dma_start3A_95 = arith.constant 0 : i32
    %dma_start3A_96 = tpu.memref_slice %arg4[%dma_start3A_94, %dma_start3A_95] : memref<10240x128xf32, #tpu.memory_space<hbm>> -> memref<10240x128xf32, #tpu.memory_space<hbm>>
    tpu.enqueue_indirect_dma source(%dma_start3A_96 : memref<10240x128xf32, #tpu.memory_space<hbm>>) target(%arg9 : memref<64x128xf32, #tpu.memory_space<vmem>>) offsets(%dma_start3A_93 : memref<64xi32, #tpu.memory_space<vmem>>) semaphore(%arg14 : memref<!tpu.dma_semaphore, #tpu.memory_space<semaphore_mem>>)
    %dma_start3A_97 = arith.constant 2 : i32
    %dma_start3A_98 = arith.constant 0 : i32
    %dma_start3A_99 = tpu.memref_slice %arg6[%dma_start3A_97, %dma_start3A_98] : memref<40x64xi32, #tpu.memory_space<vmem>> -> memref<1x64xi32, #tpu.memory_space<vmem>>
    %dma_start3A_100 = tpu.memref_squeeze %dma_start3A_99 : memref<1x64xi32, #tpu.memory_space<vmem>> -> memref<64xi32, #tpu.memory_space<vmem>>
    %dma_start3A_101 = arith.constant 0 : i32
    %dma_start3A_102 = arith.constant 0 : i32
    %dma_start3A_103 = tpu.memref_slice %arg4[%dma_start3A_101, %dma_start3A_102] : memref<10240x128xf32, #tpu.memory_space<hbm>> -> memref<10240x128xf32, #tpu.memory_space<hbm>>
    tpu.enqueue_indirect_dma source(%dma_start3A_103 : memref<10240x128xf32, #tpu.memory_space<hbm>>) target(%arg10 : memref<64x128xf32, #tpu.memory_space<vmem>>) offsets(%dma_start3A_100 : memref<64xi32, #tpu.memory_space<vmem>>) semaphore(%arg15 : memref<!tpu.dma_semaphore, #tpu.memory_space<semaphore_mem>>)
    %dma_start3A_104 = arith.constant 3 : i32
    %dma_start3A_105 = arith.constant 0 : i32
    %dma_start3A_106 = tpu.memref_slice %arg6[%dma_start3A_104, %dma_start3A_105] : memref<40x64xi32, #tpu.memory_space<vmem>> -> memref<1x64xi32, #tpu.memory_space<vmem>>
    %dma_start3A_107 = tpu.memref_squeeze %dma_start3A_106 : memref<1x64xi32, #tpu.memory_space<vmem>> -> memref<64xi32, #tpu.memory_space<vmem>>
    %dma_start3A_108 = arith.constant 0 : i32
    %dma_start3A_109 = arith.constant 0 : i32
    %dma_start3A_110 = tpu.memref_slice %arg4[%dma_start3A_108, %dma_start3A_109] : memref<10240x128xf32, #tpu.memory_space<hbm>> -> memref<10240x128xf32, #tpu.memory_space<hbm>>
    tpu.enqueue_indirect_dma source(%dma_start3A_110 : memref<10240x128xf32, #tpu.memory_space<hbm>>) target(%arg11 : memref<64x128xf32, #tpu.memory_space<vmem>>) offsets(%dma_start3A_107 : memref<64xi32, #tpu.memory_space<vmem>>) semaphore(%arg16 : memref<!tpu.dma_semaphore, #tpu.memory_space<semaphore_mem>>)
    %scan3A_111 = arith.constant 0 : i32
    %scan3A_112 = arith.constant 0 : i32
    %scan3A_113 = arith.constant 10 : i32
    %scan3A_114 = arith.addi %scan3A_112, %scan3A_113 : i32
    %scan3A_115 = arith.constant 1 : i32
    scf.for %scan3A_194 = %scan3A_112 to %scan3A_114 step %scan3A_115  : i32 {
      %mul3A_195 = arith.constant 4 : i32
      %mul3A_196 = arith.muli %mul3A_195, %scan3A_194 : i32
      %add3A_197 = arith.constant 0 : i32
      %add3A_198 = arith.addi %mul3A_196, %add3A_197 : i32
      %dma_wait3A = arith.constant 0 : i32
      %dma_wait3A_199 = tpu.memref_slice %arg6[%add3A_198, %dma_wait3A] : memref<40x64xi32, #tpu.memory_space<vmem>> -> memref<1x64xi32, #tpu.memory_space<vmem>>
      %dma_wait3A_200 = tpu.memref_squeeze %dma_wait3A_199 : memref<1x64xi32, #tpu.memory_space<vmem>> -> memref<64xi32, #tpu.memory_space<vmem>>
      %dma_wait3A_201 = arith.constant 0 : i32
      %dma_wait3A_202 = arith.constant 0 : i32
      %dma_wait3A_203 = tpu.memref_slice %arg4[%dma_wait3A_201, %dma_wait3A_202] : memref<10240x128xf32, #tpu.memory_space<hbm>> -> memref<10240x128xf32, #tpu.memory_space<hbm>>
      tpu.wait_indirect_dma semaphore(%arg13 : memref<!tpu.dma_semaphore, #tpu.memory_space<semaphore_mem>>) src(%dma_wait3A_203 : memref<10240x128xf32, #tpu.memory_space<hbm>>) dst(%arg8 : memref<64x128xf32, #tpu.memory_space<vmem>>)
      %dma_start3A_204 = arith.constant 0 : i32
      %dma_start3A_205 = tpu.memref_slice %arg7[%add3A_198, %dma_start3A_204] : memref<40x64xi32, #tpu.memory_space<vmem>> -> memref<1x64xi32, #tpu.memory_space<vmem>>
      %dma_start3A_206 = tpu.memref_squeeze %dma_start3A_205 : memref<1x64xi32, #tpu.memory_space<vmem>> -> memref<64xi32, #tpu.memory_space<vmem>>
      %dma_start3A_207 = arith.constant 0 : i32
      %dma_start3A_208 = arith.constant 0 : i32
      %dma_start3A_209 = tpu.memref_slice %arg12[%dma_start3A_207, %dma_start3A_208] : memref<10240x128xf32, #tpu.memory_space<vmem_shared>> -> memref<10240x128xf32, #tpu.memory_space<vmem_shared>>
      tpu.enqueue_indirect_dma source(%arg8 : memref<64x128xf32, #tpu.memory_space<vmem>>) target(%dma_start3A_209 : memref<10240x128xf32, #tpu.memory_space<vmem_shared>>) offsets(%dma_start3A_206 : memref<64xi32, #tpu.memory_space<vmem>>) semaphore(%arg17 : memref<!tpu.dma_semaphore, #tpu.memory_space<semaphore_mem>>) {add = true}
      %mul3A_210 = arith.constant 4 : i32
      %mul3A_211 = arith.muli %mul3A_210, %scan3A_194 : i32
      %add3A_212 = arith.constant 1 : i32
      %add3A_213 = arith.addi %mul3A_211, %add3A_212 : i32
      %dma_wait3A_214 = arith.constant 0 : i32
      %dma_wait3A_215 = tpu.memref_slice %arg6[%add3A_213, %dma_wait3A_214] : memref<40x64xi32, #tpu.memory_space<vmem>> -> memref<1x64xi32, #tpu.memory_space<vmem>>
      %dma_wait3A_216 = tpu.memref_squeeze %dma_wait3A_215 : memref<1x64xi32, #tpu.memory_space<vmem>> -> memref<64xi32, #tpu.memory_space<vmem>>
      %dma_wait3A_217 = arith.constant 0 : i32
      %dma_wait3A_218 = arith.constant 0 : i32
      %dma_wait3A_219 = tpu.memref_slice %arg4[%dma_wait3A_217, %dma_wait3A_218] : memref<10240x128xf32, #tpu.memory_space<hbm>> -> memref<10240x128xf32, #tpu.memory_space<hbm>>
      tpu.wait_indirect_dma semaphore(%arg14 : memref<!tpu.dma_semaphore, #tpu.memory_space<semaphore_mem>>) src(%dma_wait3A_219 : memref<10240x128xf32, #tpu.memory_space<hbm>>) dst(%arg9 : memref<64x128xf32, #tpu.memory_space<vmem>>)
      %dma_start3A_220 = arith.constant 0 : i32
      %dma_start3A_221 = tpu.memref_slice %arg7[%add3A_213, %dma_start3A_220] : memref<40x64xi32, #tpu.memory_space<vmem>> -> memref<1x64xi32, #tpu.memory_space<vmem>>
      %dma_start3A_222 = tpu.memref_squeeze %dma_start3A_221 : memref<1x64xi32, #tpu.memory_space<vmem>> -> memref<64xi32, #tpu.memory_space<vmem>>
      %dma_start3A_223 = arith.constant 0 : i32
      %dma_start3A_224 = arith.constant 0 : i32
      %dma_start3A_225 = tpu.memref_slice %arg12[%dma_start3A_223, %dma_start3A_224] : memref<10240x128xf32, #tpu.memory_space<vmem_shared>> -> memref<10240x128xf32, #tpu.memory_space<vmem_shared>>
      tpu.enqueue_indirect_dma source(%arg9 : memref<64x128xf32, #tpu.memory_space<vmem>>) target(%dma_start3A_225 : memref<10240x128xf32, #tpu.memory_space<vmem_shared>>) offsets(%dma_start3A_222 : memref<64xi32, #tpu.memory_space<vmem>>) semaphore(%arg18 : memref<!tpu.dma_semaphore, #tpu.memory_space<semaphore_mem>>) {add = true}
      %mul3A_226 = arith.constant 4 : i32
      %mul3A_227 = arith.muli %mul3A_226, %scan3A_194 : i32
      %add3A_228 = arith.constant 2 : i32
      %add3A_229 = arith.addi %mul3A_227, %add3A_228 : i32
      %dma_wait3A_230 = arith.constant 0 : i32
      %dma_wait3A_231 = tpu.memref_slice %arg6[%add3A_229, %dma_wait3A_230] : memref<40x64xi32, #tpu.memory_space<vmem>> -> memref<1x64xi32, #tpu.memory_space<vmem>>
      %dma_wait3A_232 = tpu.memref_squeeze %dma_wait3A_231 : memref<1x64xi32, #tpu.memory_space<vmem>> -> memref<64xi32, #tpu.memory_space<vmem>>
      %dma_wait3A_233 = arith.constant 0 : i32
      %dma_wait3A_234 = arith.constant 0 : i32
      %dma_wait3A_235 = tpu.memref_slice %arg4[%dma_wait3A_233, %dma_wait3A_234] : memref<10240x128xf32, #tpu.memory_space<hbm>> -> memref<10240x128xf32, #tpu.memory_space<hbm>>
      tpu.wait_indirect_dma semaphore(%arg15 : memref<!tpu.dma_semaphore, #tpu.memory_space<semaphore_mem>>) src(%dma_wait3A_235 : memref<10240x128xf32, #tpu.memory_space<hbm>>) dst(%arg10 : memref<64x128xf32, #tpu.memory_space<vmem>>)
      %dma_start3A_236 = arith.constant 0 : i32
      %dma_start3A_237 = tpu.memref_slice %arg7[%add3A_229, %dma_start3A_236] : memref<40x64xi32, #tpu.memory_space<vmem>> -> memref<1x64xi32, #tpu.memory_space<vmem>>
      %dma_start3A_238 = tpu.memref_squeeze %dma_start3A_237 : memref<1x64xi32, #tpu.memory_space<vmem>> -> memref<64xi32, #tpu.memory_space<vmem>>
      %dma_start3A_239 = arith.constant 0 : i32
      %dma_start3A_240 = arith.constant 0 : i32
      %dma_start3A_241 = tpu.memref_slice %arg12[%dma_start3A_239, %dma_start3A_240] : memref<10240x128xf32, #tpu.memory_space<vmem_shared>> -> memref<10240x128xf32, #tpu.memory_space<vmem_shared>>
      tpu.enqueue_indirect_dma source(%arg10 : memref<64x128xf32, #tpu.memory_space<vmem>>) target(%dma_start3A_241 : memref<10240x128xf32, #tpu.memory_space<vmem_shared>>) offsets(%dma_start3A_238 : memref<64xi32, #tpu.memory_space<vmem>>) semaphore(%arg19 : memref<!tpu.dma_semaphore, #tpu.memory_space<semaphore_mem>>) {add = true}
      %mul3A_242 = arith.constant 4 : i32
      %mul3A_243 = arith.muli %mul3A_242, %scan3A_194 : i32
      %add3A_244 = arith.constant 3 : i32
      %add3A_245 = arith.addi %mul3A_243, %add3A_244 : i32
      %dma_wait3A_246 = arith.constant 0 : i32
      %dma_wait3A_247 = tpu.memref_slice %arg6[%add3A_245, %dma_wait3A_246] : memref<40x64xi32, #tpu.memory_space<vmem>> -> memref<1x64xi32, #tpu.memory_space<vmem>>
      %dma_wait3A_248 = tpu.memref_squeeze %dma_wait3A_247 : memref<1x64xi32, #tpu.memory_space<vmem>> -> memref<64xi32, #tpu.memory_space<vmem>>
      %dma_wait3A_249 = arith.constant 0 : i32
      %dma_wait3A_250 = arith.constant 0 : i32
      %dma_wait3A_251 = tpu.memref_slice %arg4[%dma_wait3A_249, %dma_wait3A_250] : memref<10240x128xf32, #tpu.memory_space<hbm>> -> memref<10240x128xf32, #tpu.memory_space<hbm>>
      tpu.wait_indirect_dma semaphore(%arg16 : memref<!tpu.dma_semaphore, #tpu.memory_space<semaphore_mem>>) src(%dma_wait3A_251 : memref<10240x128xf32, #tpu.memory_space<hbm>>) dst(%arg11 : memref<64x128xf32, #tpu.memory_space<vmem>>)
      %dma_start3A_252 = arith.constant 0 : i32
      %dma_start3A_253 = tpu.memref_slice %arg7[%add3A_245, %dma_start3A_252] : memref<40x64xi32, #tpu.memory_space<vmem>> -> memref<1x64xi32, #tpu.memory_space<vmem>>
      %dma_start3A_254 = tpu.memref_squeeze %dma_start3A_253 : memref<1x64xi32, #tpu.memory_space<vmem>> -> memref<64xi32, #tpu.memory_space<vmem>>
      %dma_start3A_255 = arith.constant 0 : i32
      %dma_start3A_256 = arith.constant 0 : i32
      %dma_start3A_257 = tpu.memref_slice %arg12[%dma_start3A_255, %dma_start3A_256] : memref<10240x128xf32, #tpu.memory_space<vmem_shared>> -> memref<10240x128xf32, #tpu.memory_space<vmem_shared>>
      tpu.enqueue_indirect_dma source(%arg11 : memref<64x128xf32, #tpu.memory_space<vmem>>) target(%dma_start3A_257 : memref<10240x128xf32, #tpu.memory_space<vmem_shared>>) offsets(%dma_start3A_254 : memref<64xi32, #tpu.memory_space<vmem>>) semaphore(%arg20 : memref<!tpu.dma_semaphore, #tpu.memory_space<semaphore_mem>>) {add = true}
      %mul3A_258 = arith.constant 4 : i32
      %mul3A_259 = arith.muli %mul3A_258, %scan3A_194 : i32
      %add3A_260 = arith.constant 0 : i32
      %add3A_261 = arith.addi %mul3A_259, %add3A_260 : i32
      %dma_wait3A_262 = arith.constant 0 : i32
      %dma_wait3A_263 = tpu.memref_slice %arg7[%add3A_261, %dma_wait3A_262] : memref<40x64xi32, #tpu.memory_space<vmem>> -> memref<1x64xi32, #tpu.memory_space<vmem>>
      %dma_wait3A_264 = tpu.memref_squeeze %dma_wait3A_263 : memref<1x64xi32, #tpu.memory_space<vmem>> -> memref<64xi32, #tpu.memory_space<vmem>>
      %dma_wait3A_265 = arith.constant 0 : i32
      %dma_wait3A_266 = arith.constant 0 : i32
      %dma_wait3A_267 = tpu.memref_slice %arg12[%dma_wait3A_265, %dma_wait3A_266] : memref<10240x128xf32, #tpu.memory_space<vmem_shared>> -> memref<10240x128xf32, #tpu.memory_space<vmem_shared>>
      tpu.wait_indirect_dma semaphore(%arg17 : memref<!tpu.dma_semaphore, #tpu.memory_space<semaphore_mem>>) src(%arg8 : memref<64x128xf32, #tpu.memory_space<vmem>>) dst(%dma_wait3A_267 : memref<10240x128xf32, #tpu.memory_space<vmem_shared>>)
      %lt3A = arith.constant 9 : i32
      %lt3A_268 = arith.cmpi slt, %scan3A_194, %lt3A : i32
      %convert_element_type3A = arith.extui %lt3A_268 : i1 to i32
      %cond3A = arith.constant 0 : i32
      %cond3A_269 = arith.cmpi ne, %convert_element_type3A, %cond3A : i32
      scf.if %cond3A_269 {
        %add3A_315 = arith.constant 4 : i32
        %add3A_316 = arith.addi %add3A_261, %add3A_315 : i32
        %dma_start3A_317 = arith.constant 0 : i32
        %dma_start3A_318 = tpu.memref_slice %arg6[%add3A_316, %dma_start3A_317] : memref<40x64xi32, #tpu.memory_space<vmem>> -> memref<1x64xi32, #tpu.memory_space<vmem>>
        %dma_start3A_319 = tpu.memref_squeeze %dma_start3A_318 : memref<1x64xi32, #tpu.memory_space<vmem>> -> memref<64xi32, #tpu.memory_space<vmem>>
        %dma_start3A_320 = arith.constant 0 : i32
        %dma_start3A_321 = arith.constant 0 : i32
        %dma_start3A_322 = tpu.memref_slice %arg4[%dma_start3A_320, %dma_start3A_321] : memref<10240x128xf32, #tpu.memory_space<hbm>> -> memref<10240x128xf32, #tpu.memory_space<hbm>>
        tpu.enqueue_indirect_dma source(%dma_start3A_322 : memref<10240x128xf32, #tpu.memory_space<hbm>>) target(%arg8 : memref<64x128xf32, #tpu.memory_space<vmem>>) offsets(%dma_start3A_319 : memref<64xi32, #tpu.memory_space<vmem>>) semaphore(%arg13 : memref<!tpu.dma_semaphore, #tpu.memory_space<semaphore_mem>>)
      } else {
      }
      %mul3A_270 = arith.constant 4 : i32
      %mul3A_271 = arith.muli %mul3A_270, %scan3A_194 : i32
      %add3A_272 = arith.constant 1 : i32
      %add3A_273 = arith.addi %mul3A_271, %add3A_272 : i32
      %dma_wait3A_274 = arith.constant 0 : i32
      %dma_wait3A_275 = tpu.memref_slice %arg7[%add3A_273, %dma_wait3A_274] : memref<40x64xi32, #tpu.memory_space<vmem>> -> memref<1x64xi32, #tpu.memory_space<vmem>>
      %dma_wait3A_276 = tpu.memref_squeeze %dma_wait3A_275 : memref<1x64xi32, #tpu.memory_space<vmem>> -> memref<64xi32, #tpu.memory_space<vmem>>
      %dma_wait3A_277 = arith.constant 0 : i32
      %dma_wait3A_278 = arith.constant 0 : i32
      %dma_wait3A_279 = tpu.memref_slice %arg12[%dma_wait3A_277, %dma_wait3A_278] : memref<10240x128xf32, #tpu.memory_space<vmem_shared>> -> memref<10240x128xf32, #tpu.memory_space<vmem_shared>>
      tpu.wait_indirect_dma semaphore(%arg18 : memref<!tpu.dma_semaphore, #tpu.memory_space<semaphore_mem>>) src(%arg9 : memref<64x128xf32, #tpu.memory_space<vmem>>) dst(%dma_wait3A_279 : memref<10240x128xf32, #tpu.memory_space<vmem_shared>>)
      %lt3A_280 = arith.constant 9 : i32
      %lt3A_281 = arith.cmpi slt, %scan3A_194, %lt3A_280 : i32
      %convert_element_type3A_282 = arith.extui %lt3A_281 : i1 to i32
      %cond3A_283 = arith.constant 0 : i32
      %cond3A_284 = arith.cmpi ne, %convert_element_type3A_282, %cond3A_283 : i32
      scf.if %cond3A_284 {
        %add3A_315 = arith.constant 4 : i32
        %add3A_316 = arith.addi %add3A_273, %add3A_315 : i32
        %dma_start3A_317 = arith.constant 0 : i32
        %dma_start3A_318 = tpu.memref_slice %arg6[%add3A_316, %dma_start3A_317] : memref<40x64xi32, #tpu.memory_space<vmem>> -> memref<1x64xi32, #tpu.memory_space<vmem>>
        %dma_start3A_319 = tpu.memref_squeeze %dma_start3A_318 : memref<1x64xi32, #tpu.memory_space<vmem>> -> memref<64xi32, #tpu.memory_space<vmem>>
        %dma_start3A_320 = arith.constant 0 : i32
        %dma_start3A_321 = arith.constant 0 : i32
        %dma_start3A_322 = tpu.memref_slice %arg4[%dma_start3A_320, %dma_start3A_321] : memref<10240x128xf32, #tpu.memory_space<hbm>> -> memref<10240x128xf32, #tpu.memory_space<hbm>>
        tpu.enqueue_indirect_dma source(%dma_start3A_322 : memref<10240x128xf32, #tpu.memory_space<hbm>>) target(%arg9 : memref<64x128xf32, #tpu.memory_space<vmem>>) offsets(%dma_start3A_319 : memref<64xi32, #tpu.memory_space<vmem>>) semaphore(%arg14 : memref<!tpu.dma_semaphore, #tpu.memory_space<semaphore_mem>>)
      } else {
      }
      %mul3A_285 = arith.constant 4 : i32
      %mul3A_286 = arith.muli %mul3A_285, %scan3A_194 : i32
      %add3A_287 = arith.constant 2 : i32
      %add3A_288 = arith.addi %mul3A_286, %add3A_287 : i32
      %dma_wait3A_289 = arith.constant 0 : i32
      %dma_wait3A_290 = tpu.memref_slice %arg7[%add3A_288, %dma_wait3A_289] : memref<40x64xi32, #tpu.memory_space<vmem>> -> memref<1x64xi32, #tpu.memory_space<vmem>>
      %dma_wait3A_291 = tpu.memref_squeeze %dma_wait3A_290 : memref<1x64xi32, #tpu.memory_space<vmem>> -> memref<64xi32, #tpu.memory_space<vmem>>
      %dma_wait3A_292 = arith.constant 0 : i32
      %dma_wait3A_293 = arith.constant 0 : i32
      %dma_wait3A_294 = tpu.memref_slice %arg12[%dma_wait3A_292, %dma_wait3A_293] : memref<10240x128xf32, #tpu.memory_space<vmem_shared>> -> memref<10240x128xf32, #tpu.memory_space<vmem_shared>>
      tpu.wait_indirect_dma semaphore(%arg19 : memref<!tpu.dma_semaphore, #tpu.memory_space<semaphore_mem>>) src(%arg10 : memref<64x128xf32, #tpu.memory_space<vmem>>) dst(%dma_wait3A_294 : memref<10240x128xf32, #tpu.memory_space<vmem_shared>>)
      %lt3A_295 = arith.constant 9 : i32
      %lt3A_296 = arith.cmpi slt, %scan3A_194, %lt3A_295 : i32
      %convert_element_type3A_297 = arith.extui %lt3A_296 : i1 to i32
      %cond3A_298 = arith.constant 0 : i32
      %cond3A_299 = arith.cmpi ne, %convert_element_type3A_297, %cond3A_298 : i32
      scf.if %cond3A_299 {
        %add3A_315 = arith.constant 4 : i32
        %add3A_316 = arith.addi %add3A_288, %add3A_315 : i32
        %dma_start3A_317 = arith.constant 0 : i32
        %dma_start3A_318 = tpu.memref_slice %arg6[%add3A_316, %dma_start3A_317] : memref<40x64xi32, #tpu.memory_space<vmem>> -> memref<1x64xi32, #tpu.memory_space<vmem>>
        %dma_start3A_319 = tpu.memref_squeeze %dma_start3A_318 : memref<1x64xi32, #tpu.memory_space<vmem>> -> memref<64xi32, #tpu.memory_space<vmem>>
        %dma_start3A_320 = arith.constant 0 : i32
        %dma_start3A_321 = arith.constant 0 : i32
        %dma_start3A_322 = tpu.memref_slice %arg4[%dma_start3A_320, %dma_start3A_321] : memref<10240x128xf32, #tpu.memory_space<hbm>> -> memref<10240x128xf32, #tpu.memory_space<hbm>>
        tpu.enqueue_indirect_dma source(%dma_start3A_322 : memref<10240x128xf32, #tpu.memory_space<hbm>>) target(%arg10 : memref<64x128xf32, #tpu.memory_space<vmem>>) offsets(%dma_start3A_319 : memref<64xi32, #tpu.memory_space<vmem>>) semaphore(%arg15 : memref<!tpu.dma_semaphore, #tpu.memory_space<semaphore_mem>>)
      } else {
      }
      %mul3A_300 = arith.constant 4 : i32
      %mul3A_301 = arith.muli %mul3A_300, %scan3A_194 : i32
      %add3A_302 = arith.constant 3 : i32
      %add3A_303 = arith.addi %mul3A_301, %add3A_302 : i32
      %dma_wait3A_304 = arith.constant 0 : i32
      %dma_wait3A_305 = tpu.memref_slice %arg7[%add3A_303, %dma_wait3A_304] : memref<40x64xi32, #tpu.memory_space<vmem>> -> memref<1x64xi32, #tpu.memory_space<vmem>>
      %dma_wait3A_306 = tpu.memref_squeeze %dma_wait3A_305 : memref<1x64xi32, #tpu.memory_space<vmem>> -> memref<64xi32, #tpu.memory_space<vmem>>
      %dma_wait3A_307 = arith.constant 0 : i32
      %dma_wait3A_308 = arith.constant 0 : i32
      %dma_wait3A_309 = tpu.memref_slice %arg12[%dma_wait3A_307, %dma_wait3A_308] : memref<10240x128xf32, #tpu.memory_space<vmem_shared>> -> memref<10240x128xf32, #tpu.memory_space<vmem_shared>>
      tpu.wait_indirect_dma semaphore(%arg20 : memref<!tpu.dma_semaphore, #tpu.memory_space<semaphore_mem>>) src(%arg11 : memref<64x128xf32, #tpu.memory_space<vmem>>) dst(%dma_wait3A_309 : memref<10240x128xf32, #tpu.memory_space<vmem_shared>>)
      %lt3A_310 = arith.constant 9 : i32
      %lt3A_311 = arith.cmpi slt, %scan3A_194, %lt3A_310 : i32
      %convert_element_type3A_312 = arith.extui %lt3A_311 : i1 to i32
      %cond3A_313 = arith.constant 0 : i32
      %cond3A_314 = arith.cmpi ne, %convert_element_type3A_312, %cond3A_313 : i32
      scf.if %cond3A_314 {
        %add3A_315 = arith.constant 4 : i32
        %add3A_316 = arith.addi %add3A_303, %add3A_315 : i32
        %dma_start3A_317 = arith.constant 0 : i32
        %dma_start3A_318 = tpu.memref_slice %arg6[%add3A_316, %dma_start3A_317] : memref<40x64xi32, #tpu.memory_space<vmem>> -> memref<1x64xi32, #tpu.memory_space<vmem>>
        %dma_start3A_319 = tpu.memref_squeeze %dma_start3A_318 : memref<1x64xi32, #tpu.memory_space<vmem>> -> memref<64xi32, #tpu.memory_space<vmem>>
        %dma_start3A_320 = arith.constant 0 : i32
        %dma_start3A_321 = arith.constant 0 : i32
        %dma_start3A_322 = tpu.memref_slice %arg4[%dma_start3A_320, %dma_start3A_321] : memref<10240x128xf32, #tpu.memory_space<hbm>> -> memref<10240x128xf32, #tpu.memory_space<hbm>>
        tpu.enqueue_indirect_dma source(%dma_start3A_322 : memref<10240x128xf32, #tpu.memory_space<hbm>>) target(%arg11 : memref<64x128xf32, #tpu.memory_space<vmem>>) offsets(%dma_start3A_319 : memref<64xi32, #tpu.memory_space<vmem>>) semaphore(%arg16 : memref<!tpu.dma_semaphore, #tpu.memory_space<semaphore_mem>>)
      } else {
      }
    }
    %scan3A_116 = arith.constant 10 : i32
    %run_scoped3A_117 = arith.constant 2 : i32
    "tpu.region"() ({
      %run_scoped3A_194 = tpu.sem_alloc : memref<!tpu.dma_semaphore, #tpu.memory_space<semaphore_mem>>
      %dma_start3A_195 = arith.constant 0 : i32
      %dma_start3A_196 = arith.constant 0 : i32
      %dma_start3A_197 = arith.constant 0 : i32
      %dma_start3A_198 = tpu.memref_slice %arg2[%add3A, %dma_start3A_195, %dma_start3A_196, %dma_start3A_197] : memref<32x4x40x64xi32, #tpu.memory_space<hbm>> -> memref<1x4x40x64xi32, #tpu.memory_space<hbm>>
      %dma_start3A_199 = tpu.memref_squeeze %dma_start3A_198 : memref<1x4x40x64xi32, #tpu.memory_space<hbm>> -> memref<4x40x64xi32, #tpu.memory_space<hbm>>
      %dma_start3A_200 = arith.constant 0 : i32
      %dma_start3A_201 = arith.constant 0 : i32
      %dma_start3A_202 = tpu.memref_slice %dma_start3A_199[%run_scoped3A_117, %dma_start3A_200, %dma_start3A_201] : memref<4x40x64xi32, #tpu.memory_space<hbm>> -> memref<1x40x64xi32, #tpu.memory_space<hbm>>
      %dma_start3A_203 = tpu.memref_squeeze %dma_start3A_202 : memref<1x40x64xi32, #tpu.memory_space<hbm>> -> memref<40x64xi32, #tpu.memory_space<hbm>>
      %dma_start3A_204 = arith.constant 0 : i32
      %dma_start3A_205 = arith.constant 0 : i32
      %dma_start3A_206 = arith.constant 0 : i32
      %dma_start3A_207 = tpu.memref_slice %arg2[%add3A, %dma_start3A_204, %dma_start3A_205, %dma_start3A_206] : memref<32x4x40x64xi32, #tpu.memory_space<hbm>> -> memref<1x4x40x64xi32, #tpu.memory_space<hbm>>
      %dma_start3A_208 = tpu.memref_squeeze %dma_start3A_207 : memref<1x4x40x64xi32, #tpu.memory_space<hbm>> -> memref<4x40x64xi32, #tpu.memory_space<hbm>>
      %dma_start3A_209 = arith.constant 0 : i32
      %dma_start3A_210 = arith.constant 0 : i32
      %dma_start3A_211 = tpu.memref_slice %dma_start3A_208[%run_scoped3A_117, %dma_start3A_209, %dma_start3A_210] : memref<4x40x64xi32, #tpu.memory_space<hbm>> -> memref<1x40x64xi32, #tpu.memory_space<hbm>>
      %dma_start3A_212 = tpu.memref_squeeze %dma_start3A_211 : memref<1x40x64xi32, #tpu.memory_space<hbm>> -> memref<40x64xi32, #tpu.memory_space<hbm>>
      tpu.enqueue_dma source(%dma_start3A_212 : memref<40x64xi32, #tpu.memory_space<hbm>>) target(%arg6 : memref<40x64xi32, #tpu.memory_space<vmem>>) target_semaphore(%run_scoped3A_194 : memref<!tpu.dma_semaphore, #tpu.memory_space<semaphore_mem>>)
      %dma_wait3A = arith.constant 0 : i32
      %dma_wait3A_213 = arith.constant 0 : i32
      %dma_wait3A_214 = arith.constant 0 : i32
      %dma_wait3A_215 = tpu.memref_slice %arg2[%add3A, %dma_wait3A, %dma_wait3A_213, %dma_wait3A_214] : memref<32x4x40x64xi32, #tpu.memory_space<hbm>> -> memref<1x4x40x64xi32, #tpu.memory_space<hbm>>
      %dma_wait3A_216 = tpu.memref_squeeze %dma_wait3A_215 : memref<1x4x40x64xi32, #tpu.memory_space<hbm>> -> memref<4x40x64xi32, #tpu.memory_space<hbm>>
      %dma_wait3A_217 = arith.constant 0 : i32
      %dma_wait3A_218 = arith.constant 0 : i32
      %dma_wait3A_219 = tpu.memref_slice %dma_wait3A_216[%run_scoped3A_117, %dma_wait3A_217, %dma_wait3A_218] : memref<4x40x64xi32, #tpu.memory_space<hbm>> -> memref<1x40x64xi32, #tpu.memory_space<hbm>>
      %dma_wait3A_220 = tpu.memref_squeeze %dma_wait3A_219 : memref<1x40x64xi32, #tpu.memory_space<hbm>> -> memref<40x64xi32, #tpu.memory_space<hbm>>
      %dma_wait3A_221 = arith.constant 0 : i32
      %dma_wait3A_222 = arith.constant 0 : i32
      %dma_wait3A_223 = arith.constant 0 : i32
      %dma_wait3A_224 = tpu.memref_slice %arg2[%add3A, %dma_wait3A_221, %dma_wait3A_222, %dma_wait3A_223] : memref<32x4x40x64xi32, #tpu.memory_space<hbm>> -> memref<1x4x40x64xi32, #tpu.memory_space<hbm>>
      %dma_wait3A_225 = tpu.memref_squeeze %dma_wait3A_224 : memref<1x4x40x64xi32, #tpu.memory_space<hbm>> -> memref<4x40x64xi32, #tpu.memory_space<hbm>>
      %dma_wait3A_226 = arith.constant 0 : i32
      %dma_wait3A_227 = arith.constant 0 : i32
      %dma_wait3A_228 = tpu.memref_slice %dma_wait3A_225[%run_scoped3A_117, %dma_wait3A_226, %dma_wait3A_227] : memref<4x40x64xi32, #tpu.memory_space<hbm>> -> memref<1x40x64xi32, #tpu.memory_space<hbm>>
      %dma_wait3A_229 = tpu.memref_squeeze %dma_wait3A_228 : memref<1x40x64xi32, #tpu.memory_space<hbm>> -> memref<40x64xi32, #tpu.memory_space<hbm>>
      tpu.wait_dma2 semaphore(%run_scoped3A_194 : memref<!tpu.dma_semaphore, #tpu.memory_space<semaphore_mem>>) src(%dma_wait3A_229 : memref<40x64xi32, #tpu.memory_space<hbm>>) dst(%arg6 : memref<40x64xi32, #tpu.memory_space<vmem>>)
      tpu.yield
    }) : () -> ()
    %run_scoped3A_118 = arith.constant 2 : i32
    "tpu.region"() ({
      %run_scoped3A_194 = tpu.sem_alloc : memref<!tpu.dma_semaphore, #tpu.memory_space<semaphore_mem>>
      %dma_start3A_195 = arith.constant 0 : i32
      %dma_start3A_196 = arith.constant 0 : i32
      %dma_start3A_197 = arith.constant 0 : i32
      %dma_start3A_198 = tpu.memref_slice %arg3[%add3A, %dma_start3A_195, %dma_start3A_196, %dma_start3A_197] : memref<32x4x40x64xi32, #tpu.memory_space<hbm>> -> memref<1x4x40x64xi32, #tpu.memory_space<hbm>>
      %dma_start3A_199 = tpu.memref_squeeze %dma_start3A_198 : memref<1x4x40x64xi32, #tpu.memory_space<hbm>> -> memref<4x40x64xi32, #tpu.memory_space<hbm>>
      %dma_start3A_200 = arith.constant 0 : i32
      %dma_start3A_201 = arith.constant 0 : i32
      %dma_start3A_202 = tpu.memref_slice %dma_start3A_199[%run_scoped3A_118, %dma_start3A_200, %dma_start3A_201] : memref<4x40x64xi32, #tpu.memory_space<hbm>> -> memref<1x40x64xi32, #tpu.memory_space<hbm>>
      %dma_start3A_203 = tpu.memref_squeeze %dma_start3A_202 : memref<1x40x64xi32, #tpu.memory_space<hbm>> -> memref<40x64xi32, #tpu.memory_space<hbm>>
      %dma_start3A_204 = arith.constant 0 : i32
      %dma_start3A_205 = arith.constant 0 : i32
      %dma_start3A_206 = arith.constant 0 : i32
      %dma_start3A_207 = tpu.memref_slice %arg3[%add3A, %dma_start3A_204, %dma_start3A_205, %dma_start3A_206] : memref<32x4x40x64xi32, #tpu.memory_space<hbm>> -> memref<1x4x40x64xi32, #tpu.memory_space<hbm>>
      %dma_start3A_208 = tpu.memref_squeeze %dma_start3A_207 : memref<1x4x40x64xi32, #tpu.memory_space<hbm>> -> memref<4x40x64xi32, #tpu.memory_space<hbm>>
      %dma_start3A_209 = arith.constant 0 : i32
      %dma_start3A_210 = arith.constant 0 : i32
      %dma_start3A_211 = tpu.memref_slice %dma_start3A_208[%run_scoped3A_118, %dma_start3A_209, %dma_start3A_210] : memref<4x40x64xi32, #tpu.memory_space<hbm>> -> memref<1x40x64xi32, #tpu.memory_space<hbm>>
      %dma_start3A_212 = tpu.memref_squeeze %dma_start3A_211 : memref<1x40x64xi32, #tpu.memory_space<hbm>> -> memref<40x64xi32, #tpu.memory_space<hbm>>
      tpu.enqueue_dma source(%dma_start3A_212 : memref<40x64xi32, #tpu.memory_space<hbm>>) target(%arg7 : memref<40x64xi32, #tpu.memory_space<vmem>>) target_semaphore(%run_scoped3A_194 : memref<!tpu.dma_semaphore, #tpu.memory_space<semaphore_mem>>)
      %dma_wait3A = arith.constant 0 : i32
      %dma_wait3A_213 = arith.constant 0 : i32
      %dma_wait3A_214 = arith.constant 0 : i32
      %dma_wait3A_215 = tpu.memref_slice %arg3[%add3A, %dma_wait3A, %dma_wait3A_213, %dma_wait3A_214] : memref<32x4x40x64xi32, #tpu.memory_space<hbm>> -> memref<1x4x40x64xi32, #tpu.memory_space<hbm>>
      %dma_wait3A_216 = tpu.memref_squeeze %dma_wait3A_215 : memref<1x4x40x64xi32, #tpu.memory_space<hbm>> -> memref<4x40x64xi32, #tpu.memory_space<hbm>>
      %dma_wait3A_217 = arith.constant 0 : i32
      %dma_wait3A_218 = arith.constant 0 : i32
      %dma_wait3A_219 = tpu.memref_slice %dma_wait3A_216[%run_scoped3A_118, %dma_wait3A_217, %dma_wait3A_218] : memref<4x40x64xi32, #tpu.memory_space<hbm>> -> memref<1x40x64xi32, #tpu.memory_space<hbm>>
      %dma_wait3A_220 = tpu.memref_squeeze %dma_wait3A_219 : memref<1x40x64xi32, #tpu.memory_space<hbm>> -> memref<40x64xi32, #tpu.memory_space<hbm>>
      %dma_wait3A_221 = arith.constant 0 : i32
      %dma_wait3A_222 = arith.constant 0 : i32
      %dma_wait3A_223 = arith.constant 0 : i32
      %dma_wait3A_224 = tpu.memref_slice %arg3[%add3A, %dma_wait3A_221, %dma_wait3A_222, %dma_wait3A_223] : memref<32x4x40x64xi32, #tpu.memory_space<hbm>> -> memref<1x4x40x64xi32, #tpu.memory_space<hbm>>
      %dma_wait3A_225 = tpu.memref_squeeze %dma_wait3A_224 : memref<1x4x40x64xi32, #tpu.memory_space<hbm>> -> memref<4x40x64xi32, #tpu.memory_space<hbm>>
      %dma_wait3A_226 = arith.constant 0 : i32
      %dma_wait3A_227 = arith.constant 0 : i32
      %dma_wait3A_228 = tpu.memref_slice %dma_wait3A_225[%run_scoped3A_118, %dma_wait3A_226, %dma_wait3A_227] : memref<4x40x64xi32, #tpu.memory_space<hbm>> -> memref<1x40x64xi32, #tpu.memory_space<hbm>>
      %dma_wait3A_229 = tpu.memref_squeeze %dma_wait3A_228 : memref<1x40x64xi32, #tpu.memory_space<hbm>> -> memref<40x64xi32, #tpu.memory_space<hbm>>
      tpu.wait_dma2 semaphore(%run_scoped3A_194 : memref<!tpu.dma_semaphore, #tpu.memory_space<semaphore_mem>>) src(%dma_wait3A_229 : memref<40x64xi32, #tpu.memory_space<hbm>>) dst(%arg7 : memref<40x64xi32, #tpu.memory_space<vmem>>)
      tpu.yield
    }) : () -> ()
    %dma_start3A_119 = arith.constant 0 : i32
    %dma_start3A_120 = arith.constant 0 : i32
    %dma_start3A_121 = tpu.memref_slice %arg6[%dma_start3A_119, %dma_start3A_120] : memref<40x64xi32, #tpu.memory_space<vmem>> -> memref<1x64xi32, #tpu.memory_space<vmem>>
    %dma_start3A_122 = tpu.memref_squeeze %dma_start3A_121 : memref<1x64xi32, #tpu.memory_space<vmem>> -> memref<64xi32, #tpu.memory_space<vmem>>
    %dma_start3A_123 = arith.constant 0 : i32
    %dma_start3A_124 = arith.constant 0 : i32
    %dma_start3A_125 = tpu.memref_slice %arg4[%dma_start3A_123, %dma_start3A_124] : memref<10240x128xf32, #tpu.memory_space<hbm>> -> memref<10240x128xf32, #tpu.memory_space<hbm>>
    tpu.enqueue_indirect_dma source(%dma_start3A_125 : memref<10240x128xf32, #tpu.memory_space<hbm>>) target(%arg8 : memref<64x128xf32, #tpu.memory_space<vmem>>) offsets(%dma_start3A_122 : memref<64xi32, #tpu.memory_space<vmem>>) semaphore(%arg13 : memref<!tpu.dma_semaphore, #tpu.memory_space<semaphore_mem>>)
    %dma_start3A_126 = arith.constant 1 : i32
    %dma_start3A_127 = arith.constant 0 : i32
    %dma_start3A_128 = tpu.memref_slice %arg6[%dma_start3A_126, %dma_start3A_127] : memref<40x64xi32, #tpu.memory_space<vmem>> -> memref<1x64xi32, #tpu.memory_space<vmem>>
    %dma_start3A_129 = tpu.memref_squeeze %dma_start3A_128 : memref<1x64xi32, #tpu.memory_space<vmem>> -> memref<64xi32, #tpu.memory_space<vmem>>
    %dma_start3A_130 = arith.constant 0 : i32
    %dma_start3A_131 = arith.constant 0 : i32
    %dma_start3A_132 = tpu.memref_slice %arg4[%dma_start3A_130, %dma_start3A_131] : memref<10240x128xf32, #tpu.memory_space<hbm>> -> memref<10240x128xf32, #tpu.memory_space<hbm>>
    tpu.enqueue_indirect_dma source(%dma_start3A_132 : memref<10240x128xf32, #tpu.memory_space<hbm>>) target(%arg9 : memref<64x128xf32, #tpu.memory_space<vmem>>) offsets(%dma_start3A_129 : memref<64xi32, #tpu.memory_space<vmem>>) semaphore(%arg14 : memref<!tpu.dma_semaphore, #tpu.memory_space<semaphore_mem>>)
    %dma_start3A_133 = arith.constant 2 : i32
    %dma_start3A_134 = arith.constant 0 : i32
    %dma_start3A_135 = tpu.memref_slice %arg6[%dma_start3A_133, %dma_start3A_134] : memref<40x64xi32, #tpu.memory_space<vmem>> -> memref<1x64xi32, #tpu.memory_space<vmem>>
    %dma_start3A_136 = tpu.memref_squeeze %dma_start3A_135 : memref<1x64xi32, #tpu.memory_space<vmem>> -> memref<64xi32, #tpu.memory_space<vmem>>
    %dma_start3A_137 = arith.constant 0 : i32
    %dma_start3A_138 = arith.constant 0 : i32
    %dma_start3A_139 = tpu.memref_slice %arg4[%dma_start3A_137, %dma_start3A_138] : memref<10240x128xf32, #tpu.memory_space<hbm>> -> memref<10240x128xf32, #tpu.memory_space<hbm>>
    tpu.enqueue_indirect_dma source(%dma_start3A_139 : memref<10240x128xf32, #tpu.memory_space<hbm>>) target(%arg10 : memref<64x128xf32, #tpu.memory_space<vmem>>) offsets(%dma_start3A_136 : memref<64xi32, #tpu.memory_space<vmem>>) semaphore(%arg15 : memref<!tpu.dma_semaphore, #tpu.memory_space<semaphore_mem>>)
    %dma_start3A_140 = arith.constant 3 : i32
    %dma_start3A_141 = arith.constant 0 : i32
    %dma_start3A_142 = tpu.memref_slice %arg6[%dma_start3A_140, %dma_start3A_141] : memref<40x64xi32, #tpu.memory_space<vmem>> -> memref<1x64xi32, #tpu.memory_space<vmem>>
    %dma_start3A_143 = tpu.memref_squeeze %dma_start3A_142 : memref<1x64xi32, #tpu.memory_space<vmem>> -> memref<64xi32, #tpu.memory_space<vmem>>
    %dma_start3A_144 = arith.constant 0 : i32
    %dma_start3A_145 = arith.constant 0 : i32
    %dma_start3A_146 = tpu.memref_slice %arg4[%dma_start3A_144, %dma_start3A_145] : memref<10240x128xf32, #tpu.memory_space<hbm>> -> memref<10240x128xf32, #tpu.memory_space<hbm>>
    tpu.enqueue_indirect_dma source(%dma_start3A_146 : memref<10240x128xf32, #tpu.memory_space<hbm>>) target(%arg11 : memref<64x128xf32, #tpu.memory_space<vmem>>) offsets(%dma_start3A_143 : memref<64xi32, #tpu.memory_space<vmem>>) semaphore(%arg16 : memref<!tpu.dma_semaphore, #tpu.memory_space<semaphore_mem>>)
    %scan3A_147 = arith.constant 0 : i32
    %scan3A_148 = arith.constant 0 : i32
    %scan3A_149 = arith.constant 10 : i32
    %scan3A_150 = arith.addi %scan3A_148, %scan3A_149 : i32
    %scan3A_151 = arith.constant 1 : i32
    scf.for %scan3A_194 = %scan3A_148 to %scan3A_150 step %scan3A_151  : i32 {
      %mul3A_195 = arith.constant 4 : i32
      %mul3A_196 = arith.muli %mul3A_195, %scan3A_194 : i32
      %add3A_197 = arith.constant 0 : i32
      %add3A_198 = arith.addi %mul3A_196, %add3A_197 : i32
      %dma_wait3A = arith.constant 0 : i32
      %dma_wait3A_199 = tpu.memref_slice %arg6[%add3A_198, %dma_wait3A] : memref<40x64xi32, #tpu.memory_space<vmem>> -> memref<1x64xi32, #tpu.memory_space<vmem>>
      %dma_wait3A_200 = tpu.memref_squeeze %dma_wait3A_199 : memref<1x64xi32, #tpu.memory_space<vmem>> -> memref<64xi32, #tpu.memory_space<vmem>>
      %dma_wait3A_201 = arith.constant 0 : i32
      %dma_wait3A_202 = arith.constant 0 : i32
      %dma_wait3A_203 = tpu.memref_slice %arg4[%dma_wait3A_201, %dma_wait3A_202] : memref<10240x128xf32, #tpu.memory_space<hbm>> -> memref<10240x128xf32, #tpu.memory_space<hbm>>
      tpu.wait_indirect_dma semaphore(%arg13 : memref<!tpu.dma_semaphore, #tpu.memory_space<semaphore_mem>>) src(%dma_wait3A_203 : memref<10240x128xf32, #tpu.memory_space<hbm>>) dst(%arg8 : memref<64x128xf32, #tpu.memory_space<vmem>>)
      %dma_start3A_204 = arith.constant 0 : i32
      %dma_start3A_205 = tpu.memref_slice %arg7[%add3A_198, %dma_start3A_204] : memref<40x64xi32, #tpu.memory_space<vmem>> -> memref<1x64xi32, #tpu.memory_space<vmem>>
      %dma_start3A_206 = tpu.memref_squeeze %dma_start3A_205 : memref<1x64xi32, #tpu.memory_space<vmem>> -> memref<64xi32, #tpu.memory_space<vmem>>
      %dma_start3A_207 = arith.constant 0 : i32
      %dma_start3A_208 = arith.constant 0 : i32
      %dma_start3A_209 = tpu.memref_slice %arg12[%dma_start3A_207, %dma_start3A_208] : memref<10240x128xf32, #tpu.memory_space<vmem_shared>> -> memref<10240x128xf32, #tpu.memory_space<vmem_shared>>
      tpu.enqueue_indirect_dma source(%arg8 : memref<64x128xf32, #tpu.memory_space<vmem>>) target(%dma_start3A_209 : memref<10240x128xf32, #tpu.memory_space<vmem_shared>>) offsets(%dma_start3A_206 : memref<64xi32, #tpu.memory_space<vmem>>) semaphore(%arg17 : memref<!tpu.dma_semaphore, #tpu.memory_space<semaphore_mem>>) {add = true}
      %mul3A_210 = arith.constant 4 : i32
      %mul3A_211 = arith.muli %mul3A_210, %scan3A_194 : i32
      %add3A_212 = arith.constant 1 : i32
      %add3A_213 = arith.addi %mul3A_211, %add3A_212 : i32
      %dma_wait3A_214 = arith.constant 0 : i32
      %dma_wait3A_215 = tpu.memref_slice %arg6[%add3A_213, %dma_wait3A_214] : memref<40x64xi32, #tpu.memory_space<vmem>> -> memref<1x64xi32, #tpu.memory_space<vmem>>
      %dma_wait3A_216 = tpu.memref_squeeze %dma_wait3A_215 : memref<1x64xi32, #tpu.memory_space<vmem>> -> memref<64xi32, #tpu.memory_space<vmem>>
      %dma_wait3A_217 = arith.constant 0 : i32
      %dma_wait3A_218 = arith.constant 0 : i32
      %dma_wait3A_219 = tpu.memref_slice %arg4[%dma_wait3A_217, %dma_wait3A_218] : memref<10240x128xf32, #tpu.memory_space<hbm>> -> memref<10240x128xf32, #tpu.memory_space<hbm>>
      tpu.wait_indirect_dma semaphore(%arg14 : memref<!tpu.dma_semaphore, #tpu.memory_space<semaphore_mem>>) src(%dma_wait3A_219 : memref<10240x128xf32, #tpu.memory_space<hbm>>) dst(%arg9 : memref<64x128xf32, #tpu.memory_space<vmem>>)
      %dma_start3A_220 = arith.constant 0 : i32
      %dma_start3A_221 = tpu.memref_slice %arg7[%add3A_213, %dma_start3A_220] : memref<40x64xi32, #tpu.memory_space<vmem>> -> memref<1x64xi32, #tpu.memory_space<vmem>>
      %dma_start3A_222 = tpu.memref_squeeze %dma_start3A_221 : memref<1x64xi32, #tpu.memory_space<vmem>> -> memref<64xi32, #tpu.memory_space<vmem>>
      %dma_start3A_223 = arith.constant 0 : i32
      %dma_start3A_224 = arith.constant 0 : i32
      %dma_start3A_225 = tpu.memref_slice %arg12[%dma_start3A_223, %dma_start3A_224] : memref<10240x128xf32, #tpu.memory_space<vmem_shared>> -> memref<10240x128xf32, #tpu.memory_space<vmem_shared>>
      tpu.enqueue_indirect_dma source(%arg9 : memref<64x128xf32, #tpu.memory_space<vmem>>) target(%dma_start3A_225 : memref<10240x128xf32, #tpu.memory_space<vmem_shared>>) offsets(%dma_start3A_222 : memref<64xi32, #tpu.memory_space<vmem>>) semaphore(%arg18 : memref<!tpu.dma_semaphore, #tpu.memory_space<semaphore_mem>>) {add = true}
      %mul3A_226 = arith.constant 4 : i32
      %mul3A_227 = arith.muli %mul3A_226, %scan3A_194 : i32
      %add3A_228 = arith.constant 2 : i32
      %add3A_229 = arith.addi %mul3A_227, %add3A_228 : i32
      %dma_wait3A_230 = arith.constant 0 : i32
      %dma_wait3A_231 = tpu.memref_slice %arg6[%add3A_229, %dma_wait3A_230] : memref<40x64xi32, #tpu.memory_space<vmem>> -> memref<1x64xi32, #tpu.memory_space<vmem>>
      %dma_wait3A_232 = tpu.memref_squeeze %dma_wait3A_231 : memref<1x64xi32, #tpu.memory_space<vmem>> -> memref<64xi32, #tpu.memory_space<vmem>>
      %dma_wait3A_233 = arith.constant 0 : i32
      %dma_wait3A_234 = arith.constant 0 : i32
      %dma_wait3A_235 = tpu.memref_slice %arg4[%dma_wait3A_233, %dma_wait3A_234] : memref<10240x128xf32, #tpu.memory_space<hbm>> -> memref<10240x128xf32, #tpu.memory_space<hbm>>
      tpu.wait_indirect_dma semaphore(%arg15 : memref<!tpu.dma_semaphore, #tpu.memory_space<semaphore_mem>>) src(%dma_wait3A_235 : memref<10240x128xf32, #tpu.memory_space<hbm>>) dst(%arg10 : memref<64x128xf32, #tpu.memory_space<vmem>>)
      %dma_start3A_236 = arith.constant 0 : i32
      %dma_start3A_237 = tpu.memref_slice %arg7[%add3A_229, %dma_start3A_236] : memref<40x64xi32, #tpu.memory_space<vmem>> -> memref<1x64xi32, #tpu.memory_space<vmem>>
      %dma_start3A_238 = tpu.memref_squeeze %dma_start3A_237 : memref<1x64xi32, #tpu.memory_space<vmem>> -> memref<64xi32, #tpu.memory_space<vmem>>
      %dma_start3A_239 = arith.constant 0 : i32
      %dma_start3A_240 = arith.constant 0 : i32
      %dma_start3A_241 = tpu.memref_slice %arg12[%dma_start3A_239, %dma_start3A_240] : memref<10240x128xf32, #tpu.memory_space<vmem_shared>> -> memref<10240x128xf32, #tpu.memory_space<vmem_shared>>
      tpu.enqueue_indirect_dma source(%arg10 : memref<64x128xf32, #tpu.memory_space<vmem>>) target(%dma_start3A_241 : memref<10240x128xf32, #tpu.memory_space<vmem_shared>>) offsets(%dma_start3A_238 : memref<64xi32, #tpu.memory_space<vmem>>) semaphore(%arg19 : memref<!tpu.dma_semaphore, #tpu.memory_space<semaphore_mem>>) {add = true}
      %mul3A_242 = arith.constant 4 : i32
      %mul3A_243 = arith.muli %mul3A_242, %scan3A_194 : i32
      %add3A_244 = arith.constant 3 : i32
      %add3A_245 = arith.addi %mul3A_243, %add3A_244 : i32
      %dma_wait3A_246 = arith.constant 0 : i32
      %dma_wait3A_247 = tpu.memref_slice %arg6[%add3A_245, %dma_wait3A_246] : memref<40x64xi32, #tpu.memory_space<vmem>> -> memref<1x64xi32, #tpu.memory_space<vmem>>
      %dma_wait3A_248 = tpu.memref_squeeze %dma_wait3A_247 : memref<1x64xi32, #tpu.memory_space<vmem>> -> memref<64xi32, #tpu.memory_space<vmem>>
      %dma_wait3A_249 = arith.constant 0 : i32
      %dma_wait3A_250 = arith.constant 0 : i32
      %dma_wait3A_251 = tpu.memref_slice %arg4[%dma_wait3A_249, %dma_wait3A_250] : memref<10240x128xf32, #tpu.memory_space<hbm>> -> memref<10240x128xf32, #tpu.memory_space<hbm>>
      tpu.wait_indirect_dma semaphore(%arg16 : memref<!tpu.dma_semaphore, #tpu.memory_space<semaphore_mem>>) src(%dma_wait3A_251 : memref<10240x128xf32, #tpu.memory_space<hbm>>) dst(%arg11 : memref<64x128xf32, #tpu.memory_space<vmem>>)
      %dma_start3A_252 = arith.constant 0 : i32
      %dma_start3A_253 = tpu.memref_slice %arg7[%add3A_245, %dma_start3A_252] : memref<40x64xi32, #tpu.memory_space<vmem>> -> memref<1x64xi32, #tpu.memory_space<vmem>>
      %dma_start3A_254 = tpu.memref_squeeze %dma_start3A_253 : memref<1x64xi32, #tpu.memory_space<vmem>> -> memref<64xi32, #tpu.memory_space<vmem>>
      %dma_start3A_255 = arith.constant 0 : i32
      %dma_start3A_256 = arith.constant 0 : i32
      %dma_start3A_257 = tpu.memref_slice %arg12[%dma_start3A_255, %dma_start3A_256] : memref<10240x128xf32, #tpu.memory_space<vmem_shared>> -> memref<10240x128xf32, #tpu.memory_space<vmem_shared>>
      tpu.enqueue_indirect_dma source(%arg11 : memref<64x128xf32, #tpu.memory_space<vmem>>) target(%dma_start3A_257 : memref<10240x128xf32, #tpu.memory_space<vmem_shared>>) offsets(%dma_start3A_254 : memref<64xi32, #tpu.memory_space<vmem>>) semaphore(%arg20 : memref<!tpu.dma_semaphore, #tpu.memory_space<semaphore_mem>>) {add = true}
      %mul3A_258 = arith.constant 4 : i32
      %mul3A_259 = arith.muli %mul3A_258, %scan3A_194 : i32
      %add3A_260 = arith.constant 0 : i32
      %add3A_261 = arith.addi %mul3A_259, %add3A_260 : i32
      %dma_wait3A_262 = arith.constant 0 : i32
      %dma_wait3A_263 = tpu.memref_slice %arg7[%add3A_261, %dma_wait3A_262] : memref<40x64xi32, #tpu.memory_space<vmem>> -> memref<1x64xi32, #tpu.memory_space<vmem>>
      %dma_wait3A_264 = tpu.memref_squeeze %dma_wait3A_263 : memref<1x64xi32, #tpu.memory_space<vmem>> -> memref<64xi32, #tpu.memory_space<vmem>>
      %dma_wait3A_265 = arith.constant 0 : i32
      %dma_wait3A_266 = arith.constant 0 : i32
      %dma_wait3A_267 = tpu.memref_slice %arg12[%dma_wait3A_265, %dma_wait3A_266] : memref<10240x128xf32, #tpu.memory_space<vmem_shared>> -> memref<10240x128xf32, #tpu.memory_space<vmem_shared>>
      tpu.wait_indirect_dma semaphore(%arg17 : memref<!tpu.dma_semaphore, #tpu.memory_space<semaphore_mem>>) src(%arg8 : memref<64x128xf32, #tpu.memory_space<vmem>>) dst(%dma_wait3A_267 : memref<10240x128xf32, #tpu.memory_space<vmem_shared>>)
      %lt3A = arith.constant 9 : i32
      %lt3A_268 = arith.cmpi slt, %scan3A_194, %lt3A : i32
      %convert_element_type3A = arith.extui %lt3A_268 : i1 to i32
      %cond3A = arith.constant 0 : i32
      %cond3A_269 = arith.cmpi ne, %convert_element_type3A, %cond3A : i32
      scf.if %cond3A_269 {
        %add3A_315 = arith.constant 4 : i32
        %add3A_316 = arith.addi %add3A_261, %add3A_315 : i32
        %dma_start3A_317 = arith.constant 0 : i32
        %dma_start3A_318 = tpu.memref_slice %arg6[%add3A_316, %dma_start3A_317] : memref<40x64xi32, #tpu.memory_space<vmem>> -> memref<1x64xi32, #tpu.memory_space<vmem>>
        %dma_start3A_319 = tpu.memref_squeeze %dma_start3A_318 : memref<1x64xi32, #tpu.memory_space<vmem>> -> memref<64xi32, #tpu.memory_space<vmem>>
        %dma_start3A_320 = arith.constant 0 : i32
        %dma_start3A_321 = arith.constant 0 : i32
        %dma_start3A_322 = tpu.memref_slice %arg4[%dma_start3A_320, %dma_start3A_321] : memref<10240x128xf32, #tpu.memory_space<hbm>> -> memref<10240x128xf32, #tpu.memory_space<hbm>>
        tpu.enqueue_indirect_dma source(%dma_start3A_322 : memref<10240x128xf32, #tpu.memory_space<hbm>>) target(%arg8 : memref<64x128xf32, #tpu.memory_space<vmem>>) offsets(%dma_start3A_319 : memref<64xi32, #tpu.memory_space<vmem>>) semaphore(%arg13 : memref<!tpu.dma_semaphore, #tpu.memory_space<semaphore_mem>>)
      } else {
      }
      %mul3A_270 = arith.constant 4 : i32
      %mul3A_271 = arith.muli %mul3A_270, %scan3A_194 : i32
      %add3A_272 = arith.constant 1 : i32
      %add3A_273 = arith.addi %mul3A_271, %add3A_272 : i32
      %dma_wait3A_274 = arith.constant 0 : i32
      %dma_wait3A_275 = tpu.memref_slice %arg7[%add3A_273, %dma_wait3A_274] : memref<40x64xi32, #tpu.memory_space<vmem>> -> memref<1x64xi32, #tpu.memory_space<vmem>>
      %dma_wait3A_276 = tpu.memref_squeeze %dma_wait3A_275 : memref<1x64xi32, #tpu.memory_space<vmem>> -> memref<64xi32, #tpu.memory_space<vmem>>
      %dma_wait3A_277 = arith.constant 0 : i32
      %dma_wait3A_278 = arith.constant 0 : i32
      %dma_wait3A_279 = tpu.memref_slice %arg12[%dma_wait3A_277, %dma_wait3A_278] : memref<10240x128xf32, #tpu.memory_space<vmem_shared>> -> memref<10240x128xf32, #tpu.memory_space<vmem_shared>>
      tpu.wait_indirect_dma semaphore(%arg18 : memref<!tpu.dma_semaphore, #tpu.memory_space<semaphore_mem>>) src(%arg9 : memref<64x128xf32, #tpu.memory_space<vmem>>) dst(%dma_wait3A_279 : memref<10240x128xf32, #tpu.memory_space<vmem_shared>>)
      %lt3A_280 = arith.constant 9 : i32
      %lt3A_281 = arith.cmpi slt, %scan3A_194, %lt3A_280 : i32
      %convert_element_type3A_282 = arith.extui %lt3A_281 : i1 to i32
      %cond3A_283 = arith.constant 0 : i32
      %cond3A_284 = arith.cmpi ne, %convert_element_type3A_282, %cond3A_283 : i32
      scf.if %cond3A_284 {
        %add3A_315 = arith.constant 4 : i32
        %add3A_316 = arith.addi %add3A_273, %add3A_315 : i32
        %dma_start3A_317 = arith.constant 0 : i32
        %dma_start3A_318 = tpu.memref_slice %arg6[%add3A_316, %dma_start3A_317] : memref<40x64xi32, #tpu.memory_space<vmem>> -> memref<1x64xi32, #tpu.memory_space<vmem>>
        %dma_start3A_319 = tpu.memref_squeeze %dma_start3A_318 : memref<1x64xi32, #tpu.memory_space<vmem>> -> memref<64xi32, #tpu.memory_space<vmem>>
        %dma_start3A_320 = arith.constant 0 : i32
        %dma_start3A_321 = arith.constant 0 : i32
        %dma_start3A_322 = tpu.memref_slice %arg4[%dma_start3A_320, %dma_start3A_321] : memref<10240x128xf32, #tpu.memory_space<hbm>> -> memref<10240x128xf32, #tpu.memory_space<hbm>>
        tpu.enqueue_indirect_dma source(%dma_start3A_322 : memref<10240x128xf32, #tpu.memory_space<hbm>>) target(%arg9 : memref<64x128xf32, #tpu.memory_space<vmem>>) offsets(%dma_start3A_319 : memref<64xi32, #tpu.memory_space<vmem>>) semaphore(%arg14 : memref<!tpu.dma_semaphore, #tpu.memory_space<semaphore_mem>>)
      } else {
      }
      %mul3A_285 = arith.constant 4 : i32
      %mul3A_286 = arith.muli %mul3A_285, %scan3A_194 : i32
      %add3A_287 = arith.constant 2 : i32
      %add3A_288 = arith.addi %mul3A_286, %add3A_287 : i32
      %dma_wait3A_289 = arith.constant 0 : i32
      %dma_wait3A_290 = tpu.memref_slice %arg7[%add3A_288, %dma_wait3A_289] : memref<40x64xi32, #tpu.memory_space<vmem>> -> memref<1x64xi32, #tpu.memory_space<vmem>>
      %dma_wait3A_291 = tpu.memref_squeeze %dma_wait3A_290 : memref<1x64xi32, #tpu.memory_space<vmem>> -> memref<64xi32, #tpu.memory_space<vmem>>
      %dma_wait3A_292 = arith.constant 0 : i32
      %dma_wait3A_293 = arith.constant 0 : i32
      %dma_wait3A_294 = tpu.memref_slice %arg12[%dma_wait3A_292, %dma_wait3A_293] : memref<10240x128xf32, #tpu.memory_space<vmem_shared>> -> memref<10240x128xf32, #tpu.memory_space<vmem_shared>>
      tpu.wait_indirect_dma semaphore(%arg19 : memref<!tpu.dma_semaphore, #tpu.memory_space<semaphore_mem>>) src(%arg10 : memref<64x128xf32, #tpu.memory_space<vmem>>) dst(%dma_wait3A_294 : memref<10240x128xf32, #tpu.memory_space<vmem_shared>>)
      %lt3A_295 = arith.constant 9 : i32
      %lt3A_296 = arith.cmpi slt, %scan3A_194, %lt3A_295 : i32
      %convert_element_type3A_297 = arith.extui %lt3A_296 : i1 to i32
      %cond3A_298 = arith.constant 0 : i32
      %cond3A_299 = arith.cmpi ne, %convert_element_type3A_297, %cond3A_298 : i32
      scf.if %cond3A_299 {
        %add3A_315 = arith.constant 4 : i32
        %add3A_316 = arith.addi %add3A_288, %add3A_315 : i32
        %dma_start3A_317 = arith.constant 0 : i32
        %dma_start3A_318 = tpu.memref_slice %arg6[%add3A_316, %dma_start3A_317] : memref<40x64xi32, #tpu.memory_space<vmem>> -> memref<1x64xi32, #tpu.memory_space<vmem>>
        %dma_start3A_319 = tpu.memref_squeeze %dma_start3A_318 : memref<1x64xi32, #tpu.memory_space<vmem>> -> memref<64xi32, #tpu.memory_space<vmem>>
        %dma_start3A_320 = arith.constant 0 : i32
        %dma_start3A_321 = arith.constant 0 : i32
        %dma_start3A_322 = tpu.memref_slice %arg4[%dma_start3A_320, %dma_start3A_321] : memref<10240x128xf32, #tpu.memory_space<hbm>> -> memref<10240x128xf32, #tpu.memory_space<hbm>>
        tpu.enqueue_indirect_dma source(%dma_start3A_322 : memref<10240x128xf32, #tpu.memory_space<hbm>>) target(%arg10 : memref<64x128xf32, #tpu.memory_space<vmem>>) offsets(%dma_start3A_319 : memref<64xi32, #tpu.memory_space<vmem>>) semaphore(%arg15 : memref<!tpu.dma_semaphore, #tpu.memory_space<semaphore_mem>>)
      } else {
      }
      %mul3A_300 = arith.constant 4 : i32
      %mul3A_301 = arith.muli %mul3A_300, %scan3A_194 : i32
      %add3A_302 = arith.constant 3 : i32
      %add3A_303 = arith.addi %mul3A_301, %add3A_302 : i32
      %dma_wait3A_304 = arith.constant 0 : i32
      %dma_wait3A_305 = tpu.memref_slice %arg7[%add3A_303, %dma_wait3A_304] : memref<40x64xi32, #tpu.memory_space<vmem>> -> memref<1x64xi32, #tpu.memory_space<vmem>>
      %dma_wait3A_306 = tpu.memref_squeeze %dma_wait3A_305 : memref<1x64xi32, #tpu.memory_space<vmem>> -> memref<64xi32, #tpu.memory_space<vmem>>
      %dma_wait3A_307 = arith.constant 0 : i32
      %dma_wait3A_308 = arith.constant 0 : i32
      %dma_wait3A_309 = tpu.memref_slice %arg12[%dma_wait3A_307, %dma_wait3A_308] : memref<10240x128xf32, #tpu.memory_space<vmem_shared>> -> memref<10240x128xf32, #tpu.memory_space<vmem_shared>>
      tpu.wait_indirect_dma semaphore(%arg20 : memref<!tpu.dma_semaphore, #tpu.memory_space<semaphore_mem>>) src(%arg11 : memref<64x128xf32, #tpu.memory_space<vmem>>) dst(%dma_wait3A_309 : memref<10240x128xf32, #tpu.memory_space<vmem_shared>>)
      %lt3A_310 = arith.constant 9 : i32
      %lt3A_311 = arith.cmpi slt, %scan3A_194, %lt3A_310 : i32
      %convert_element_type3A_312 = arith.extui %lt3A_311 : i1 to i32
      %cond3A_313 = arith.constant 0 : i32
      %cond3A_314 = arith.cmpi ne, %convert_element_type3A_312, %cond3A_313 : i32
      scf.if %cond3A_314 {
        %add3A_315 = arith.constant 4 : i32
        %add3A_316 = arith.addi %add3A_303, %add3A_315 : i32
        %dma_start3A_317 = arith.constant 0 : i32
        %dma_start3A_318 = tpu.memref_slice %arg6[%add3A_316, %dma_start3A_317] : memref<40x64xi32, #tpu.memory_space<vmem>> -> memref<1x64xi32, #tpu.memory_space<vmem>>
        %dma_start3A_319 = tpu.memref_squeeze %dma_start3A_318 : memref<1x64xi32, #tpu.memory_space<vmem>> -> memref<64xi32, #tpu.memory_space<vmem>>
        %dma_start3A_320 = arith.constant 0 : i32
        %dma_start3A_321 = arith.constant 0 : i32
        %dma_start3A_322 = tpu.memref_slice %arg4[%dma_start3A_320, %dma_start3A_321] : memref<10240x128xf32, #tpu.memory_space<hbm>> -> memref<10240x128xf32, #tpu.memory_space<hbm>>
        tpu.enqueue_indirect_dma source(%dma_start3A_322 : memref<10240x128xf32, #tpu.memory_space<hbm>>) target(%arg11 : memref<64x128xf32, #tpu.memory_space<vmem>>) offsets(%dma_start3A_319 : memref<64xi32, #tpu.memory_space<vmem>>) semaphore(%arg16 : memref<!tpu.dma_semaphore, #tpu.memory_space<semaphore_mem>>)
      } else {
      }
    }
    %scan3A_152 = arith.constant 10 : i32
    %run_scoped3A_153 = arith.constant 3 : i32
    "tpu.region"() ({
      %run_scoped3A_194 = tpu.sem_alloc : memref<!tpu.dma_semaphore, #tpu.memory_space<semaphore_mem>>
      %dma_start3A_195 = arith.constant 0 : i32
      %dma_start3A_196 = arith.constant 0 : i32
      %dma_start3A_197 = arith.constant 0 : i32
      %dma_start3A_198 = tpu.memref_slice %arg2[%add3A, %dma_start3A_195, %dma_start3A_196, %dma_start3A_197] : memref<32x4x40x64xi32, #tpu.memory_space<hbm>> -> memref<1x4x40x64xi32, #tpu.memory_space<hbm>>
      %dma_start3A_199 = tpu.memref_squeeze %dma_start3A_198 : memref<1x4x40x64xi32, #tpu.memory_space<hbm>> -> memref<4x40x64xi32, #tpu.memory_space<hbm>>
      %dma_start3A_200 = arith.constant 0 : i32
      %dma_start3A_201 = arith.constant 0 : i32
      %dma_start3A_202 = tpu.memref_slice %dma_start3A_199[%run_scoped3A_153, %dma_start3A_200, %dma_start3A_201] : memref<4x40x64xi32, #tpu.memory_space<hbm>> -> memref<1x40x64xi32, #tpu.memory_space<hbm>>
      %dma_start3A_203 = tpu.memref_squeeze %dma_start3A_202 : memref<1x40x64xi32, #tpu.memory_space<hbm>> -> memref<40x64xi32, #tpu.memory_space<hbm>>
      %dma_start3A_204 = arith.constant 0 : i32
      %dma_start3A_205 = arith.constant 0 : i32
      %dma_start3A_206 = arith.constant 0 : i32
      %dma_start3A_207 = tpu.memref_slice %arg2[%add3A, %dma_start3A_204, %dma_start3A_205, %dma_start3A_206] : memref<32x4x40x64xi32, #tpu.memory_space<hbm>> -> memref<1x4x40x64xi32, #tpu.memory_space<hbm>>
      %dma_start3A_208 = tpu.memref_squeeze %dma_start3A_207 : memref<1x4x40x64xi32, #tpu.memory_space<hbm>> -> memref<4x40x64xi32, #tpu.memory_space<hbm>>
      %dma_start3A_209 = arith.constant 0 : i32
      %dma_start3A_210 = arith.constant 0 : i32
      %dma_start3A_211 = tpu.memref_slice %dma_start3A_208[%run_scoped3A_153, %dma_start3A_209, %dma_start3A_210] : memref<4x40x64xi32, #tpu.memory_space<hbm>> -> memref<1x40x64xi32, #tpu.memory_space<hbm>>
      %dma_start3A_212 = tpu.memref_squeeze %dma_start3A_211 : memref<1x40x64xi32, #tpu.memory_space<hbm>> -> memref<40x64xi32, #tpu.memory_space<hbm>>
      tpu.enqueue_dma source(%dma_start3A_212 : memref<40x64xi32, #tpu.memory_space<hbm>>) target(%arg6 : memref<40x64xi32, #tpu.memory_space<vmem>>) target_semaphore(%run_scoped3A_194 : memref<!tpu.dma_semaphore, #tpu.memory_space<semaphore_mem>>)
      %dma_wait3A = arith.constant 0 : i32
      %dma_wait3A_213 = arith.constant 0 : i32
      %dma_wait3A_214 = arith.constant 0 : i32
      %dma_wait3A_215 = tpu.memref_slice %arg2[%add3A, %dma_wait3A, %dma_wait3A_213, %dma_wait3A_214] : memref<32x4x40x64xi32, #tpu.memory_space<hbm>> -> memref<1x4x40x64xi32, #tpu.memory_space<hbm>>
      %dma_wait3A_216 = tpu.memref_squeeze %dma_wait3A_215 : memref<1x4x40x64xi32, #tpu.memory_space<hbm>> -> memref<4x40x64xi32, #tpu.memory_space<hbm>>
      %dma_wait3A_217 = arith.constant 0 : i32
      %dma_wait3A_218 = arith.constant 0 : i32
      %dma_wait3A_219 = tpu.memref_slice %dma_wait3A_216[%run_scoped3A_153, %dma_wait3A_217, %dma_wait3A_218] : memref<4x40x64xi32, #tpu.memory_space<hbm>> -> memref<1x40x64xi32, #tpu.memory_space<hbm>>
      %dma_wait3A_220 = tpu.memref_squeeze %dma_wait3A_219 : memref<1x40x64xi32, #tpu.memory_space<hbm>> -> memref<40x64xi32, #tpu.memory_space<hbm>>
      %dma_wait3A_221 = arith.constant 0 : i32
      %dma_wait3A_222 = arith.constant 0 : i32
      %dma_wait3A_223 = arith.constant 0 : i32
      %dma_wait3A_224 = tpu.memref_slice %arg2[%add3A, %dma_wait3A_221, %dma_wait3A_222, %dma_wait3A_223] : memref<32x4x40x64xi32, #tpu.memory_space<hbm>> -> memref<1x4x40x64xi32, #tpu.memory_space<hbm>>
      %dma_wait3A_225 = tpu.memref_squeeze %dma_wait3A_224 : memref<1x4x40x64xi32, #tpu.memory_space<hbm>> -> memref<4x40x64xi32, #tpu.memory_space<hbm>>
      %dma_wait3A_226 = arith.constant 0 : i32
      %dma_wait3A_227 = arith.constant 0 : i32
      %dma_wait3A_228 = tpu.memref_slice %dma_wait3A_225[%run_scoped3A_153, %dma_wait3A_226, %dma_wait3A_227] : memref<4x40x64xi32, #tpu.memory_space<hbm>> -> memref<1x40x64xi32, #tpu.memory_space<hbm>>
      %dma_wait3A_229 = tpu.memref_squeeze %dma_wait3A_228 : memref<1x40x64xi32, #tpu.memory_space<hbm>> -> memref<40x64xi32, #tpu.memory_space<hbm>>
      tpu.wait_dma2 semaphore(%run_scoped3A_194 : memref<!tpu.dma_semaphore, #tpu.memory_space<semaphore_mem>>) src(%dma_wait3A_229 : memref<40x64xi32, #tpu.memory_space<hbm>>) dst(%arg6 : memref<40x64xi32, #tpu.memory_space<vmem>>)
      tpu.yield
    }) : () -> ()
    %run_scoped3A_154 = arith.constant 3 : i32
    "tpu.region"() ({
      %run_scoped3A_194 = tpu.sem_alloc : memref<!tpu.dma_semaphore, #tpu.memory_space<semaphore_mem>>
      %dma_start3A_195 = arith.constant 0 : i32
      %dma_start3A_196 = arith.constant 0 : i32
      %dma_start3A_197 = arith.constant 0 : i32
      %dma_start3A_198 = tpu.memref_slice %arg3[%add3A, %dma_start3A_195, %dma_start3A_196, %dma_start3A_197] : memref<32x4x40x64xi32, #tpu.memory_space<hbm>> -> memref<1x4x40x64xi32, #tpu.memory_space<hbm>>
      %dma_start3A_199 = tpu.memref_squeeze %dma_start3A_198 : memref<1x4x40x64xi32, #tpu.memory_space<hbm>> -> memref<4x40x64xi32, #tpu.memory_space<hbm>>
      %dma_start3A_200 = arith.constant 0 : i32
      %dma_start3A_201 = arith.constant 0 : i32
      %dma_start3A_202 = tpu.memref_slice %dma_start3A_199[%run_scoped3A_154, %dma_start3A_200, %dma_start3A_201] : memref<4x40x64xi32, #tpu.memory_space<hbm>> -> memref<1x40x64xi32, #tpu.memory_space<hbm>>
      %dma_start3A_203 = tpu.memref_squeeze %dma_start3A_202 : memref<1x40x64xi32, #tpu.memory_space<hbm>> -> memref<40x64xi32, #tpu.memory_space<hbm>>
      %dma_start3A_204 = arith.constant 0 : i32
      %dma_start3A_205 = arith.constant 0 : i32
      %dma_start3A_206 = arith.constant 0 : i32
      %dma_start3A_207 = tpu.memref_slice %arg3[%add3A, %dma_start3A_204, %dma_start3A_205, %dma_start3A_206] : memref<32x4x40x64xi32, #tpu.memory_space<hbm>> -> memref<1x4x40x64xi32, #tpu.memory_space<hbm>>
      %dma_start3A_208 = tpu.memref_squeeze %dma_start3A_207 : memref<1x4x40x64xi32, #tpu.memory_space<hbm>> -> memref<4x40x64xi32, #tpu.memory_space<hbm>>
      %dma_start3A_209 = arith.constant 0 : i32
      %dma_start3A_210 = arith.constant 0 : i32
      %dma_start3A_211 = tpu.memref_slice %dma_start3A_208[%run_scoped3A_154, %dma_start3A_209, %dma_start3A_210] : memref<4x40x64xi32, #tpu.memory_space<hbm>> -> memref<1x40x64xi32, #tpu.memory_space<hbm>>
      %dma_start3A_212 = tpu.memref_squeeze %dma_start3A_211 : memref<1x40x64xi32, #tpu.memory_space<hbm>> -> memref<40x64xi32, #tpu.memory_space<hbm>>
      tpu.enqueue_dma source(%dma_start3A_212 : memref<40x64xi32, #tpu.memory_space<hbm>>) target(%arg7 : memref<40x64xi32, #tpu.memory_space<vmem>>) target_semaphore(%run_scoped3A_194 : memref<!tpu.dma_semaphore, #tpu.memory_space<semaphore_mem>>)
      %dma_wait3A = arith.constant 0 : i32
      %dma_wait3A_213 = arith.constant 0 : i32
      %dma_wait3A_214 = arith.constant 0 : i32
      %dma_wait3A_215 = tpu.memref_slice %arg3[%add3A, %dma_wait3A, %dma_wait3A_213, %dma_wait3A_214] : memref<32x4x40x64xi32, #tpu.memory_space<hbm>> -> memref<1x4x40x64xi32, #tpu.memory_space<hbm>>
      %dma_wait3A_216 = tpu.memref_squeeze %dma_wait3A_215 : memref<1x4x40x64xi32, #tpu.memory_space<hbm>> -> memref<4x40x64xi32, #tpu.memory_space<hbm>>
      %dma_wait3A_217 = arith.constant 0 : i32
      %dma_wait3A_218 = arith.constant 0 : i32
      %dma_wait3A_219 = tpu.memref_slice %dma_wait3A_216[%run_scoped3A_154, %dma_wait3A_217, %dma_wait3A_218] : memref<4x40x64xi32, #tpu.memory_space<hbm>> -> memref<1x40x64xi32, #tpu.memory_space<hbm>>
      %dma_wait3A_220 = tpu.memref_squeeze %dma_wait3A_219 : memref<1x40x64xi32, #tpu.memory_space<hbm>> -> memref<40x64xi32, #tpu.memory_space<hbm>>
      %dma_wait3A_221 = arith.constant 0 : i32
      %dma_wait3A_222 = arith.constant 0 : i32
      %dma_wait3A_223 = arith.constant 0 : i32
      %dma_wait3A_224 = tpu.memref_slice %arg3[%add3A, %dma_wait3A_221, %dma_wait3A_222, %dma_wait3A_223] : memref<32x4x40x64xi32, #tpu.memory_space<hbm>> -> memref<1x4x40x64xi32, #tpu.memory_space<hbm>>
      %dma_wait3A_225 = tpu.memref_squeeze %dma_wait3A_224 : memref<1x4x40x64xi32, #tpu.memory_space<hbm>> -> memref<4x40x64xi32, #tpu.memory_space<hbm>>
      %dma_wait3A_226 = arith.constant 0 : i32
      %dma_wait3A_227 = arith.constant 0 : i32
      %dma_wait3A_228 = tpu.memref_slice %dma_wait3A_225[%run_scoped3A_154, %dma_wait3A_226, %dma_wait3A_227] : memref<4x40x64xi32, #tpu.memory_space<hbm>> -> memref<1x40x64xi32, #tpu.memory_space<hbm>>
      %dma_wait3A_229 = tpu.memref_squeeze %dma_wait3A_228 : memref<1x40x64xi32, #tpu.memory_space<hbm>> -> memref<40x64xi32, #tpu.memory_space<hbm>>
      tpu.wait_dma2 semaphore(%run_scoped3A_194 : memref<!tpu.dma_semaphore, #tpu.memory_space<semaphore_mem>>) src(%dma_wait3A_229 : memref<40x64xi32, #tpu.memory_space<hbm>>) dst(%arg7 : memref<40x64xi32, #tpu.memory_space<vmem>>)
      tpu.yield
    }) : () -> ()
    %dma_start3A_155 = arith.constant 0 : i32
    %dma_start3A_156 = arith.constant 0 : i32
    %dma_start3A_157 = tpu.memref_slice %arg6[%dma_start3A_155, %dma_start3A_156] : memref<40x64xi32, #tpu.memory_space<vmem>> -> memref<1x64xi32, #tpu.memory_space<vmem>>
    %dma_start3A_158 = tpu.memref_squeeze %dma_start3A_157 : memref<1x64xi32, #tpu.memory_space<vmem>> -> memref<64xi32, #tpu.memory_space<vmem>>
    %dma_start3A_159 = arith.constant 0 : i32
    %dma_start3A_160 = arith.constant 0 : i32
    %dma_start3A_161 = tpu.memref_slice %arg4[%dma_start3A_159, %dma_start3A_160] : memref<10240x128xf32, #tpu.memory_space<hbm>> -> memref<10240x128xf32, #tpu.memory_space<hbm>>
    tpu.enqueue_indirect_dma source(%dma_start3A_161 : memref<10240x128xf32, #tpu.memory_space<hbm>>) target(%arg8 : memref<64x128xf32, #tpu.memory_space<vmem>>) offsets(%dma_start3A_158 : memref<64xi32, #tpu.memory_space<vmem>>) semaphore(%arg13 : memref<!tpu.dma_semaphore, #tpu.memory_space<semaphore_mem>>)
    %dma_start3A_162 = arith.constant 1 : i32
    %dma_start3A_163 = arith.constant 0 : i32
    %dma_start3A_164 = tpu.memref_slice %arg6[%dma_start3A_162, %dma_start3A_163] : memref<40x64xi32, #tpu.memory_space<vmem>> -> memref<1x64xi32, #tpu.memory_space<vmem>>
    %dma_start3A_165 = tpu.memref_squeeze %dma_start3A_164 : memref<1x64xi32, #tpu.memory_space<vmem>> -> memref<64xi32, #tpu.memory_space<vmem>>
    %dma_start3A_166 = arith.constant 0 : i32
    %dma_start3A_167 = arith.constant 0 : i32
    %dma_start3A_168 = tpu.memref_slice %arg4[%dma_start3A_166, %dma_start3A_167] : memref<10240x128xf32, #tpu.memory_space<hbm>> -> memref<10240x128xf32, #tpu.memory_space<hbm>>
    tpu.enqueue_indirect_dma source(%dma_start3A_168 : memref<10240x128xf32, #tpu.memory_space<hbm>>) target(%arg9 : memref<64x128xf32, #tpu.memory_space<vmem>>) offsets(%dma_start3A_165 : memref<64xi32, #tpu.memory_space<vmem>>) semaphore(%arg14 : memref<!tpu.dma_semaphore, #tpu.memory_space<semaphore_mem>>)
    %dma_start3A_169 = arith.constant 2 : i32
    %dma_start3A_170 = arith.constant 0 : i32
    %dma_start3A_171 = tpu.memref_slice %arg6[%dma_start3A_169, %dma_start3A_170] : memref<40x64xi32, #tpu.memory_space<vmem>> -> memref<1x64xi32, #tpu.memory_space<vmem>>
    %dma_start3A_172 = tpu.memref_squeeze %dma_start3A_171 : memref<1x64xi32, #tpu.memory_space<vmem>> -> memref<64xi32, #tpu.memory_space<vmem>>
    %dma_start3A_173 = arith.constant 0 : i32
    %dma_start3A_174 = arith.constant 0 : i32
    %dma_start3A_175 = tpu.memref_slice %arg4[%dma_start3A_173, %dma_start3A_174] : memref<10240x128xf32, #tpu.memory_space<hbm>> -> memref<10240x128xf32, #tpu.memory_space<hbm>>
    tpu.enqueue_indirect_dma source(%dma_start3A_175 : memref<10240x128xf32, #tpu.memory_space<hbm>>) target(%arg10 : memref<64x128xf32, #tpu.memory_space<vmem>>) offsets(%dma_start3A_172 : memref<64xi32, #tpu.memory_space<vmem>>) semaphore(%arg15 : memref<!tpu.dma_semaphore, #tpu.memory_space<semaphore_mem>>)
    %dma_start3A_176 = arith.constant 3 : i32
    %dma_start3A_177 = arith.constant 0 : i32
    %dma_start3A_178 = tpu.memref_slice %arg6[%dma_start3A_176, %dma_start3A_177] : memref<40x64xi32, #tpu.memory_space<vmem>> -> memref<1x64xi32, #tpu.memory_space<vmem>>
    %dma_start3A_179 = tpu.memref_squeeze %dma_start3A_178 : memref<1x64xi32, #tpu.memory_space<vmem>> -> memref<64xi32, #tpu.memory_space<vmem>>
    %dma_start3A_180 = arith.constant 0 : i32
    %dma_start3A_181 = arith.constant 0 : i32
    %dma_start3A_182 = tpu.memref_slice %arg4[%dma_start3A_180, %dma_start3A_181] : memref<10240x128xf32, #tpu.memory_space<hbm>> -> memref<10240x128xf32, #tpu.memory_space<hbm>>
    tpu.enqueue_indirect_dma source(%dma_start3A_182 : memref<10240x128xf32, #tpu.memory_space<hbm>>) target(%arg11 : memref<64x128xf32, #tpu.memory_space<vmem>>) offsets(%dma_start3A_179 : memref<64xi32, #tpu.memory_space<vmem>>) semaphore(%arg16 : memref<!tpu.dma_semaphore, #tpu.memory_space<semaphore_mem>>)
    %scan3A_183 = arith.constant 0 : i32
    %scan3A_184 = arith.constant 0 : i32
    %scan3A_185 = arith.constant 10 : i32
    %scan3A_186 = arith.addi %scan3A_184, %scan3A_185 : i32
    %scan3A_187 = arith.constant 1 : i32
    scf.for %scan3A_194 = %scan3A_184 to %scan3A_186 step %scan3A_187  : i32 {
      %mul3A_195 = arith.constant 4 : i32
      %mul3A_196 = arith.muli %mul3A_195, %scan3A_194 : i32
      %add3A_197 = arith.constant 0 : i32
      %add3A_198 = arith.addi %mul3A_196, %add3A_197 : i32
      %dma_wait3A = arith.constant 0 : i32
      %dma_wait3A_199 = tpu.memref_slice %arg6[%add3A_198, %dma_wait3A] : memref<40x64xi32, #tpu.memory_space<vmem>> -> memref<1x64xi32, #tpu.memory_space<vmem>>
      %dma_wait3A_200 = tpu.memref_squeeze %dma_wait3A_199 : memref<1x64xi32, #tpu.memory_space<vmem>> -> memref<64xi32, #tpu.memory_space<vmem>>
      %dma_wait3A_201 = arith.constant 0 : i32
      %dma_wait3A_202 = arith.constant 0 : i32
      %dma_wait3A_203 = tpu.memref_slice %arg4[%dma_wait3A_201, %dma_wait3A_202] : memref<10240x128xf32, #tpu.memory_space<hbm>> -> memref<10240x128xf32, #tpu.memory_space<hbm>>
      tpu.wait_indirect_dma semaphore(%arg13 : memref<!tpu.dma_semaphore, #tpu.memory_space<semaphore_mem>>) src(%dma_wait3A_203 : memref<10240x128xf32, #tpu.memory_space<hbm>>) dst(%arg8 : memref<64x128xf32, #tpu.memory_space<vmem>>)
      %dma_start3A_204 = arith.constant 0 : i32
      %dma_start3A_205 = tpu.memref_slice %arg7[%add3A_198, %dma_start3A_204] : memref<40x64xi32, #tpu.memory_space<vmem>> -> memref<1x64xi32, #tpu.memory_space<vmem>>
      %dma_start3A_206 = tpu.memref_squeeze %dma_start3A_205 : memref<1x64xi32, #tpu.memory_space<vmem>> -> memref<64xi32, #tpu.memory_space<vmem>>
      %dma_start3A_207 = arith.constant 0 : i32
      %dma_start3A_208 = arith.constant 0 : i32
      %dma_start3A_209 = tpu.memref_slice %arg12[%dma_start3A_207, %dma_start3A_208] : memref<10240x128xf32, #tpu.memory_space<vmem_shared>> -> memref<10240x128xf32, #tpu.memory_space<vmem_shared>>
      tpu.enqueue_indirect_dma source(%arg8 : memref<64x128xf32, #tpu.memory_space<vmem>>) target(%dma_start3A_209 : memref<10240x128xf32, #tpu.memory_space<vmem_shared>>) offsets(%dma_start3A_206 : memref<64xi32, #tpu.memory_space<vmem>>) semaphore(%arg17 : memref<!tpu.dma_semaphore, #tpu.memory_space<semaphore_mem>>) {add = true}
      %mul3A_210 = arith.constant 4 : i32
      %mul3A_211 = arith.muli %mul3A_210, %scan3A_194 : i32
      %add3A_212 = arith.constant 1 : i32
      %add3A_213 = arith.addi %mul3A_211, %add3A_212 : i32
      %dma_wait3A_214 = arith.constant 0 : i32
      %dma_wait3A_215 = tpu.memref_slice %arg6[%add3A_213, %dma_wait3A_214] : memref<40x64xi32, #tpu.memory_space<vmem>> -> memref<1x64xi32, #tpu.memory_space<vmem>>
      %dma_wait3A_216 = tpu.memref_squeeze %dma_wait3A_215 : memref<1x64xi32, #tpu.memory_space<vmem>> -> memref<64xi32, #tpu.memory_space<vmem>>
      %dma_wait3A_217 = arith.constant 0 : i32
      %dma_wait3A_218 = arith.constant 0 : i32
      %dma_wait3A_219 = tpu.memref_slice %arg4[%dma_wait3A_217, %dma_wait3A_218] : memref<10240x128xf32, #tpu.memory_space<hbm>> -> memref<10240x128xf32, #tpu.memory_space<hbm>>
      tpu.wait_indirect_dma semaphore(%arg14 : memref<!tpu.dma_semaphore, #tpu.memory_space<semaphore_mem>>) src(%dma_wait3A_219 : memref<10240x128xf32, #tpu.memory_space<hbm>>) dst(%arg9 : memref<64x128xf32, #tpu.memory_space<vmem>>)
      %dma_start3A_220 = arith.constant 0 : i32
      %dma_start3A_221 = tpu.memref_slice %arg7[%add3A_213, %dma_start3A_220] : memref<40x64xi32, #tpu.memory_space<vmem>> -> memref<1x64xi32, #tpu.memory_space<vmem>>
      %dma_start3A_222 = tpu.memref_squeeze %dma_start3A_221 : memref<1x64xi32, #tpu.memory_space<vmem>> -> memref<64xi32, #tpu.memory_space<vmem>>
      %dma_start3A_223 = arith.constant 0 : i32
      %dma_start3A_224 = arith.constant 0 : i32
      %dma_start3A_225 = tpu.memref_slice %arg12[%dma_start3A_223, %dma_start3A_224] : memref<10240x128xf32, #tpu.memory_space<vmem_shared>> -> memref<10240x128xf32, #tpu.memory_space<vmem_shared>>
      tpu.enqueue_indirect_dma source(%arg9 : memref<64x128xf32, #tpu.memory_space<vmem>>) target(%dma_start3A_225 : memref<10240x128xf32, #tpu.memory_space<vmem_shared>>) offsets(%dma_start3A_222 : memref<64xi32, #tpu.memory_space<vmem>>) semaphore(%arg18 : memref<!tpu.dma_semaphore, #tpu.memory_space<semaphore_mem>>) {add = true}
      %mul3A_226 = arith.constant 4 : i32
      %mul3A_227 = arith.muli %mul3A_226, %scan3A_194 : i32
      %add3A_228 = arith.constant 2 : i32
      %add3A_229 = arith.addi %mul3A_227, %add3A_228 : i32
      %dma_wait3A_230 = arith.constant 0 : i32
      %dma_wait3A_231 = tpu.memref_slice %arg6[%add3A_229, %dma_wait3A_230] : memref<40x64xi32, #tpu.memory_space<vmem>> -> memref<1x64xi32, #tpu.memory_space<vmem>>
      %dma_wait3A_232 = tpu.memref_squeeze %dma_wait3A_231 : memref<1x64xi32, #tpu.memory_space<vmem>> -> memref<64xi32, #tpu.memory_space<vmem>>
      %dma_wait3A_233 = arith.constant 0 : i32
      %dma_wait3A_234 = arith.constant 0 : i32
      %dma_wait3A_235 = tpu.memref_slice %arg4[%dma_wait3A_233, %dma_wait3A_234] : memref<10240x128xf32, #tpu.memory_space<hbm>> -> memref<10240x128xf32, #tpu.memory_space<hbm>>
      tpu.wait_indirect_dma semaphore(%arg15 : memref<!tpu.dma_semaphore, #tpu.memory_space<semaphore_mem>>) src(%dma_wait3A_235 : memref<10240x128xf32, #tpu.memory_space<hbm>>) dst(%arg10 : memref<64x128xf32, #tpu.memory_space<vmem>>)
      %dma_start3A_236 = arith.constant 0 : i32
      %dma_start3A_237 = tpu.memref_slice %arg7[%add3A_229, %dma_start3A_236] : memref<40x64xi32, #tpu.memory_space<vmem>> -> memref<1x64xi32, #tpu.memory_space<vmem>>
      %dma_start3A_238 = tpu.memref_squeeze %dma_start3A_237 : memref<1x64xi32, #tpu.memory_space<vmem>> -> memref<64xi32, #tpu.memory_space<vmem>>
      %dma_start3A_239 = arith.constant 0 : i32
      %dma_start3A_240 = arith.constant 0 : i32
      %dma_start3A_241 = tpu.memref_slice %arg12[%dma_start3A_239, %dma_start3A_240] : memref<10240x128xf32, #tpu.memory_space<vmem_shared>> -> memref<10240x128xf32, #tpu.memory_space<vmem_shared>>
      tpu.enqueue_indirect_dma source(%arg10 : memref<64x128xf32, #tpu.memory_space<vmem>>) target(%dma_start3A_241 : memref<10240x128xf32, #tpu.memory_space<vmem_shared>>) offsets(%dma_start3A_238 : memref<64xi32, #tpu.memory_space<vmem>>) semaphore(%arg19 : memref<!tpu.dma_semaphore, #tpu.memory_space<semaphore_mem>>) {add = true}
      %mul3A_242 = arith.constant 4 : i32
      %mul3A_243 = arith.muli %mul3A_242, %scan3A_194 : i32
      %add3A_244 = arith.constant 3 : i32
      %add3A_245 = arith.addi %mul3A_243, %add3A_244 : i32
      %dma_wait3A_246 = arith.constant 0 : i32
      %dma_wait3A_247 = tpu.memref_slice %arg6[%add3A_245, %dma_wait3A_246] : memref<40x64xi32, #tpu.memory_space<vmem>> -> memref<1x64xi32, #tpu.memory_space<vmem>>
      %dma_wait3A_248 = tpu.memref_squeeze %dma_wait3A_247 : memref<1x64xi32, #tpu.memory_space<vmem>> -> memref<64xi32, #tpu.memory_space<vmem>>
      %dma_wait3A_249 = arith.constant 0 : i32
      %dma_wait3A_250 = arith.constant 0 : i32
      %dma_wait3A_251 = tpu.memref_slice %arg4[%dma_wait3A_249, %dma_wait3A_250] : memref<10240x128xf32, #tpu.memory_space<hbm>> -> memref<10240x128xf32, #tpu.memory_space<hbm>>
      tpu.wait_indirect_dma semaphore(%arg16 : memref<!tpu.dma_semaphore, #tpu.memory_space<semaphore_mem>>) src(%dma_wait3A_251 : memref<10240x128xf32, #tpu.memory_space<hbm>>) dst(%arg11 : memref<64x128xf32, #tpu.memory_space<vmem>>)
      %dma_start3A_252 = arith.constant 0 : i32
      %dma_start3A_253 = tpu.memref_slice %arg7[%add3A_245, %dma_start3A_252] : memref<40x64xi32, #tpu.memory_space<vmem>> -> memref<1x64xi32, #tpu.memory_space<vmem>>
      %dma_start3A_254 = tpu.memref_squeeze %dma_start3A_253 : memref<1x64xi32, #tpu.memory_space<vmem>> -> memref<64xi32, #tpu.memory_space<vmem>>
      %dma_start3A_255 = arith.constant 0 : i32
      %dma_start3A_256 = arith.constant 0 : i32
      %dma_start3A_257 = tpu.memref_slice %arg12[%dma_start3A_255, %dma_start3A_256] : memref<10240x128xf32, #tpu.memory_space<vmem_shared>> -> memref<10240x128xf32, #tpu.memory_space<vmem_shared>>
      tpu.enqueue_indirect_dma source(%arg11 : memref<64x128xf32, #tpu.memory_space<vmem>>) target(%dma_start3A_257 : memref<10240x128xf32, #tpu.memory_space<vmem_shared>>) offsets(%dma_start3A_254 : memref<64xi32, #tpu.memory_space<vmem>>) semaphore(%arg20 : memref<!tpu.dma_semaphore, #tpu.memory_space<semaphore_mem>>) {add = true}
      %mul3A_258 = arith.constant 4 : i32
      %mul3A_259 = arith.muli %mul3A_258, %scan3A_194 : i32
      %add3A_260 = arith.constant 0 : i32
      %add3A_261 = arith.addi %mul3A_259, %add3A_260 : i32
      %dma_wait3A_262 = arith.constant 0 : i32
      %dma_wait3A_263 = tpu.memref_slice %arg7[%add3A_261, %dma_wait3A_262] : memref<40x64xi32, #tpu.memory_space<vmem>> -> memref<1x64xi32, #tpu.memory_space<vmem>>
      %dma_wait3A_264 = tpu.memref_squeeze %dma_wait3A_263 : memref<1x64xi32, #tpu.memory_space<vmem>> -> memref<64xi32, #tpu.memory_space<vmem>>
      %dma_wait3A_265 = arith.constant 0 : i32
      %dma_wait3A_266 = arith.constant 0 : i32
      %dma_wait3A_267 = tpu.memref_slice %arg12[%dma_wait3A_265, %dma_wait3A_266] : memref<10240x128xf32, #tpu.memory_space<vmem_shared>> -> memref<10240x128xf32, #tpu.memory_space<vmem_shared>>
      tpu.wait_indirect_dma semaphore(%arg17 : memref<!tpu.dma_semaphore, #tpu.memory_space<semaphore_mem>>) src(%arg8 : memref<64x128xf32, #tpu.memory_space<vmem>>) dst(%dma_wait3A_267 : memref<10240x128xf32, #tpu.memory_space<vmem_shared>>)
      %lt3A = arith.constant 9 : i32
      %lt3A_268 = arith.cmpi slt, %scan3A_194, %lt3A : i32
      %convert_element_type3A = arith.extui %lt3A_268 : i1 to i32
      %cond3A = arith.constant 0 : i32
      %cond3A_269 = arith.cmpi ne, %convert_element_type3A, %cond3A : i32
      scf.if %cond3A_269 {
        %add3A_315 = arith.constant 4 : i32
        %add3A_316 = arith.addi %add3A_261, %add3A_315 : i32
        %dma_start3A_317 = arith.constant 0 : i32
        %dma_start3A_318 = tpu.memref_slice %arg6[%add3A_316, %dma_start3A_317] : memref<40x64xi32, #tpu.memory_space<vmem>> -> memref<1x64xi32, #tpu.memory_space<vmem>>
        %dma_start3A_319 = tpu.memref_squeeze %dma_start3A_318 : memref<1x64xi32, #tpu.memory_space<vmem>> -> memref<64xi32, #tpu.memory_space<vmem>>
        %dma_start3A_320 = arith.constant 0 : i32
        %dma_start3A_321 = arith.constant 0 : i32
        %dma_start3A_322 = tpu.memref_slice %arg4[%dma_start3A_320, %dma_start3A_321] : memref<10240x128xf32, #tpu.memory_space<hbm>> -> memref<10240x128xf32, #tpu.memory_space<hbm>>
        tpu.enqueue_indirect_dma source(%dma_start3A_322 : memref<10240x128xf32, #tpu.memory_space<hbm>>) target(%arg8 : memref<64x128xf32, #tpu.memory_space<vmem>>) offsets(%dma_start3A_319 : memref<64xi32, #tpu.memory_space<vmem>>) semaphore(%arg13 : memref<!tpu.dma_semaphore, #tpu.memory_space<semaphore_mem>>)
      } else {
      }
      %mul3A_270 = arith.constant 4 : i32
      %mul3A_271 = arith.muli %mul3A_270, %scan3A_194 : i32
      %add3A_272 = arith.constant 1 : i32
      %add3A_273 = arith.addi %mul3A_271, %add3A_272 : i32
      %dma_wait3A_274 = arith.constant 0 : i32
      %dma_wait3A_275 = tpu.memref_slice %arg7[%add3A_273, %dma_wait3A_274] : memref<40x64xi32, #tpu.memory_space<vmem>> -> memref<1x64xi32, #tpu.memory_space<vmem>>
      %dma_wait3A_276 = tpu.memref_squeeze %dma_wait3A_275 : memref<1x64xi32, #tpu.memory_space<vmem>> -> memref<64xi32, #tpu.memory_space<vmem>>
      %dma_wait3A_277 = arith.constant 0 : i32
      %dma_wait3A_278 = arith.constant 0 : i32
      %dma_wait3A_279 = tpu.memref_slice %arg12[%dma_wait3A_277, %dma_wait3A_278] : memref<10240x128xf32, #tpu.memory_space<vmem_shared>> -> memref<10240x128xf32, #tpu.memory_space<vmem_shared>>
      tpu.wait_indirect_dma semaphore(%arg18 : memref<!tpu.dma_semaphore, #tpu.memory_space<semaphore_mem>>) src(%arg9 : memref<64x128xf32, #tpu.memory_space<vmem>>) dst(%dma_wait3A_279 : memref<10240x128xf32, #tpu.memory_space<vmem_shared>>)
      %lt3A_280 = arith.constant 9 : i32
      %lt3A_281 = arith.cmpi slt, %scan3A_194, %lt3A_280 : i32
      %convert_element_type3A_282 = arith.extui %lt3A_281 : i1 to i32
      %cond3A_283 = arith.constant 0 : i32
      %cond3A_284 = arith.cmpi ne, %convert_element_type3A_282, %cond3A_283 : i32
      scf.if %cond3A_284 {
        %add3A_315 = arith.constant 4 : i32
        %add3A_316 = arith.addi %add3A_273, %add3A_315 : i32
        %dma_start3A_317 = arith.constant 0 : i32
        %dma_start3A_318 = tpu.memref_slice %arg6[%add3A_316, %dma_start3A_317] : memref<40x64xi32, #tpu.memory_space<vmem>> -> memref<1x64xi32, #tpu.memory_space<vmem>>
        %dma_start3A_319 = tpu.memref_squeeze %dma_start3A_318 : memref<1x64xi32, #tpu.memory_space<vmem>> -> memref<64xi32, #tpu.memory_space<vmem>>
        %dma_start3A_320 = arith.constant 0 : i32
        %dma_start3A_321 = arith.constant 0 : i32
        %dma_start3A_322 = tpu.memref_slice %arg4[%dma_start3A_320, %dma_start3A_321] : memref<10240x128xf32, #tpu.memory_space<hbm>> -> memref<10240x128xf32, #tpu.memory_space<hbm>>
        tpu.enqueue_indirect_dma source(%dma_start3A_322 : memref<10240x128xf32, #tpu.memory_space<hbm>>) target(%arg9 : memref<64x128xf32, #tpu.memory_space<vmem>>) offsets(%dma_start3A_319 : memref<64xi32, #tpu.memory_space<vmem>>) semaphore(%arg14 : memref<!tpu.dma_semaphore, #tpu.memory_space<semaphore_mem>>)
      } else {
      }
      %mul3A_285 = arith.constant 4 : i32
      %mul3A_286 = arith.muli %mul3A_285, %scan3A_194 : i32
      %add3A_287 = arith.constant 2 : i32
      %add3A_288 = arith.addi %mul3A_286, %add3A_287 : i32
      %dma_wait3A_289 = arith.constant 0 : i32
      %dma_wait3A_290 = tpu.memref_slice %arg7[%add3A_288, %dma_wait3A_289] : memref<40x64xi32, #tpu.memory_space<vmem>> -> memref<1x64xi32, #tpu.memory_space<vmem>>
      %dma_wait3A_291 = tpu.memref_squeeze %dma_wait3A_290 : memref<1x64xi32, #tpu.memory_space<vmem>> -> memref<64xi32, #tpu.memory_space<vmem>>
      %dma_wait3A_292 = arith.constant 0 : i32
      %dma_wait3A_293 = arith.constant 0 : i32
      %dma_wait3A_294 = tpu.memref_slice %arg12[%dma_wait3A_292, %dma_wait3A_293] : memref<10240x128xf32, #tpu.memory_space<vmem_shared>> -> memref<10240x128xf32, #tpu.memory_space<vmem_shared>>
      tpu.wait_indirect_dma semaphore(%arg19 : memref<!tpu.dma_semaphore, #tpu.memory_space<semaphore_mem>>) src(%arg10 : memref<64x128xf32, #tpu.memory_space<vmem>>) dst(%dma_wait3A_294 : memref<10240x128xf32, #tpu.memory_space<vmem_shared>>)
      %lt3A_295 = arith.constant 9 : i32
      %lt3A_296 = arith.cmpi slt, %scan3A_194, %lt3A_295 : i32
      %convert_element_type3A_297 = arith.extui %lt3A_296 : i1 to i32
      %cond3A_298 = arith.constant 0 : i32
      %cond3A_299 = arith.cmpi ne, %convert_element_type3A_297, %cond3A_298 : i32
      scf.if %cond3A_299 {
        %add3A_315 = arith.constant 4 : i32
        %add3A_316 = arith.addi %add3A_288, %add3A_315 : i32
        %dma_start3A_317 = arith.constant 0 : i32
        %dma_start3A_318 = tpu.memref_slice %arg6[%add3A_316, %dma_start3A_317] : memref<40x64xi32, #tpu.memory_space<vmem>> -> memref<1x64xi32, #tpu.memory_space<vmem>>
        %dma_start3A_319 = tpu.memref_squeeze %dma_start3A_318 : memref<1x64xi32, #tpu.memory_space<vmem>> -> memref<64xi32, #tpu.memory_space<vmem>>
        %dma_start3A_320 = arith.constant 0 : i32
        %dma_start3A_321 = arith.constant 0 : i32
        %dma_start3A_322 = tpu.memref_slice %arg4[%dma_start3A_320, %dma_start3A_321] : memref<10240x128xf32, #tpu.memory_space<hbm>> -> memref<10240x128xf32, #tpu.memory_space<hbm>>
        tpu.enqueue_indirect_dma source(%dma_start3A_322 : memref<10240x128xf32, #tpu.memory_space<hbm>>) target(%arg10 : memref<64x128xf32, #tpu.memory_space<vmem>>) offsets(%dma_start3A_319 : memref<64xi32, #tpu.memory_space<vmem>>) semaphore(%arg15 : memref<!tpu.dma_semaphore, #tpu.memory_space<semaphore_mem>>)
      } else {
      }
      %mul3A_300 = arith.constant 4 : i32
      %mul3A_301 = arith.muli %mul3A_300, %scan3A_194 : i32
      %add3A_302 = arith.constant 3 : i32
      %add3A_303 = arith.addi %mul3A_301, %add3A_302 : i32
      %dma_wait3A_304 = arith.constant 0 : i32
      %dma_wait3A_305 = tpu.memref_slice %arg7[%add3A_303, %dma_wait3A_304] : memref<40x64xi32, #tpu.memory_space<vmem>> -> memref<1x64xi32, #tpu.memory_space<vmem>>
      %dma_wait3A_306 = tpu.memref_squeeze %dma_wait3A_305 : memref<1x64xi32, #tpu.memory_space<vmem>> -> memref<64xi32, #tpu.memory_space<vmem>>
      %dma_wait3A_307 = arith.constant 0 : i32
      %dma_wait3A_308 = arith.constant 0 : i32
      %dma_wait3A_309 = tpu.memref_slice %arg12[%dma_wait3A_307, %dma_wait3A_308] : memref<10240x128xf32, #tpu.memory_space<vmem_shared>> -> memref<10240x128xf32, #tpu.memory_space<vmem_shared>>
      tpu.wait_indirect_dma semaphore(%arg20 : memref<!tpu.dma_semaphore, #tpu.memory_space<semaphore_mem>>) src(%arg11 : memref<64x128xf32, #tpu.memory_space<vmem>>) dst(%dma_wait3A_309 : memref<10240x128xf32, #tpu.memory_space<vmem_shared>>)
      %lt3A_310 = arith.constant 9 : i32
      %lt3A_311 = arith.cmpi slt, %scan3A_194, %lt3A_310 : i32
      %convert_element_type3A_312 = arith.extui %lt3A_311 : i1 to i32
      %cond3A_313 = arith.constant 0 : i32
      %cond3A_314 = arith.cmpi ne, %convert_element_type3A_312, %cond3A_313 : i32
      scf.if %cond3A_314 {
        %add3A_315 = arith.constant 4 : i32
        %add3A_316 = arith.addi %add3A_303, %add3A_315 : i32
        %dma_start3A_317 = arith.constant 0 : i32
        %dma_start3A_318 = tpu.memref_slice %arg6[%add3A_316, %dma_start3A_317] : memref<40x64xi32, #tpu.memory_space<vmem>> -> memref<1x64xi32, #tpu.memory_space<vmem>>
        %dma_start3A_319 = tpu.memref_squeeze %dma_start3A_318 : memref<1x64xi32, #tpu.memory_space<vmem>> -> memref<64xi32, #tpu.memory_space<vmem>>
        %dma_start3A_320 = arith.constant 0 : i32
        %dma_start3A_321 = arith.constant 0 : i32
        %dma_start3A_322 = tpu.memref_slice %arg4[%dma_start3A_320, %dma_start3A_321] : memref<10240x128xf32, #tpu.memory_space<hbm>> -> memref<10240x128xf32, #tpu.memory_space<hbm>>
        tpu.enqueue_indirect_dma source(%dma_start3A_322 : memref<10240x128xf32, #tpu.memory_space<hbm>>) target(%arg11 : memref<64x128xf32, #tpu.memory_space<vmem>>) offsets(%dma_start3A_319 : memref<64xi32, #tpu.memory_space<vmem>>) semaphore(%arg16 : memref<!tpu.dma_semaphore, #tpu.memory_space<semaphore_mem>>)
      } else {
      }
    }
    %scan3A_188 = arith.constant 10 : i32
    %barrier3A_189 = arith.constant 0 : index
    tpu.barrier barrier_id(%barrier3A_189)
    %mul3A_190 = arith.constant 640 : i32
    %mul3A_191 = arith.muli %arg1, %mul3A_190 : i32
    %mul3A_192 = arith.constant 640 : i32
    %mul3A_193 = arith.muli %arg1, %mul3A_192 : i32
    "tpu.region"() ({
      %run_scoped3A_194 = tpu.sem_alloc : memref<!tpu.dma_semaphore, #tpu.memory_space<semaphore_mem>>
      %dma_start3A_195 = arith.constant 0 : i32
      %dma_start3A_196 = arith.constant 0 : i32
      %dma_start3A_197 = tpu.memref_slice %arg5[%arg0, %dma_start3A_195, %dma_start3A_196] : memref<2x10240x128xf32, #tpu.memory_space<hbm>> -> memref<1x10240x128xf32, #tpu.memory_space<hbm>>
      %dma_start3A_198 = tpu.memref_squeeze %dma_start3A_197 : memref<1x10240x128xf32, #tpu.memory_space<hbm>> -> memref<10240x128xf32, #tpu.memory_space<hbm>>
      %dma_start3A_199 = arith.constant 0 : i32
      %dma_start3A_200 = tpu.memref_slice %dma_start3A_198[%mul3A_193, %dma_start3A_199] : memref<10240x128xf32, #tpu.memory_space<hbm>> -> memref<640x128xf32, #tpu.memory_space<hbm>>
      %dma_start3A_201 = arith.constant 0 : i32
      %dma_start3A_202 = tpu.memref_slice %arg12[%mul3A_191, %dma_start3A_201] : memref<10240x128xf32, #tpu.memory_space<vmem_shared>> -> memref<640x128xf32, #tpu.memory_space<vmem_shared>>
      tpu.enqueue_dma source(%dma_start3A_202 : memref<640x128xf32, #tpu.memory_space<vmem_shared>>) target(%dma_start3A_200 : memref<640x128xf32, #tpu.memory_space<hbm>>) target_semaphore(%run_scoped3A_194 : memref<!tpu.dma_semaphore, #tpu.memory_space<semaphore_mem>>)
      %dma_wait3A = arith.constant 0 : i32
      %dma_wait3A_203 = arith.constant 0 : i32
      %dma_wait3A_204 = tpu.memref_slice %arg5[%arg0, %dma_wait3A, %dma_wait3A_203] : memref<2x10240x128xf32, #tpu.memory_space<hbm>> -> memref<1x10240x128xf32, #tpu.memory_space<hbm>>
      %dma_wait3A_205 = tpu.memref_squeeze %dma_wait3A_204 : memref<1x10240x128xf32, #tpu.memory_space<hbm>> -> memref<10240x128xf32, #tpu.memory_space<hbm>>
      %dma_wait3A_206 = arith.constant 0 : i32
      %dma_wait3A_207 = tpu.memref_slice %dma_wait3A_205[%mul3A_193, %dma_wait3A_206] : memref<10240x128xf32, #tpu.memory_space<hbm>> -> memref<640x128xf32, #tpu.memory_space<hbm>>
      %dma_wait3A_208 = arith.constant 0 : i32
      %dma_wait3A_209 = tpu.memref_slice %arg12[%mul3A_191, %dma_wait3A_208] : memref<10240x128xf32, #tpu.memory_space<vmem_shared>> -> memref<640x128xf32, #tpu.memory_space<vmem_shared>>
      tpu.wait_dma2 semaphore(%run_scoped3A_194 : memref<!tpu.dma_semaphore, #tpu.memory_space<semaphore_mem>>) src(%dma_wait3A_209 : memref<640x128xf32, #tpu.memory_space<vmem_shared>>) dst(%dma_wait3A_207 : memref<640x128xf32, #tpu.memory_space<hbm>>)
      tpu.yield
    }) : () -> ()
    return
  }
}

module attributes {stable_mosaic.version = 14 : i64} {
  func.func @_dense_body(%arg0: i32, %arg1: memref<1024x128xf32, #tpu.memory_space<vmem>>, %arg2: memref<128x128xf32, #tpu.memory_space<vmem>>, %arg3: memref<128x128xf32, #tpu.memory_space<vmem>>, %arg4: memref<1x128xf32, #tpu.memory_space<vmem>>, %arg5: memref<1024x2xf32, #tpu.memory_space<vmem>>, %arg6: memref<1024x128xf32, #tpu.memory_space<vmem>>, %arg7: memref<1024x128xf32, #tpu.memory_space<vmem>>) attributes {dimension_semantics = [#tpu.dimension_semantics<arbitrary>], iteration_bounds = array<i64: 10>, scalar_prefetch = 0 : i64, scratch_operands = 0 : i64, tpu.core_type = #tpu.core_type<tc>, window_params = [{transform_indices = @transform_0, window_bounds = array<i64: 1024, 128>}, {pipeline_mode = #tpu.pipeline_mode<synchronous>, transform_indices = @transform_1, window_bounds = array<i64: 128, 128>}, {pipeline_mode = #tpu.pipeline_mode<synchronous>, transform_indices = @transform_2, window_bounds = array<i64: 128, 128>}, {pipeline_mode = #tpu.pipeline_mode<synchronous>, transform_indices = @transform_3, window_bounds = array<i64: 1, 128>}, {transform_indices = @transform_4, window_bounds = array<i64: 1024, 2>}, {transform_indices = @transform_5, window_bounds = array<i64: 1024, 128>}, {transform_indices = @transform_6, window_bounds = array<i64: 1024, 128>}]} {
    %get3A = arith.constant 0 : index
    %get3A_0 = arith.constant 0 : index
    %get3A_1 = vector.load %arg1[%get3A, %get3A_0] : memref<1024x128xf32, #tpu.memory_space<vmem>>, vector<1024x128xf32>
    %get3A_2 = arith.constant 0 : index
    %get3A_3 = arith.constant 0 : index
    %get3A_4 = vector.load %arg5[%get3A_2, %get3A_3] : memref<1024x2xf32, #tpu.memory_space<vmem>>, vector<1024x1xf32>
    %get3A_5 = vector.shape_cast %get3A_4 : vector<1024x1xf32> to vector<1024xf32>
    %get3A_6 = arith.constant 0 : index
    %get3A_7 = arith.constant 1 : index
    %get3A_8 = vector.load %arg5[%get3A_6, %get3A_7] : memref<1024x2xf32, #tpu.memory_space<vmem>>, vector<1024x1xf32>
    %get3A_9 = vector.shape_cast %get3A_8 : vector<1024x1xf32> to vector<1024xf32>
    %add3A = arith.addf %get3A_5, %get3A_9 : vector<1024xf32>
    %gt3A = arith.constant 0.000000e+00 : f32
    %gt3A_10 = vector.broadcast %gt3A : f32 to vector<1024xf32>
    %gt3A_11 = arith.cmpf ogt, %add3A, %gt3A_10 : vector<1024xf32>
    %rsqrt3A = math.rsqrt %add3A : vector<1024xf32>
    %jit3A = arith.constant 0.000000e+00 : f32
    %broadcast_in_dim3A = vector.broadcast %jit3A : f32 to vector<1024xf32>
    %select_n3A = arith.select %gt3A_11, %rsqrt3A, %broadcast_in_dim3A : vector<1024xi1>, vector<1024xf32>
    %get3A_12 = arith.constant 0 : index
    %get3A_13 = arith.constant 0 : index
    %get3A_14 = vector.load %arg2[%get3A_12, %get3A_13] : memref<128x128xf32, #tpu.memory_space<vmem>>, vector<128x128xf32>
    %dot_general3A = arith.constant dense<0.000000e+00> : vector<1024x128xf32>
    %dot_general3A_15 = tpu.matmul %get3A_1, %get3A_14, %dot_general3A {dimension_numbers = #tpu.dot_dimension_numbers<[1], [0], [0], [1], [0, 0, 1, 1], [], []>, transpose_lhs_hint = false} : vector<1024x128xf32>, vector<128x128xf32>, vector<1024x128xf32> -> vector<1024x128xf32>
    %broadcast_in_dim3A_16 = vector.shape_cast %select_n3A : vector<1024xf32> to vector<1024x1xf32>
    %mul3A = vector.broadcast %broadcast_in_dim3A_16 : vector<1024x1xf32> to vector<1024x128xf32>
    %mul3A_17 = arith.mulf %dot_general3A_15, %mul3A : vector<1024x128xf32>
    %swap3A = arith.constant 0 : index
    %swap3A_18 = arith.constant 0 : index
    %swap3A_19 = vector.load %arg6[%swap3A, %swap3A_18] : memref<1024x128xf32, #tpu.memory_space<vmem>>, vector<1024x128xf32>
    tpu.vector_store %arg6[%swap3A, %swap3A_18], %mul3A_17 {strides = array<i32>} : memref<1024x128xf32, #tpu.memory_space<vmem>>, vector<1024x128xf32>,
    %get3A_20 = arith.constant 0 : index
    %get3A_21 = arith.constant 0 : index
    %get3A_22 = vector.load %arg3[%get3A_20, %get3A_21] : memref<128x128xf32, #tpu.memory_space<vmem>>, vector<128x128xf32>
    %dot_general3A_23 = arith.constant dense<0.000000e+00> : vector<1024x128xf32>
    %dot_general3A_24 = tpu.matmul %get3A_1, %get3A_22, %dot_general3A_23 {dimension_numbers = #tpu.dot_dimension_numbers<[1], [0], [0], [1], [0, 0, 1, 1], [], []>, transpose_lhs_hint = false} : vector<1024x128xf32>, vector<128x128xf32>, vector<1024x128xf32> -> vector<1024x128xf32>
    %get3A_25 = arith.constant 0 : index
    %get3A_26 = arith.constant 0 : index
    %get3A_27 = vector.load %arg4[%get3A_25, %get3A_26] : memref<1x128xf32, #tpu.memory_space<vmem>>, vector<1x128xf32>
    %get3A_28 = vector.shape_cast %get3A_27 : vector<1x128xf32> to vector<128xf32>
    %broadcast_in_dim3A_29 = vector.shape_cast %get3A_28 : vector<128xf32> to vector<1x128xf32>
    %add3A_30 = vector.broadcast %broadcast_in_dim3A_29 : vector<1x128xf32> to vector<1024x128xf32>
    %add3A_31 = arith.addf %dot_general3A_24, %add3A_30 : vector<1024x128xf32>
    %swap3A_32 = arith.constant 0 : index
    %swap3A_33 = arith.constant 0 : index
    %swap3A_34 = vector.load %arg7[%swap3A_32, %swap3A_33] : memref<1024x128xf32, #tpu.memory_space<vmem>>, vector<1024x128xf32>
    tpu.vector_store %arg7[%swap3A_32, %swap3A_33], %add3A_31 {strides = array<i32>} : memref<1024x128xf32, #tpu.memory_space<vmem>>, vector<1024x128xf32>,
    return
  }
  func.func @transform_0(%arg0: i32) -> (i32, i32) {
    %c0_i32 = arith.constant 0 : i32
    %c0_i32_0 = arith.constant 0 : i32
    return %arg0, %c0_i32 : i32, i32
  }
  func.func @transform_1(%arg0: i32) -> (i32, i32) {
    %c0_i32 = arith.constant 0 : i32
    %c0_i32_0 = arith.constant 0 : i32
    %c0_i32_1 = arith.constant 0 : i32
    return %c0_i32, %c0_i32_0 : i32, i32
  }
  func.func @transform_2(%arg0: i32) -> (i32, i32) {
    %c0_i32 = arith.constant 0 : i32
    %c0_i32_0 = arith.constant 0 : i32
    %c0_i32_1 = arith.constant 0 : i32
    return %c0_i32, %c0_i32_0 : i32, i32
  }
  func.func @transform_3(%arg0: i32) -> (i32, i32) {
    %c0_i32 = arith.constant 0 : i32
    %c0_i32_0 = arith.constant 0 : i32
    %c0_i32_1 = arith.constant 0 : i32
    return %c0_i32, %c0_i32_0 : i32, i32
  }
  func.func @transform_4(%arg0: i32) -> (i32, i32) {
    %c0_i32 = arith.constant 0 : i32
    %c0_i32_0 = arith.constant 0 : i32
    return %arg0, %c0_i32 : i32, i32
  }
  func.func @transform_5(%arg0: i32) -> (i32, i32) {
    %c0_i32 = arith.constant 0 : i32
    %c0_i32_0 = arith.constant 0 : i32
    return %arg0, %c0_i32 : i32, i32
  }
  func.func @transform_6(%arg0: i32) -> (i32, i32) {
    %c0_i32 = arith.constant 0 : i32
    %c0_i32_0 = arith.constant 0 : i32
    return %arg0, %c0_i32 : i32, i32
  }
}

module attributes {stable_mosaic.version = 14 : i64} {
  func.func @_combine_body(%arg0: i32, %arg1: memref<2x1000x128xf32, #tpu.memory_space<vmem>>, %arg2: memref<1000x2xf32, #tpu.memory_space<vmem>>, %arg3: memref<1000x128xf32, #tpu.memory_space<vmem>>, %arg4: memref<1000x128xf32, #tpu.memory_space<vmem>>) attributes {dimension_semantics = [#tpu.dimension_semantics<arbitrary>], iteration_bounds = array<i64: 10>, scalar_prefetch = 0 : i64, scratch_operands = 0 : i64, tpu.core_type = #tpu.core_type<tc>, window_params = [{transform_indices = @transform_0, window_bounds = array<i64: 2, 1000, 128>}, {transform_indices = @transform_1, window_bounds = array<i64: 1000, 2>}, {transform_indices = @transform_2, window_bounds = array<i64: 1000, 128>}, {transform_indices = @transform_3, window_bounds = array<i64: 1000, 128>}]} {
    %get3A = arith.constant 0 : index
    %get3A_0 = arith.constant 0 : index
    %get3A_1 = vector.load %arg2[%get3A, %get3A_0] : memref<1000x2xf32, #tpu.memory_space<vmem>>, vector<1000x1xf32>
    %get3A_2 = vector.shape_cast %get3A_1 : vector<1000x1xf32> to vector<1000xf32>
    %get3A_3 = arith.constant 0 : index
    %get3A_4 = arith.constant 1 : index
    %get3A_5 = vector.load %arg2[%get3A_3, %get3A_4] : memref<1000x2xf32, #tpu.memory_space<vmem>>, vector<1000x1xf32>
    %get3A_6 = vector.shape_cast %get3A_5 : vector<1000x1xf32> to vector<1000xf32>
    %add3A = arith.addf %get3A_2, %get3A_6 : vector<1000xf32>
    %gt3A = arith.constant 0.000000e+00 : f32
    %gt3A_7 = vector.broadcast %gt3A : f32 to vector<1000xf32>
    %gt3A_8 = arith.cmpf ogt, %add3A, %gt3A_7 : vector<1000xf32>
    %rsqrt3A = math.rsqrt %add3A : vector<1000xf32>
    %jit3A = arith.constant 0.000000e+00 : f32
    %broadcast_in_dim3A = vector.broadcast %jit3A : f32 to vector<1000xf32>
    %select_n3A = arith.select %gt3A_8, %rsqrt3A, %broadcast_in_dim3A : vector<1000xi1>, vector<1000xf32>
    %get3A_9 = arith.constant 0 : index
    %get3A_10 = arith.constant 0 : index
    %get3A_11 = arith.constant 0 : index
    %get3A_12 = vector.load %arg1[%get3A_9, %get3A_10, %get3A_11] : memref<2x1000x128xf32, #tpu.memory_space<vmem>>, vector<1x1000x128xf32>
    %get3A_13 = vector.shape_cast %get3A_12 : vector<1x1000x128xf32> to vector<1000x128xf32>
    %get3A_14 = arith.constant 1 : index
    %get3A_15 = arith.constant 0 : index
    %get3A_16 = arith.constant 0 : index
    %get3A_17 = vector.load %arg1[%get3A_14, %get3A_15, %get3A_16] : memref<2x1000x128xf32, #tpu.memory_space<vmem>>, vector<1x1000x128xf32>
    %get3A_18 = vector.shape_cast %get3A_17 : vector<1x1000x128xf32> to vector<1000x128xf32>
    %add3A_19 = arith.addf %get3A_13, %get3A_18 : vector<1000x128xf32>
    %broadcast_in_dim3A_20 = vector.shape_cast %select_n3A : vector<1000xf32> to vector<1000x1xf32>
    %mul3A = vector.broadcast %broadcast_in_dim3A_20 : vector<1000x1xf32> to vector<1000x128xf32>
    %mul3A_21 = arith.mulf %add3A_19, %mul3A : vector<1000x128xf32>
    %get3A_22 = arith.constant 0 : index
    %get3A_23 = arith.constant 0 : index
    %get3A_24 = vector.load %arg3[%get3A_22, %get3A_23] : memref<1000x128xf32, #tpu.memory_space<vmem>>, vector<1000x128xf32>
    %add3A_25 = arith.addf %mul3A_21, %get3A_24 : vector<1000x128xf32>
    %swap3A = arith.constant 0 : index
    %swap3A_26 = arith.constant 0 : index
    %swap3A_27 = vector.load %arg4[%swap3A, %swap3A_26] : memref<1000x128xf32, #tpu.memory_space<vmem>>, vector<1000x128xf32>
    tpu.vector_store %arg4[%swap3A, %swap3A_26], %add3A_25 {strides = array<i32>} : memref<1000x128xf32, #tpu.memory_space<vmem>>, vector<1000x128xf32>,
    return
  }
  func.func @transform_0(%arg0: i32) -> (i32, i32, i32) {
    %c0_i32 = arith.constant 0 : i32
    %c0_i32_0 = arith.constant 0 : i32
    %c0_i32_1 = arith.constant 0 : i32
    return %c0_i32, %arg0, %c0_i32_0 : i32, i32, i32
  }
  func.func @transform_1(%arg0: i32) -> (i32, i32) {
    %c0_i32 = arith.constant 0 : i32
    %c0_i32_0 = arith.constant 0 : i32
    return %arg0, %c0_i32 : i32, i32
  }
  func.func @transform_2(%arg0: i32) -> (i32, i32) {
    %c0_i32 = arith.constant 0 : i32
    %c0_i32_0 = arith.constant 0 : i32
    return %arg0, %c0_i32 : i32, i32
  }
  func.func @transform_3(%arg0: i32) -> (i32, i32) {
    %c0_i32 = arith.constant 0 : i32
    %c0_i32_0 = arith.constant 0 : i32
    return %arg0, %c0_i32 : i32, i32
  }
}

</mosaic_0001>

<sc_bundles>
// kernel: kernel.6.cloned.1.call-start
scs
__scs_entry_jumppad:
0x0: {  	(pc) =	sbr.rel $0x88, $3  }
0x1: {  	(tag) =	ssettag $0x0;
	lr =	simm.s32 $0x1  }
0x2: {  	[smem:$0x3F9B] =	sst lr;
	_ =	strace $0xD0000000  }
0x3: {  	_ = 	snop  }
0x4: {  	_ = 	snop  }
0x5: {  	_ = 	snop  }
0x6: {  	_ = 	snop  }
0x7: {  	_ = 	snop  }
__scs_overlays_trampoline_lowered:
0x8: {  	[smem:$0x3FAA] =	sst s0  }
0x9: {  	[smem:$0x3FAB] =	sst s1  }
0xa: {  	[smem:$0x3FAC] =	sst s2  }
0xb: {  	[smem:$0x3FAD] =	sst s3  }
0xc: {  	[smem:$0x3FAE] =	sst s4  }
0xd: {  	[smem:$0x3FAF] =	sst s5  }
0xe: {  	[smem:$0x3FB0] =	sst s6  }
0xf: {  	[smem:$0x3FB1] =	sst s7  }
0x10: {  	[smem:$0x3FB2] =	sst s8  }
0x11: {  	[smem:$0x3FB3] =	sst s9;
	s0 =	simm.s32 @!p0 $0x0  }
0x12: {  	s1 =	sld [smem:$0x3F99];
	s0 =	simm.s32 @p0 $0x1  }
0x13: {  	[smem:$0x3FB4] =	sst s0;
	s0 =	simm.s32 @!p1 $0x0  }
0x14: {  	s2 =	sld [smem:$0x3F98];
	s0 =	simm.s32 @p1 $0x1  }
0x15: {  	[smem:$0x3FB5] =	sst s0;
	s0 =	simm.s32 @!p2 $0x0  }
0x16: {  	s3 =	sld [smem:$0x3FDB];
	s0 =	simm.s32 @p2 $0x1  }
0x17: {  	s4 =	simm.s32 $0x1BF5;
	[smem:$0x3FB7] =	sst s0  }
0x18: {  	s0 =	sld [smem:$0x3F9A];
	_ =	swait.ge [sflag:s4], $0x0  }
0x19: {  	s7 =	sld [smem:$0x3F9B]  }
0x1a: {  	s8 =	sadd.s32 $0xFFFFE003, lr  }
0x1b: {  	s9 =	sadd.s32 $0xFFFFFEF7, lr;
	s5 =	simm.s32 $0xFFFFFFFF;
	p2 =	slt.u32 s8, $0xFFFFF086  }
0x1c: {  	p1 =	slt.u32 s9, $0xF7A;
	s5 =	simm.s32 @!p2 $0x0  }
0x1d: {  	s5 =	simm.s32 @p1 $0x1;
	p0 =	seq.s32 s7, s2  }
0x1e: {  	s7 =	smul.u32 @!p0 $0xF7A, s2;
	p2 =	seq.s32 @!p0 s5, $0x0  }
0x1f: {  	s9 =	smul.u32 $0xF7A, s1;
	s8 =	simm.s32 @!p0 $0x1BF5;
	p2 =	por !p2, p0  }
0x20: {  	[sflag:s8] =	ssyncset.s32 @!p0 $0xFFFFF086;
	s6 =	sadd.s32 @!p0 s3, s7;
	s7 =	simm.s32 @!p0 $0x108  }
0x21: {  	s3 =	sadd.s32 s3, s9;
	s6 =	sadd.s32 @!p0 $0x88, s6;
	s7 =	simm.s32 @p2 $0x1082  }
0x22: {  	[simem:s7], [sflag:s8] =	dma.local @!p0 [hbm:s6], $0xF7A  }
0x23: {  	s9 =	sor.u32 $0xD0000000, s2;
	s6 =	simm.s32 $0x108;
	_ =	swait.ge @!p0 [sflag:s8], $0x0  }
0x24: {  	s3 =	sadd.s32 $0x88, s3;
	s6 =	simm.s32 @!p1 $0x1082;
	[sflag:s4] =	ssyncset.s32 $0xFFFFF086  }
0x25: {  	[simem:s6], [sflag:s4] =	dma.local [hbm:s3], $0xF7A  }
0x26: {  	[smem:$0x3F9B] =	sst s1;
	(tag) =	ssettag s2;
	_ =	strace s9  }
0x27: {  	s1 =	sld [smem:$0x3FAB]  }
0x28: {  	s2 =	sld [smem:$0x3FAC]  }
0x29: {  	s4 =	sld [smem:$0x3FAE]  }
0x2a: {  	p0 =	seq.s32 s5, $0x0;
	s5 =	sld [smem:$0x3FAF]  }
0x2b: {  	s6 =	sld [smem:$0x3FB0]  }
0x2c: {  	s7 =	sld [smem:$0x3FB1]  }
0x2d: {  	s3 =	simm.s32 $0x108;
	s8 =	sld [smem:$0x3FB2]  }
0x2e: {  	s3 =	simm.s32 @!p0 $0x1082;
	s9 =	sld [smem:$0x3FB3]  }
0x2f: {  	lr =	sadd.s32 s0, s3;
	s0 =	sld [smem:$0x3FAA]  }
0x30: {  	s3 =	sld [smem:$0x3FAD]  }
0x31: {  	[smem:$0x3FB6] =	sst s10  }
0x32: {  	s10 =	sld [smem:$0x3FB4];
	_ =	sdelay $0x3  }
0x33: {  	p0 =	seq.s32 s10, $0x1;
	s10 =	sld [smem:$0x3FB6];
	_ =	sdelay $0x3  }
0x34: {  	[smem:$0x3FB6] =	sst s10  }
0x35: {  	s10 =	sld [smem:$0x3FB5];
	_ =	sdelay $0x3  }
0x36: {  	p1 =	seq.s32 s10, $0x1;
	s10 =	sld [smem:$0x3FB6];
	_ =	sdelay $0x3  }
0x37: {  	[smem:$0x3FB6] =	sst s10  }
0x38: {  	s10 =	sld [smem:$0x3FB7]  }
0x39: {  	_ = 	snop;
	(pc) =	sbr.ind lr, $3  }
0x3a: {  	_ = 	snop  }
0x3b: {  	_ = 	snop  }
0x3c: {  	p2 =	seq.s32 s10, $0x1;
	s10 =	sld [smem:$0x3FB6]  }
0x3d: {  	_ =	shalt  }
0x3e: {  	_ =	shalt  }
0x3f: {  	_ =	shalt  }
0x40: {  	_ =	shalt  }
0x41: {  	_ =	shalt  }
0x42: {  	_ =	shalt  }
0x43: {  	_ =	shalt  }
0x44: {  	_ =	shalt  }
0x45: {  	_ =	shalt  }
0x46: {  	_ =	shalt  }
0x47: {  	_ =	shalt  }
0x48: {  	_ =	shalt  }
0x49: {  	_ =	shalt  }
0x4a: {  	_ =	shalt  }
0x4b: {  	_ =	shalt  }
0x4c: {  	_ =	shalt  }
0x4d: {  	_ =	shalt  }
0x4e: {  	_ =	shalt  }
0x4f: {  	_ =	shalt  }
0x50: {  	_ =	shalt  }
0x51: {  	_ =	shalt  }
0x52: {  	_ =	shalt  }
0x53: {  	_ =	shalt  }
0x54: {  	_ =	shalt  }
0x55: {  	_ =	shalt  }
0x56: {  	_ =	shalt  }
0x57: {  	_ =	shalt  }
0x58: {  	_ =	shalt  }
0x59: {  	_ =	shalt  }
0x5a: {  	_ =	shalt  }
0x5b: {  	_ =	shalt  }
0x5c: {  	_ =	shalt  }
0x5d: {  	_ =	shalt  }
0x5e: {  	_ =	shalt  }
0x5f: {  	_ =	shalt  }
0x60: {  	_ =	shalt  }
0x61: {  	_ =	shalt  }
0x62: {  	_ =	shalt  }
0x63: {  	_ =	shalt  }
0x64: {  	_ =	shalt  }
0x65: {  	_ =	shalt  }
0x66: {  	_ =	shalt  }
0x67: {  	_ =	shalt  }
0x68: {  	_ =	shalt  }
0x69: {  	_ =	shalt  }
0x6a: {  	_ =	shalt  }
0x6b: {  	_ =	shalt  }
0x6c: {  	_ =	shalt  }
0x6d: {  	_ =	shalt  }
0x6e: {  	_ =	shalt  }
0x6f: {  	_ =	shalt  }
0x70: {  	_ =	shalt  }
0x71: {  	_ =	shalt  }
0x72: {  	_ =	shalt  }
0x73: {  	_ =	shalt  }
0x74: {  	_ =	shalt  }
0x75: {  	_ =	shalt  }
0x76: {  	_ =	shalt  }
0x77: {  	_ =	shalt  }
0x78: {  	_ =	shalt  }
0x79: {  	_ =	shalt  }
0x7a: {  	_ =	shalt  }
0x7b: {  	_ =	shalt  }
0x7c: {  	_ =	shalt  }
0x7d: {  	_ =	shalt  }
0x7e: {  	_ =	shalt  }
0x7f: {  	_ =	shalt  }
0x80: {  	_ =	shalt  }
0x81: {  	_ =	shalt  }
0x82: {  	_ =	shalt  }
0x83: {  	_ =	shalt  }
0x84: {  	_ =	shalt  }
0x85: {  	_ =	shalt  }
0x86: {  	_ =	shalt  }
0x87: {  	_ =	shalt  }
.Lfunc_end0:
.L_simem_size_0:
called_computation_lowered:
.L_overlay_start_0:
0x88: {  	s2 =	sld [smem:$0x3FD9]  }
0x89: {  	s3 =	sld [smem:$0x3FFE];
	_ =	sdelay $0x1  }
0x8a: {  	s1 =	srdreg.scid  }
0x8b: {  	s0 =	sand.u32 $0x1, s1  }
0x8c: {  	s16 =	sshll.u32 s0, $0xA;
	s2 =	sadd.s32 s3, s2  }
0x8d: {  	s2 =	sadd.s32 s2, s16  }
0x8e: {  	[smem:$0x3FC2] =	sst s2  }
0x8f: {  	_ = 	snop  }
0x90: {  	(tm) =	ssettm $0x1  }
0x91: {  	s17 =	sld [smem:$0x3FFB];
	_ =	sdelay $0x3  }
0x92: {  	_ =	strace s17  }
0x93: {  	s2 =	sld [smem:$0x3FFC];
	_ =	sdelay $0x3  }
0x94: {  	_ =	strace s2  }
0x95: {  	s2 =	sld [smem:$0x3FFD];
	_ =	sdelay $0x3  }
0x96: {  	_ =	strace s2  }
0x97: {  	_ =	strace $0x8FFFFFFF  }
0x98: {  	s18 =	sld [smem:$0x3FDB];
	_ =	sdelay $0x1  }
0x99: {  	s19 =	simm.s32 $_scs_section_size  }
0x9a: {  	s4 =	simm.s32 $_size__tile_overlayer_lowered;
	s5 =	simm.s32 $_tile_overlayer_lowered  }
0x9b: {  	s22 =	simm.s32 $0x1BFF;
	s21 =	sshll.u32 s5, $0x1;
	s2 =	sadd.s32 s19, s18  }
0x9c: {  	s6 =	simm.s32 $0x0;
	s20 =	sshll.u32 s4, $0x1;
	s4 =	sadd.s32 s21, s2  }
0x9d: {  	[timem:s6], [sflag:s22] =	dma.local [hbm:s4], s20  }
0x9e: {  	_ =	swait.ge [sflag:s22], s20  }
0x9f: {  	s3 =	ssub.s32 $0x0, s20;
	[sflag:s22] =	ssyncset.done $0x0  }
0xa0: {  	[sflag:s22] =	ssyncadd.s32 s3;
	_ =	sdelay $0x1  }
0xa1: {  	s23 =	simm.s32 $0x1B8B  }
0xa2: {  	_ =	swait.ge [sflag:s23], $0x1  }
0xa3: {  	[sflag:s23] =	ssyncset.done $0x0  }
0xa4: {  	s25 =	simm.s32 $0x1B8E;
	s24 =	sld [smem:$0x3FFE];
	[sflag:s23] =	ssyncadd.s32 $0xFFFFFFFF  }
0xa5: {  	s26 =	simm.s32 $execute0_lowered;
	[smem:$0x3FD2] =	sst s25  }
0xa6: {  	s4 =	sshll.u32 s26, $0x1;
	_ =	strace $0x80000046;
	[dreg:$0x1] =	wrdreg $0xFFFFFFFF  }
0xa7: {  	s28 =	simm.s32 $_size_execute0_lowered;
	s2 =	sadd.s32 s2, s4;
	[dreg:$0x0] =	wrdreg $0x0  }
0xa8: {  	s4 =	sshll.u32 s28, $0x1;
	[dreg:$0x2] =	wrdreg s2  }
0xa9: {  	[dreg:$0x3] =	wrdreg s4  }
0xaa: {  	[dreg:$0x4] =	wrdreg $0xC0  }
0xab: {  	_ =	task [dreg:s6], $0x5FFFF  }
0xac: {  	[dreg:$0x1] =	wrdreg $0xFFFFFFFF  }
0xad: {  	[dreg:$0x0] =	wrdreg $0x60  }
0xae: {  	[dreg:$0x2] =	wrdreg s24  }
0xaf: {  	[dreg:$0x3] =	wrdreg $0x2B000  }
0xb0: {  	[dreg:$0x4] =	wrdreg $0x9  }
0xb1: {  	_ =	task.clear_ibuf [dreg:s6], $0x5FFFF;
	_ =	strace $0x90000046  }
0xb2: {  	s29 =	simm.s32 $0x9;
	_ =	strace $0x80000048  }
0xb3: {  	_ =	swait.ge [sflag:s29], $0x1  }
0xb4: {  	[sflag:s29] =	ssyncadd.s32 $0xFFFFFFFF  }
0xb5: {  	_ =	strace $0x90000048  }
0xb6: {  	_ =	sfence  }
0xb7: {  	s30 =	sld [smem:$0x0];
	_ =	sdelay $0x2  }
0xb8: {  	s31 =	sshll.u32 s1, $0xD;
	s1 =	sshrl.u32 s1, $0x2  }
0xb9: {  	s3 =	sand.u32 $0x4000, s31;
	s1 =	sadd.s32 s1, s30  }
0xba: {  	s0 =	sor.u32 s3, s0;
	s1 =	sshll.u32 s1, $0x11  }
0xbb: {  	s0 =	sor.u32 s1, s0  }
0xbc: {  	s0 =	sadd.s32 $0x8F2B, s0  }
0xbd: {  	[sflag:s0] =	ssyncadd.remote.s32 $0x1  }
0xbe: {  	_ =	sfence.sel $0xFFFF  }
0xbf: {  	[dreg:$0x0] =	wrdreg $0xFFFFFFFF;
	(pc) =	sbr.abs _section_cstart, $3  }
0xc0: {  	[dreg:$0x1] =	wrdreg $0xFFFFFFFF  }
0xc1: {  	_ =	task.clear_ibuf [dreg:s6], $0x2FFFF;
	_ =	strace $0x9FFFFFFF  }
0xc2: {  	(tm) =	ssettm $0x7FFFFFFF  }
0xc3: {  	_ =	shalt  }
tec
execute0_lowered:
.L_overlay_start_1:
0x0: {  	(tag) =	ssettag $0x1  }
0x1: {  	s4 =	rddreg [dreg:$0x0];
	s1 =	srdreg.scid  }
0x2: {  	s0 =	stileid.u32;
	s2 =	rddreg [dreg:$0x1]  }
0x3: {  	s3 =	simm.s32 $0x0;
	s10 =	simm.s32 $0x2800;
	s11 =	simm.s32 $0x1  }
0x4: {  	s15 =	simm.s32 $0x20;
	s16 =	simm.s32 $0x10;
	s17 =	simm.s32 $0x0  }
0x5: {  	s5 =	sand.u32 $0x1, s1;
	s1 =	rddreg [dreg:$0x2];
	s7 =	smul.u32 $0xA00, s0  }
0x6: {  	s6 =	sshll.u32 s0, $0x1;
	[smem:$0x7FF] =	sst s3;
	s13 =	smul.u32 $0xA0, s0  }
0x7: {  	s14 =	sshll.u32 s0, $0x6;
	s6 =	sor.u32 s5, s6;
	_ =	strace $0x80000047  }
0x8: {  	s8 =	sshll.u32 s5, $0x4;
	s5 =	ssub.s32 $0x2, s5;
	s6 =	smul.u32 $0x500, s6  }
0x9: {  	s8 =	sadd.s32 s8, s4;
	s31 =	sshrl.u32 s5, $0x1;
	s7 =	sshrl.u32 s7, $0x2  }
0xa: {  	s9 =	ssub.s32 s5, s31;
	s5 =	sadd.s32 s7, s2;
	s12 =	sadd.s32 $0xBA00, s8  }
0xb: {  	s7 =	simm.s32 $0x2;
	s8 =	simm.s32 $0x2880;
	s6 =	sadd.s32 s6, s4  }
0xc: {  	s12 =	sadd.s32 s13, s12;
	s13 =	sor.u32 $0x1C02, s14;
	s14 =	sshrl.u32 s5, $0x3  }
0xd: {  	v0 =	vimm.f32 $1.000000000e+00;
	v1 =	vimm.f32 $0.0e+00;
	s4 =	sadd.s32 $0x1A00, s6;
	s6 =	smax.u32 s9, $0x1;
	s9 =	simm.s32 $0x80  }
.LBB2_1:
0xe: {  	[tilespmem:s3], [sflag:$0x2] =	stream.linear.gather [hbm4b:s4+s3], $0x2800, $0x38;
	[tilespmem:$0x2D80] =	vst v63  }
0xf: {  	_ =	swait.ge [sflag:s7], $0x2800  }
0x10: {  	[sflag:s7] =	ssyncset.done $0x0  }
0x11: {  	[sflag:s7] =	ssyncadd.s32 $0xFFFFD800  }
0x12: {  	[tilespmem:$0x2800] =	vst v0  }
0x13: {  	[tilespmem:$0x2810] =	vst v0  }
0x14: {  	[tilespmem:$0x2820] =	vst v0  }
0x15: {  	[tilespmem:$0x2830] =	vst v0  }
0x16: {  	[tilespmem:$0x2840] =	vst v0  }
0x17: {  	[tilespmem:$0x2850] =	vst v0  }
0x18: {  	[tilespmem:$0x2860] =	vst v0  }
0x19: {  	[tilespmem:$0x2870] =	vst v0  }
0x1a: {  	[tilespmem:$0x2880] =	vst v1  }
0x1b: {  	[tilespmem:$0x2890] =	vst v1  }
0x1c: {  	[tilespmem:$0x28A0] =	vst v1  }
0x1d: {  	[tilespmem:$0x28B0] =	vst v1  }
0x1e: {  	[tilespmem:$0x28C0] =	vst v1  }
0x1f: {  	[tilespmem:$0x28D0] =	vst v1  }
0x20: {  	[tilespmem:$0x28E0] =	vst v1  }
0x21: {  	[tilespmem:$0x28F0] =	vst v1  }
0x22: {  	[tilespmem:$0x2900] =	vst v1  }
0x23: {  	[tilespmem:$0x2910] =	vst v1  }
0x24: {  	[tilespmem:$0x2920] =	vst v1  }
0x25: {  	[tilespmem:$0x2930] =	vst v1  }
0x26: {  	[tilespmem:$0x2940] =	vst v1  }
0x27: {  	[tilespmem:$0x2950] =	vst v1  }
0x28: {  	[tilespmem:$0x2960] =	vst v1  }
0x29: {  	[tilespmem:$0x2970] =	vst v1  }
0x2a: {  	[tilespmem:$0x2980] =	vst v1  }
0x2b: {  	[tilespmem:$0x2990] =	vst v1  }
0x2c: {  	[tilespmem:$0x29A0] =	vst v1  }
0x2d: {  	[tilespmem:$0x29B0] =	vst v1  }
0x2e: {  	[tilespmem:$0x29C0] =	vst v1  }
0x2f: {  	[tilespmem:$0x29D0] =	vst v1  }
0x30: {  	[tilespmem:$0x29E0] =	vst v1  }
0x31: {  	[tilespmem:$0x29F0] =	vst v1  }
0x32: {  	[tilespmem:$0x2A00] =	vst v1  }
0x33: {  	[tilespmem:$0x2A10] =	vst v1  }
0x34: {  	[tilespmem:$0x2A20] =	vst v1  }
0x35: {  	[tilespmem:$0x2A30] =	vst v1  }
0x36: {  	[tilespmem:$0x2A40] =	vst v1  }
0x37: {  	[tilespmem:$0x2A50] =	vst v1  }
0x38: {  	[tilespmem:$0x2A60] =	vst v1  }
0x39: {  	[tilespmem:$0x2A70] =	vst v1  }
0x3a: {  	[tilespmem:$0x2A80] =	vst v1  }
0x3b: {  	[tilespmem:$0x2A90] =	vst v1  }
0x3c: {  	[tilespmem:$0x2AA0] =	vst v1  }
0x3d: {  	[tilespmem:$0x2AB0] =	vst v1  }
0x3e: {  	[tilespmem:$0x2AC0] =	vst v1  }
0x3f: {  	[tilespmem:$0x2AD0] =	vst v1  }
0x40: {  	[tilespmem:$0x2AE0] =	vst v1  }
0x41: {  	[tilespmem:$0x2AF0] =	vst v1  }
0x42: {  	[spmem:s5] =	stream.linear.scatter [tilespmem:s8], [sflag:$0x2], $0x280, $0x38;
	[tilespmem:$0x2D80] =	vst v63  }
0x43: {  	_ =	swait.ge [sflag:s7], $0x280  }
0x44: {  	[sflag:s7] =	ssyncset.done $0x0  }
0x45: {  	[sflag:s7] =	ssyncadd.s32 $0xFFFFFD80  }
0x46: {  	s18 =	simm.s32 $0x0;
	[bflag:$0x0] =	sbarrier.arrive $0xFFFF  }
0x47: {  	[spmem:s2] =	stream.indirect.scatter.add.f32 [tilespmem:s10], [sflag:$0x1], $0x1, s18, s9, $0xb8;
	[tilespmem:$0x2D80] =	vst v63  }
0x48: {  	s24 =	simm.s32 $0x80  }
0x49: {  	[spmem:s2] =	stream.indirect.scatter.add.f32 [tilespmem:s10], [sflag:$0x1], $0x1, s24, s9, $0xb8;
	[tilespmem:$0x2D80] =	vst v63  }
0x4a: {  	s25 =	simm.s32 $0x100  }
0x4b: {  	[spmem:s2] =	stream.indirect.scatter.add.f32 [tilespmem:s10], [sflag:$0x1], $0x1, s25, s9, $0xb8;
	[tilespmem:$0x2D80] =	vst v63  }
0x4c: {  	s26 =	simm.s32 $0x180  }
0x4d: {  	[spmem:s2] =	stream.indirect.scatter.add.f32 [tilespmem:s10], [sflag:$0x1], $0x1, s26, s9, $0xb8;
	[tilespmem:$0x2D80] =	vst v63  }
0x4e: {  	s28 =	simm.s32 $0x200  }
0x4f: {  	[spmem:s2] =	stream.indirect.scatter.add.f32 [tilespmem:s10], [sflag:$0x1], $0x1, s28, s9, $0xb8;
	[tilespmem:$0x2D80] =	vst v63  }
0x50: {  	s29 =	simm.s32 $0x280  }
0x51: {  	[spmem:s2] =	stream.indirect.scatter.add.f32 [tilespmem:s10], [sflag:$0x1], $0x1, s29, s9, $0xb8;
	[tilespmem:$0x2D80] =	vst v63  }
0x52: {  	s30 =	simm.s32 $0x300  }
0x53: {  	[spmem:s2] =	stream.indirect.scatter.add.f32 [tilespmem:s10], [sflag:$0x1], $0x1, s30, s9, $0xb8;
	[tilespmem:$0x2D80] =	vst v63  }
0x54: {  	s31 =	simm.s32 $0x380  }
0x55: {  	[spmem:s2] =	stream.indirect.scatter.add.f32 [tilespmem:s10], [sflag:$0x1], $0x1, s31, s9, $0xb8;
	[tilespmem:$0x2D80] =	vst v63  }
0x56: {  	_ =	swait.ge [sflag:s11], $0x80  }
0x57: {  	[sflag:s11] =	ssyncset.done $0x0  }
0x58: {  	[sflag:s11] =	ssyncadd.s32 $0xFFFFFF80  }
0x59: {  	_ =	swait.ge [sflag:s11], $0x80  }
0x5a: {  	[sflag:s11] =	ssyncset.done $0x0  }
0x5b: {  	[sflag:s11] =	ssyncadd.s32 $0xFFFFFF80  }
0x5c: {  	_ =	swait.ge [sflag:s11], $0x80  }
0x5d: {  	[sflag:s11] =	ssyncset.done $0x0  }
0x5e: {  	[sflag:s11] =	ssyncadd.s32 $0xFFFFFF80  }
0x5f: {  	_ =	swait.ge [sflag:s11], $0x80  }
0x60: {  	[sflag:s11] =	ssyncset.done $0x0  }
0x61: {  	[sflag:s11] =	ssyncadd.s32 $0xFFFFFF80  }
0x62: {  	_ =	swait.ge [sflag:s11], $0x80  }
0x63: {  	[sflag:s11] =	ssyncset.done $0x0  }
0x64: {  	[sflag:s11] =	ssyncadd.s32 $0xFFFFFF80  }
0x65: {  	_ =	swait.ge [sflag:s11], $0x80  }
0x66: {  	[sflag:s11] =	ssyncset.done $0x0  }
0x67: {  	[sflag:s11] =	ssyncadd.s32 $0xFFFFFF80  }
0x68: {  	_ =	swait.ge [sflag:s11], $0x80  }
0x69: {  	[sflag:s11] =	ssyncset.done $0x0  }
0x6a: {  	[sflag:s11] =	ssyncadd.s32 $0xFFFFFF80  }
0x6b: {  	_ =	swait.ge [sflag:s11], $0x80  }
0x6c: {  	s20 =	simm.s32 $0x2000;
	s18 =	simm.s32 $0x1000;
	[sflag:s11] =	ssyncset.done $0x0  }
.LBB2_2:
0x6d: {  	s21 =	sshra.s32 s18, $0x2  }
0x6e: {  	[sflag:s11] =	ssyncadd.s32 $0xFFFFFF80;
	s18 =	smov.u32 s20;
	s19 =	sadd.s32 $0x1000, s20  }
0x6f: {  	[spmem:s2] =	stream.indirect.scatter.add.f32 [tilespmem:s10], [sflag:$0x1], $0x1, s21, s9, $0xb8;
	[tilespmem:$0x2D80] =	vst v63  }
0x70: {  	p0 =	sne.s32 s20, $0x9000;
	s20 =	sadd.s32 $0x80, s21  }
0x71: {  	[spmem:s2] =	stream.indirect.scatter.add.f32 [tilespmem:s10], [sflag:$0x1], $0x1, s20, s9, $0xb8;
	[tilespmem:$0x2D80] =	vst v63  }
0x72: {  	s20 =	sadd.s32 $0x100, s21  }
0x73: {  	[spmem:s2] =	stream.indirect.scatter.add.f32 [tilespmem:s10], [sflag:$0x1], $0x1, s20, s9, $0xb8;
	[tilespmem:$0x2D80] =	vst v63  }
0x74: {  	s20 =	sadd.s32 $0x180, s21  }
0x75: {  	[spmem:s2] =	stream.indirect.scatter.add.f32 [tilespmem:s10], [sflag:$0x1], $0x1, s20, s9, $0xb8;
	[tilespmem:$0x2D80] =	vst v63  }
0x76: {  	s20 =	sadd.s32 $0x200, s21  }
0x77: {  	[spmem:s2] =	stream.indirect.scatter.add.f32 [tilespmem:s10], [sflag:$0x1], $0x1, s20, s9, $0xb8;
	[tilespmem:$0x2D80] =	vst v63  }
0x78: {  	s20 =	sadd.s32 $0x280, s21  }
0x79: {  	[spmem:s2] =	stream.indirect.scatter.add.f32 [tilespmem:s10], [sflag:$0x1], $0x1, s20, s9, $0xb8;
	[tilespmem:$0x2D80] =	vst v63  }
0x7a: {  	s20 =	sadd.s32 $0x300, s21  }
0x7b: {  	[spmem:s2] =	stream.indirect.scatter.add.f32 [tilespmem:s10], [sflag:$0x1], $0x1, s20, s9, $0xb8;
	[tilespmem:$0x2D80] =	vst v63  }
0x7c: {  	s20 =	sadd.s32 $0x380, s21  }
0x7d: {  	[spmem:s2] =	stream.indirect.scatter.add.f32 [tilespmem:s10], [sflag:$0x1], $0x1, s20, s9, $0xb8;
	[tilespmem:$0x2D80] =	vst v63  }
0x7e: {  	_ =	swait.ge [sflag:s11], $0x80  }
0x7f: {  	[sflag:s11] =	ssyncset.done $0x0  }
0x80: {  	[sflag:s11] =	ssyncadd.s32 $0xFFFFFF80  }
0x81: {  	_ =	swait.ge [sflag:s11], $0x80  }
0x82: {  	[sflag:s11] =	ssyncset.done $0x0  }
0x83: {  	[sflag:s11] =	ssyncadd.s32 $0xFFFFFF80  }
0x84: {  	_ =	swait.ge [sflag:s11], $0x80  }
0x85: {  	[sflag:s11] =	ssyncset.done $0x0  }
0x86: {  	[sflag:s11] =	ssyncadd.s32 $0xFFFFFF80  }
0x87: {  	_ =	swait.ge [sflag:s11], $0x80  }
0x88: {  	[sflag:s11] =	ssyncset.done $0x0  }
0x89: {  	[sflag:s11] =	ssyncadd.s32 $0xFFFFFF80  }
0x8a: {  	_ =	swait.ge [sflag:s11], $0x80  }
0x8b: {  	[sflag:s11] =	ssyncset.done $0x0  }
0x8c: {  	[sflag:s11] =	ssyncadd.s32 $0xFFFFFF80  }
0x8d: {  	_ =	swait.ge [sflag:s11], $0x80  }
0x8e: {  	[sflag:s11] =	ssyncset.done $0x0  }
0x8f: {  	[sflag:s11] =	ssyncadd.s32 $0xFFFFFF80  }
.Ltmp0:
0x90: {  	_ =	swait.ge [sflag:s11], $0x80;
	(pc) =	sbr.rel @p0 .LBB2_2-.Ltmp0, $4  }
0x91: {  	[sflag:s11] =	ssyncset.done $0x0  }
0x92: {  	[sflag:s11] =	ssyncadd.s32 $0xFFFFFF80  }
0x93: {  	_ =	swait.ge [sflag:s11], $0x80  }
0x94: {  	s20 =	smov.u32 s19;
	[sflag:s11] =	ssyncset.done $0x0  }
0x95: {  	s18 =	sshra.s32 s18, $0x2;
	[sflag:s11] =	ssyncadd.s32 $0xFFFFFF80  }
0x96: {  	[spmem:s2] =	stream.indirect.scatter.add.f32 [tilespmem:s10], [sflag:$0x1], $0x1, s18, s9, $0xb8;
	[tilespmem:$0x2D80] =	vst v63  }
0x97: {  	s19 =	sadd.s32 $0x80, s18  }
0x98: {  	[spmem:s2] =	stream.indirect.scatter.add.f32 [tilespmem:s10], [sflag:$0x1], $0x1, s19, s9, $0xb8;
	[tilespmem:$0x2D80] =	vst v63  }
0x99: {  	s26 =	sadd.s32 $0x100, s18  }
0x9a: {  	[spmem:s2] =	stream.indirect.scatter.add.f32 [tilespmem:s10], [sflag:$0x1], $0x1, s26, s9, $0xb8;
	[tilespmem:$0x2D80] =	vst v63  }
0x9b: {  	s28 =	sadd.s32 $0x180, s18  }
0x9c: {  	[spmem:s2] =	stream.indirect.scatter.add.f32 [tilespmem:s10], [sflag:$0x1], $0x1, s28, s9, $0xb8;
	[tilespmem:$0x2D80] =	vst v63  }
0x9d: {  	s29 =	sadd.s32 $0x200, s18  }
0x9e: {  	[spmem:s2] =	stream.indirect.scatter.add.f32 [tilespmem:s10], [sflag:$0x1], $0x1, s29, s9, $0xb8;
	[tilespmem:$0x2D80] =	vst v63  }
0x9f: {  	s30 =	sadd.s32 $0x280, s18  }
0xa0: {  	[spmem:s2] =	stream.indirect.scatter.add.f32 [tilespmem:s10], [sflag:$0x1], $0x1, s30, s9, $0xb8;
	[tilespmem:$0x2D80] =	vst v63  }
0xa1: {  	s31 =	sadd.s32 $0x300, s18  }
0xa2: {  	[spmem:s2] =	stream.indirect.scatter.add.f32 [tilespmem:s10], [sflag:$0x1], $0x1, s31, s9, $0xb8;
	[tilespmem:$0x2D80] =	vst v63  }
0xa3: {  	s18 =	sadd.s32 $0x380, s18  }
0xa4: {  	[spmem:s2] =	stream.indirect.scatter.add.f32 [tilespmem:s10], [sflag:$0x1], $0x1, s18, s9, $0xb8;
	[tilespmem:$0x2D80] =	vst v63  }
0xa5: {  	_ =	swait.ge [sflag:s11], $0x80  }
0xa6: {  	[sflag:s11] =	ssyncset.done $0x0  }
0xa7: {  	[sflag:s11] =	ssyncadd.s32 $0xFFFFFF80  }
0xa8: {  	_ =	swait.ge [sflag:s11], $0x80  }
0xa9: {  	[sflag:s11] =	ssyncset.done $0x0  }
0xaa: {  	[sflag:s11] =	ssyncadd.s32 $0xFFFFFF80  }
0xab: {  	_ =	swait.ge [sflag:s11], $0x80  }
0xac: {  	[sflag:s11] =	ssyncset.done $0x0  }
0xad: {  	[sflag:s11] =	ssyncadd.s32 $0xFFFFFF80  }
0xae: {  	_ =	swait.ge [sflag:s11], $0x80  }
0xaf: {  	[sflag:s11] =	ssyncset.done $0x0  }
0xb0: {  	[sflag:s11] =	ssyncadd.s32 $0xFFFFFF80  }
0xb1: {  	_ =	swait.ge [sflag:s11], $0x80  }
0xb2: {  	[sflag:s11] =	ssyncset.done $0x0  }
0xb3: {  	[sflag:s11] =	ssyncadd.s32 $0xFFFFFF80  }
0xb4: {  	_ =	swait.ge [sflag:s11], $0x80  }
0xb5: {  	[sflag:s11] =	ssyncset.done $0x0  }
0xb6: {  	[sflag:s11] =	ssyncadd.s32 $0xFFFFFF80  }
0xb7: {  	_ =	swait.ge [sflag:s11], $0x80  }
0xb8: {  	[sflag:s11] =	ssyncset.done $0x0  }
0xb9: {  	[sflag:s11] =	ssyncadd.s32 $0xFFFFFF80  }
0xba: {  	_ =	swait.ge [sflag:s11], $0x80  }
0xbb: {  	s17 =	sadd.s32 $0x1, s17;
	[sflag:s11] =	ssyncset.done $0x0  }
0xbc: {  	p0 =	sne.s32 s17, s6;
	[sflag:s11] =	ssyncadd.s32 $0xFFFFFF80  }
.Ltmp1:
0xbd: {  	[bflag:$0x0] =	sbarrier.arrive $0xFFFF;
	(pc) =	sbr.rel @p0 .LBB2_1-.Ltmp1, $4  }
0xbe: {  	[hbm:s12@s15], [sflag:s13] =	dma.strided [spmem:s14@s16], $0x50, s11, $0x10   }
0xbf: {  	_ =	swait.ge [sflag:s7], $0x50  }
0xc0: {  	[sflag:s7] =	ssyncset.done $0x0  }
0xc1: {  	[sflag:s7] =	ssyncadd.s32 $0xFFFFFFB0  }
0xc2: {  	_ =	sfence.sel $0x180000  }
0xc3: {  	[bflag:$0x0] =	sbarrier.arrive $0xFFFF  }
0xc4: {  	p0 =	sne.s32 s0, $0x0;
	_ =	strace $0x90000047  }
0xc5: {  	s0 =	sadd.s32 @!p0 $0x100000, s1;
	[bflag:$0x2] =	sbarrier.arrive $0xFFFF  }
0xc6: {  	[sflag:s0] =	ssyncadd.tile.s32 @!p0 $0x1;
	_ =	shalt  }
.Lfunc_end2:
_tile_overlayer_lowered:
.L_overlay_start_2:
0xc7: {  	(tag) =	ssettag $0x2  }
0xc8: {  	s0 =	rddreg [dreg:$0x0];
	s2 =	stileid.u32  }
0xc9: {  	s1 =	rddreg [dreg:$0x1];
	p0 =	sne.s32 s2, $0x0  }
0xca: {  	s3 =	rddreg [dreg:$0x2];
	[bflag:$0x3] =	sbarrier.arrive $0xFFFF;
	s2 =	simm.s32 @!p0 $0x1C02  }
0xcb: {  	[timem:s3], [sflag:s2] =	dma.local @!p0 [hbm:s0], s1  }
0xcc: {  	s0 =	simm.s32 @!p0 $0x2  }
0xcd: {  	_ =	swait.ge @!p0 [sflag:s0], s1  }
0xce: {  	s1 =	ssub.s32 @!p0 $0x0, s1;
	[sflag:s0] =	ssyncset.done @!p0 $0x0  }
0xcf: {  	[sflag:s0] =	ssyncadd.s32 @!p0 s1  }
0xd0: {  	[bflag:$0x3] =	sbarrier.arrive $0xFFFF  }
0xd1: {  	_ =	shalt  }

// kernel: kernel.9.cloned.1.call-start
scs
__scs_entry_jumppad:
0x0: {  	(pc) =	sbr.rel $0x88, $3  }
0x1: {  	(tag) =	ssettag $0x0;
	lr =	simm.s32 $0x1  }
0x2: {  	[smem:$0x3F9B] =	sst lr;
	_ =	strace $0xD0000000  }
0x3: {  	_ = 	snop  }
0x4: {  	_ = 	snop  }
0x5: {  	_ = 	snop  }
0x6: {  	_ = 	snop  }
0x7: {  	_ = 	snop  }
__scs_overlays_trampoline_lowered:
0x8: {  	[smem:$0x3FAA] =	sst s0  }
0x9: {  	[smem:$0x3FAB] =	sst s1  }
0xa: {  	[smem:$0x3FAC] =	sst s2  }
0xb: {  	[smem:$0x3FAD] =	sst s3  }
0xc: {  	[smem:$0x3FAE] =	sst s4  }
0xd: {  	[smem:$0x3FAF] =	sst s5  }
0xe: {  	[smem:$0x3FB0] =	sst s6  }
0xf: {  	[smem:$0x3FB1] =	sst s7  }
0x10: {  	[smem:$0x3FB2] =	sst s8  }
0x11: {  	[smem:$0x3FB3] =	sst s9;
	s0 =	simm.s32 @!p0 $0x0  }
0x12: {  	s1 =	sld [smem:$0x3F99];
	s0 =	simm.s32 @p0 $0x1  }
0x13: {  	[smem:$0x3FB4] =	sst s0;
	s0 =	simm.s32 @!p1 $0x0  }
0x14: {  	s2 =	sld [smem:$0x3F98];
	s0 =	simm.s32 @p1 $0x1  }
0x15: {  	[smem:$0x3FB5] =	sst s0;
	s0 =	simm.s32 @!p2 $0x0  }
0x16: {  	s3 =	sld [smem:$0x3FDB];
	s0 =	simm.s32 @p2 $0x1  }
0x17: {  	s4 =	simm.s32 $0x1BF5;
	[smem:$0x3FB7] =	sst s0  }
0x18: {  	s0 =	sld [smem:$0x3F9A];
	_ =	swait.ge [sflag:s4], $0x0  }
0x19: {  	s7 =	sld [smem:$0x3F9B]  }
0x1a: {  	s8 =	sadd.s32 $0xFFFFE003, lr  }
0x1b: {  	s9 =	sadd.s32 $0xFFFFFEF7, lr;
	s5 =	simm.s32 $0xFFFFFFFF;
	p2 =	slt.u32 s8, $0xFFFFF086  }
0x1c: {  	p1 =	slt.u32 s9, $0xF7A;
	s5 =	simm.s32 @!p2 $0x0  }
0x1d: {  	s5 =	simm.s32 @p1 $0x1;
	p0 =	seq.s32 s7, s2  }
0x1e: {  	s7 =	smul.u32 @!p0 $0xF7A, s2;
	p2 =	seq.s32 @!p0 s5, $0x0  }
0x1f: {  	s9 =	smul.u32 $0xF7A, s1;
	s8 =	simm.s32 @!p0 $0x1BF5;
	p2 =	por !p2, p0  }
0x20: {  	[sflag:s8] =	ssyncset.s32 @!p0 $0xFFFFF086;
	s6 =	sadd.s32 @!p0 s3, s7;
	s7 =	simm.s32 @!p0 $0x108  }
0x21: {  	s3 =	sadd.s32 s3, s9;
	s6 =	sadd.s32 @!p0 $0x88, s6;
	s7 =	simm.s32 @p2 $0x1082  }
0x22: {  	[simem:s7], [sflag:s8] =	dma.local @!p0 [hbm:s6], $0xF7A  }
0x23: {  	s9 =	sor.u32 $0xD0000000, s2;
	s6 =	simm.s32 $0x108;
	_ =	swait.ge @!p0 [sflag:s8], $0x0  }
0x24: {  	s3 =	sadd.s32 $0x88, s3;
	s6 =	simm.s32 @!p1 $0x1082;
	[sflag:s4] =	ssyncset.s32 $0xFFFFF086  }
0x25: {  	[simem:s6], [sflag:s4] =	dma.local [hbm:s3], $0xF7A  }
0x26: {  	[smem:$0x3F9B] =	sst s1;
	(tag) =	ssettag s2;
	_ =	strace s9  }
0x27: {  	s1 =	sld [smem:$0x3FAB]  }
0x28: {  	s2 =	sld [smem:$0x3FAC]  }
0x29: {  	s4 =	sld [smem:$0x3FAE]  }
0x2a: {  	p0 =	seq.s32 s5, $0x0;
	s5 =	sld [smem:$0x3FAF]  }
0x2b: {  	s6 =	sld [smem:$0x3FB0]  }
0x2c: {  	s7 =	sld [smem:$0x3FB1]  }
0x2d: {  	s3 =	simm.s32 $0x108;
	s8 =	sld [smem:$0x3FB2]  }
0x2e: {  	s3 =	simm.s32 @!p0 $0x1082;
	s9 =	sld [smem:$0x3FB3]  }
0x2f: {  	lr =	sadd.s32 s0, s3;
	s0 =	sld [smem:$0x3FAA]  }
0x30: {  	s3 =	sld [smem:$0x3FAD]  }
0x31: {  	[smem:$0x3FB6] =	sst s10  }
0x32: {  	s10 =	sld [smem:$0x3FB4];
	_ =	sdelay $0x3  }
0x33: {  	p0 =	seq.s32 s10, $0x1;
	s10 =	sld [smem:$0x3FB6];
	_ =	sdelay $0x3  }
0x34: {  	[smem:$0x3FB6] =	sst s10  }
0x35: {  	s10 =	sld [smem:$0x3FB5];
	_ =	sdelay $0x3  }
0x36: {  	p1 =	seq.s32 s10, $0x1;
	s10 =	sld [smem:$0x3FB6];
	_ =	sdelay $0x3  }
0x37: {  	[smem:$0x3FB6] =	sst s10  }
0x38: {  	s10 =	sld [smem:$0x3FB7]  }
0x39: {  	_ = 	snop;
	(pc) =	sbr.ind lr, $3  }
0x3a: {  	_ = 	snop  }
0x3b: {  	_ = 	snop  }
0x3c: {  	p2 =	seq.s32 s10, $0x1;
	s10 =	sld [smem:$0x3FB6]  }
0x3d: {  	_ =	shalt  }
0x3e: {  	_ =	shalt  }
0x3f: {  	_ =	shalt  }
0x40: {  	_ =	shalt  }
0x41: {  	_ =	shalt  }
0x42: {  	_ =	shalt  }
0x43: {  	_ =	shalt  }
0x44: {  	_ =	shalt  }
0x45: {  	_ =	shalt  }
0x46: {  	_ =	shalt  }
0x47: {  	_ =	shalt  }
0x48: {  	_ =	shalt  }
0x49: {  	_ =	shalt  }
0x4a: {  	_ =	shalt  }
0x4b: {  	_ =	shalt  }
0x4c: {  	_ =	shalt  }
0x4d: {  	_ =	shalt  }
0x4e: {  	_ =	shalt  }
0x4f: {  	_ =	shalt  }
0x50: {  	_ =	shalt  }
0x51: {  	_ =	shalt  }
0x52: {  	_ =	shalt  }
0x53: {  	_ =	shalt  }
0x54: {  	_ =	shalt  }
0x55: {  	_ =	shalt  }
0x56: {  	_ =	shalt  }
0x57: {  	_ =	shalt  }
0x58: {  	_ =	shalt  }
0x59: {  	_ =	shalt  }
0x5a: {  	_ =	shalt  }
0x5b: {  	_ =	shalt  }
0x5c: {  	_ =	shalt  }
0x5d: {  	_ =	shalt  }
0x5e: {  	_ =	shalt  }
0x5f: {  	_ =	shalt  }
0x60: {  	_ =	shalt  }
0x61: {  	_ =	shalt  }
0x62: {  	_ =	shalt  }
0x63: {  	_ =	shalt  }
0x64: {  	_ =	shalt  }
0x65: {  	_ =	shalt  }
0x66: {  	_ =	shalt  }
0x67: {  	_ =	shalt  }
0x68: {  	_ =	shalt  }
0x69: {  	_ =	shalt  }
0x6a: {  	_ =	shalt  }
0x6b: {  	_ =	shalt  }
0x6c: {  	_ =	shalt  }
0x6d: {  	_ =	shalt  }
0x6e: {  	_ =	shalt  }
0x6f: {  	_ =	shalt  }
0x70: {  	_ =	shalt  }
0x71: {  	_ =	shalt  }
0x72: {  	_ =	shalt  }
0x73: {  	_ =	shalt  }
0x74: {  	_ =	shalt  }
0x75: {  	_ =	shalt  }
0x76: {  	_ =	shalt  }
0x77: {  	_ =	shalt  }
0x78: {  	_ =	shalt  }
0x79: {  	_ =	shalt  }
0x7a: {  	_ =	shalt  }
0x7b: {  	_ =	shalt  }
0x7c: {  	_ =	shalt  }
0x7d: {  	_ =	shalt  }
0x7e: {  	_ =	shalt  }
0x7f: {  	_ =	shalt  }
0x80: {  	_ =	shalt  }
0x81: {  	_ =	shalt  }
0x82: {  	_ =	shalt  }
0x83: {  	_ =	shalt  }
0x84: {  	_ =	shalt  }
0x85: {  	_ =	shalt  }
0x86: {  	_ =	shalt  }
0x87: {  	_ =	shalt  }
.Lfunc_end0:
.L_simem_size_0:
called_computation.1_lowered:
.L_overlay_start_0:
0x88: {  	s2 =	sld [smem:$0x3FD9]  }
0x89: {  	s3 =	sld [smem:$0x3FFE];
	_ =	sdelay $0x1  }
0x8a: {  	s1 =	srdreg.scid  }
0x8b: {  	s0 =	sand.u32 $0x1, s1  }
0x8c: {  	s17 =	sshll.u32 s0, $0xA;
	s2 =	sadd.s32 s3, s2  }
0x8d: {  	s2 =	sadd.s32 s2, s17  }
0x8e: {  	[smem:$0x3FC2] =	sst s2  }
0x8f: {  	_ = 	snop  }
0x90: {  	s2 =	sld [smem:$0x3FD0];
	(tm) =	ssettm $0x1  }
0x91: {  	s18 =	sld [smem:$0x3FFB];
	_ =	sdelay $0x3  }
0x92: {  	_ =	strace s18  }
0x93: {  	s3 =	sld [smem:$0x3FFC];
	_ =	sdelay $0x3  }
0x94: {  	_ =	strace s3  }
0x95: {  	s3 =	sld [smem:$0x3FFD];
	_ =	sdelay $0x3  }
0x96: {  	_ =	strace s3  }
0x97: {  	_ =	strace $0x8FFFFFFF  }
0x98: {  	s19 =	sld [smem:$0x3FDB];
	_ =	sdelay $0x1  }
0x99: {  	s4 =	simm.s32 $_scs_section_size  }
0x9a: {  	s5 =	simm.s32 $_size__tile_overlayer_lowered;
	s6 =	simm.s32 $_tile_overlayer_lowered  }
0x9b: {  	s22 =	simm.s32 $0x1BFF;
	s21 =	sshll.u32 s6, $0x1;
	s3 =	sadd.s32 s4, s19  }
0x9c: {  	s7 =	simm.s32 $0x0;
	s20 =	sshll.u32 s5, $0x1;
	s5 =	sadd.s32 s21, s3  }
0x9d: {  	[timem:s7], [sflag:s22] =	dma.local [hbm:s5], s20  }
0x9e: {  	_ =	swait.ge [sflag:s22], s20  }
0x9f: {  	s4 =	ssub.s32 $0x0, s20;
	[sflag:s22] =	ssyncset.done $0x0  }
0xa0: {  	[sflag:s22] =	ssyncadd.s32 s4;
	_ =	sdelay $0x1  }
0xa1: {  	s23 =	simm.s32 $0x1B8B  }
0xa2: {  	_ =	swait.ge [sflag:s23], $0x1  }
0xa3: {  	[sflag:s23] =	ssyncset.done $0x0  }
0xa4: {  	s25 =	simm.s32 $0x1B8E;
	s24 =	sld [smem:$0x3FFE];
	[sflag:s23] =	ssyncadd.s32 $0xFFFFFFFF  }
0xa5: {  	s26 =	simm.s32 $execute0_lowered;
	[smem:$0x3FD2] =	sst s25  }
0xa6: {  	s5 =	sshll.u32 s26, $0x1;
	_ =	strace $0x80000049;
	[dreg:$0x1] =	wrdreg $0xFFFFFFFF  }
0xa7: {  	s28 =	simm.s32 $_size_execute0_lowered;
	s3 =	sadd.s32 s3, s5;
	[dreg:$0x0] =	wrdreg $0x0  }
0xa8: {  	s5 =	sshll.u32 s28, $0x1;
	[dreg:$0x2] =	wrdreg s3  }
0xa9: {  	[dreg:$0x3] =	wrdreg s5  }
0xaa: {  	[dreg:$0x4] =	wrdreg $0xC0  }
0xab: {  	_ =	task [dreg:s7], $0x5FFFF  }
0xac: {  	[dreg:$0x1] =	wrdreg $0xFFFFFFFF  }
0xad: {  	[dreg:$0x0] =	wrdreg $0x60  }
0xae: {  	[dreg:$0x2] =	wrdreg s2  }
0xaf: {  	[dreg:$0x3] =	wrdreg s24  }
0xb0: {  	[dreg:$0x4] =	wrdreg $0xA8000  }
0xb1: {  	[dreg:$0x5] =	wrdreg $0x9  }
0xb2: {  	_ =	task.clear_ibuf [dreg:s7], $0x6FFFF;
	_ =	strace $0x90000049  }
0xb3: {  	s29 =	simm.s32 $0x9;
	_ =	strace $0x8000004B  }
0xb4: {  	_ =	swait.ge [sflag:s29], $0x1  }
0xb5: {  	[sflag:s29] =	ssyncadd.s32 $0xFFFFFFFF  }
0xb6: {  	_ =	strace $0x9000004B  }
0xb7: {  	_ =	sfence  }
0xb8: {  	s30 =	sld [smem:$0x0];
	_ =	sdelay $0x2  }
0xb9: {  	s31 =	sshll.u32 s1, $0xD;
	s1 =	sshrl.u32 s1, $0x2  }
0xba: {  	s3 =	sand.u32 $0x4000, s31;
	s1 =	sadd.s32 s1, s30  }
0xbb: {  	s0 =	sor.u32 s3, s0;
	s1 =	sshll.u32 s1, $0x11  }
0xbc: {  	s0 =	sor.u32 s1, s0  }
0xbd: {  	s0 =	sadd.s32 $0x8F2B, s0  }
0xbe: {  	[sflag:s0] =	ssyncadd.remote.s32 $0x1  }
0xbf: {  	_ =	sfence.sel $0xFFFF  }
0xc0: {  	[dreg:$0x0] =	wrdreg $0xFFFFFFFF;
	(pc) =	sbr.abs _section_cstart, $3  }
0xc1: {  	[dreg:$0x1] =	wrdreg $0xFFFFFFFF  }
0xc2: {  	_ =	task.clear_ibuf [dreg:s7], $0x2FFFF;
	_ =	strace $0x9FFFFFFF  }
0xc3: {  	(tm) =	ssettm $0x7FFFFFFF  }
tec
execute0_lowered:
.L_overlay_start_1:
0x0: {  	(tag) =	ssettag $0x1  }
0x1: {  	s0 =	rddreg [dreg:$0x0];
	s1 =	srdreg.scid  }
0x2: {  	s9 =	stileid.u32;
	s3 =	rddreg [dreg:$0x1]  }
0x3: {  	s2 =	rddreg [dreg:$0x2];
	s5 =	simm.s32 $0x0;
	s28 =	simm.s32 $0x180  }
0x4: {  	s29 =	simm.s32 $0x8800;
	s30 =	simm.s32 $0x1;
	s31 =	simm.s32 $0x2  }
0x5: {  	s10 =	simm.s32 $0x2680;
	s11 =	simm.s32 $0x2700;
	s12 =	simm.s32 $0x2780  }
0x6: {  	s13 =	simm.s32 $0x0;
	s1 =	sand.u32 $0x1, s1;
	s14 =	smul.u32 $0x50000, s9  }
0x7: {  	s4 =	sshll.u32 s9, $0x1;
	[smem:$0x7FF] =	sst s5;
	s26 =	smul.u32 $0x2800, s9  }
0x8: {  	s9 =	simm.s32 $0x2600;
	s4 =	sor.u32 s1, s4;
	s5 =	sshrl.u32 s14, $0x2  }
0x9: {  	_ =	strace $0x8000004A;
	s8 =	smul.u32 $0x28000, s1;
	s5 =	sadd.s32 s5, s2  }
0xa: {  	s1 =	ssub.s32 $0x2, s1;
	s6 =	smul.u32 $0xA00, s4;
	s16 =	sadd.s32 $0x2000, s5  }
0xb: {  	s4 =	sadd.s32 $0x20400, s3;
	s17 =	sadd.s32 $0x4000, s5;
	[dreg:$0x4] =	wrdreg s16  }
0xc: {  	s15 =	sshrl.u32 s1, $0x1;
	s18 =	sadd.s32 $0x6000, s5;
	[dreg:$0x5] =	wrdreg s17  }
0xd: {  	s1 =	ssub.s32 s1, s15;
	s19 =	sadd.s32 $0x8000, s5;
	[dreg:$0x6] =	wrdreg s18  }
0xe: {  	s7 =	sadd.s32 s6, s3;
	s20 =	sadd.s32 $0xA000, s5;
	[dreg:$0x7] =	wrdreg s19  }
0xf: {  	s3 =	sadd.s32 s8, s3;
	s21 =	sadd.s32 $0xC000, s5;
	[dreg:$0x8] =	wrdreg s20  }
0x10: {  	s22 =	sadd.s32 $0xE000, s5;
	s23 =	sadd.s32 $0x10000, s5;
	[dreg:$0x9] =	wrdreg s21  }
0x11: {  	s24 =	sadd.s32 $0x12000, s5;
	s15 =	sadd.s32 s0, s6;
	[dreg:$0xa] =	wrdreg s22  }
0x12: {  	s1 =	smax.u32 s1, $0x1;
	s6 =	simm.s32 $0x6;
	[dreg:$0xb] =	wrdreg s23  }
0x13: {  	s8 =	simm.s32 $0x8;
	[dreg:$0xc] =	wrdreg s24;
	s16 =	sadd.s32 $0xC400, s7  }
0x14: {  	s25 =	sadd.s32 $0x48400, s3;
	[dreg:$0xd] =	wrdreg s1;
	s18 =	simm.s32 $0x2800  }
0x15: {  	s19 =	simm.s32 $0x9;
	s21 =	simm.s32 $0x40;
	s22 =	simm.s32 $0x80  }
0x16: {  	s23 =	simm.s32 $0x4800;
	s1 =	simm.s32 $0x3;
	s3 =	simm.s32 $0x5  }
0x17: {  	s7 =	simm.s32 $0x7;
	s0 =	sadd.s32 s26, s25;
	s25 =	simm.s32 $0x100  }
0x18: {  	v0 =	vimm.f32 $0.0e+00;
	s26 =	simm.s32 $0x6800;
	[dreg:$0xe] =	wrdreg s0;
	s0 =	simm.s32 $0x4  }
.LBB2_1:
0x19: {  	s17 =	simm.s32 $0x0  }
0x1a: {  	s14 =	sand.u32 $0x7E00, s17  }
0x1b: {  	s17 =	sand.u32 $0x70, s17;
	s24 =	sshrl.u32 s14, $0x2  }
0x1c: {  	s14 =	simm.s32 $0x40;
	s24 =	sor.u32 s17, s24;
	s17 =	simm.s32 $0x0  }
.LBB2_2:
0x1d: {  	p0 =	sne.s32 s14, $0x7FC0  }
0x1e: {  	[tilespmem:s24+$0x2800] =	vst v0;
	s17 =	sadd.s32 $0x10, s17;
	s24 =	smov.u32 s14;
	s14 =	sadd.s32 $0x40, s14  }
.Ltmp0:
0x1f: {  	(pc) =	sbr.rel @p0 .LBB2_2-.Ltmp0, $4  }
0x20: {  	_ = 	snop  }
0x21: {  	s24 =	sand.u32 $0x7E00, s24  }
0x22: {  	s20 =	sand.u32 $0x70, s17;
	s24 =	sshrl.u32 s24, $0x2  }
0x23: {  	s24 =	sor.u32 s20, s24  }
0x24: {  	[tilespmem:s24+$0x2800] =	vst v0  }
0x25: {  	[spmem:s5] =	stream.linear.scatter [tilespmem:s18], [sflag:$0x9], $0x2000, $0x38;
	[tilespmem:$0x1E800] =	vst v63  }
0x26: {  	_ =	swait.ge [sflag:s19], $0x2000  }
0x27: {  	[sflag:s19] =	ssyncset.done $0x0  }
0x28: {  	s14 =	rddreg [dreg:$0x4];
	[sflag:s19] =	ssyncadd.s32 $0xFFFFE000  }
0x29: {  	[spmem:s14] =	stream.linear.scatter [tilespmem:s18], [sflag:$0x9], $0x2000, $0x38;
	[tilespmem:$0x1E800] =	vst v63  }
0x2a: {  	_ =	swait.ge [sflag:s19], $0x2000  }
0x2b: {  	[sflag:s19] =	ssyncset.done $0x0  }
0x2c: {  	s20 =	rddreg [dreg:$0x5];
	[sflag:s19] =	ssyncadd.s32 $0xFFFFE000  }
0x2d: {  	[spmem:s20] =	stream.linear.scatter [tilespmem:s18], [sflag:$0x9], $0x2000, $0x38;
	[tilespmem:$0x1E800] =	vst v63  }
0x2e: {  	_ =	swait.ge [sflag:s19], $0x2000  }
0x2f: {  	[sflag:s19] =	ssyncset.done $0x0  }
0x30: {  	s24 =	rddreg [dreg:$0x6];
	[sflag:s19] =	ssyncadd.s32 $0xFFFFE000  }
0x31: {  	[spmem:s24] =	stream.linear.scatter [tilespmem:s18], [sflag:$0x9], $0x2000, $0x38;
	[tilespmem:$0x1E800] =	vst v63  }
0x32: {  	_ =	swait.ge [sflag:s19], $0x2000  }
0x33: {  	[sflag:s19] =	ssyncset.done $0x0  }
0x34: {  	s17 =	rddreg [dreg:$0x7];
	[sflag:s19] =	ssyncadd.s32 $0xFFFFE000  }
0x35: {  	[spmem:s17] =	stream.linear.scatter [tilespmem:s18], [sflag:$0x9], $0x2000, $0x38;
	[tilespmem:$0x1E800] =	vst v63  }
0x36: {  	_ =	swait.ge [sflag:s19], $0x2000  }
0x37: {  	[sflag:s19] =	ssyncset.done $0x0  }
0x38: {  	s20 =	rddreg [dreg:$0x8];
	[sflag:s19] =	ssyncadd.s32 $0xFFFFE000  }
0x39: {  	[spmem:s20] =	stream.linear.scatter [tilespmem:s18], [sflag:$0x9], $0x2000, $0x38;
	[tilespmem:$0x1E800] =	vst v63  }
0x3a: {  	_ =	swait.ge [sflag:s19], $0x2000  }
0x3b: {  	[sflag:s19] =	ssyncset.done $0x0  }
0x3c: {  	s24 =	rddreg [dreg:$0x9];
	[sflag:s19] =	ssyncadd.s32 $0xFFFFE000  }
0x3d: {  	[spmem:s24] =	stream.linear.scatter [tilespmem:s18], [sflag:$0x9], $0x2000, $0x38;
	[tilespmem:$0x1E800] =	vst v63  }
0x3e: {  	_ =	swait.ge [sflag:s19], $0x2000  }
0x3f: {  	[sflag:s19] =	ssyncset.done $0x0  }
0x40: {  	s17 =	rddreg [dreg:$0xa];
	[sflag:s19] =	ssyncadd.s32 $0xFFFFE000  }
0x41: {  	[spmem:s17] =	stream.linear.scatter [tilespmem:s18], [sflag:$0x9], $0x2000, $0x38;
	[tilespmem:$0x1E800] =	vst v63  }
0x42: {  	_ =	swait.ge [sflag:s19], $0x2000  }
0x43: {  	[sflag:s19] =	ssyncset.done $0x0  }
0x44: {  	s20 =	rddreg [dreg:$0xb];
	[sflag:s19] =	ssyncadd.s32 $0xFFFFE000  }
0x45: {  	[spmem:s20] =	stream.linear.scatter [tilespmem:s18], [sflag:$0x9], $0x2000, $0x38;
	[tilespmem:$0x1E800] =	vst v63  }
0x46: {  	_ =	swait.ge [sflag:s19], $0x2000  }
0x47: {  	[sflag:s19] =	ssyncset.done $0x0  }
0x48: {  	s24 =	rddreg [dreg:$0xc];
	[sflag:s19] =	ssyncadd.s32 $0xFFFFE000  }
0x49: {  	[spmem:s24] =	stream.linear.scatter [tilespmem:s18], [sflag:$0x9], $0x2000, $0x38;
	[tilespmem:$0x1E800] =	vst v63  }
0x4a: {  	_ =	swait.ge [sflag:s19], $0x2000  }
0x4b: {  	[sflag:s19] =	ssyncset.done $0x0  }
0x4c: {  	[sflag:s19] =	ssyncadd.s32 $0xFFFFE000  }
0x4d: {  	s17 =	simm.s32 $0x0;
	[bflag:$0x0] =	sbarrier.arrive $0xFFFF  }
0x4e: {  	[tilespmem:s17], [sflag:$0x9] =	stream.linear.gather [hbm4b:s15+s17], $0x1400, $0x38;
	[tilespmem:$0x1E800] =	vst v63  }
0x4f: {  	_ =	swait.ge [sflag:s19], $0x1400  }
0x50: {  	[sflag:s19] =	ssyncset.done $0x0  }
0x51: {  	s24 =	simm.s32 $0x1400;
	[sflag:s19] =	ssyncadd.s32 $0xFFFFEC00  }
0x52: {  	[tilespmem:s24], [sflag:$0x9] =	stream.linear.gather [hbm4b:s16+s17], $0x1400, $0x38;
	[tilespmem:$0x1E800] =	vst v63  }
0x53: {  	_ =	swait.ge [sflag:s19], $0x1400  }
0x54: {  	[sflag:s19] =	ssyncset.done $0x0  }
0x55: {  	[sflag:s19] =	ssyncadd.s32 $0xFFFFEC00  }
0x56: {  	[tilespmem:s18], [sflag:$0x1] =	stream.indirect.gather [hbm4b:s4+s21], $0x80, s17, s21, $0xb8;
	[tilespmem:$0x1E800] =	vst v63  }
0x57: {  	_ = 	snop  }
0x58: {  	[tilespmem:s23], [sflag:$0x2] =	stream.indirect.gather [hbm4b:s4+s21], $0x80, s22, s21, $0xb8;
	[tilespmem:$0x1E800] =	vst v63  }
0x59: {  	_ = 	snop  }
0x5a: {  	[tilespmem:s26], [sflag:$0x3] =	stream.indirect.gather [hbm4b:s4+s21], $0x80, s25, s21, $0xb8;
	[tilespmem:$0x1E800] =	vst v63  }
0x5b: {  	_ = 	snop  }
0x5c: {  	[tilespmem:s29], [sflag:$0x4] =	stream.indirect.gather [hbm4b:s4+s21], $0x80, s28, s21, $0xb8;
	[tilespmem:$0x1E800] =	vst v63  }
0x5d: {  	_ =	swait.ge [sflag:s30], $0x2000  }
0x5e: {  	[sflag:s30] =	ssyncset.done $0x0  }
0x5f: {  	s20 =	simm.s32 $0x1400;
	[sflag:s30] =	ssyncadd.s32 $0xFFFFE000  }
0x60: {  	[spmem:s2] =	stream.indirect.scatter.add.f32 [tilespmem:s18], [sflag:$0x5], $0x80, s20, s21, $0xb8;
	[tilespmem:$0x1E800] =	vst v63  }
0x61: {  	_ =	swait.ge [sflag:s31], $0x2000  }
0x62: {  	[sflag:s31] =	ssyncset.done $0x0  }
0x63: {  	s17 =	simm.s32 $0x1480;
	[sflag:s31] =	ssyncadd.s32 $0xFFFFE000  }
0x64: {  	[spmem:s2] =	stream.indirect.scatter.add.f32 [tilespmem:s23], [sflag:$0x6], $0x80, s17, s21, $0xb8;
	[tilespmem:$0x1E800] =	vst v63  }
0x65: {  	_ =	swait.ge [sflag:s1], $0x2000  }
0x66: {  	[sflag:s1] =	ssyncset.done $0x0  }
0x67: {  	s20 =	simm.s32 $0x1500;
	[sflag:s1] =	ssyncadd.s32 $0xFFFFE000  }
0x68: {  	[spmem:s2] =	stream.indirect.scatter.add.f32 [tilespmem:s26], [sflag:$0x7], $0x80, s20, s21, $0xb8;
	[tilespmem:$0x1E800] =	vst v63  }
0x69: {  	_ =	swait.ge [sflag:s0], $0x2000  }
0x6a: {  	[sflag:s0] =	ssyncset.done $0x0  }
0x6b: {  	s17 =	simm.s32 $0x1580;
	[sflag:s0] =	ssyncadd.s32 $0xFFFFE000  }
0x6c: {  	[spmem:s2] =	stream.indirect.scatter.add.f32 [tilespmem:s29], [sflag:$0x8], $0x80, s17, s21, $0xb8;
	[tilespmem:$0x1E800] =	vst v63  }
0x6d: {  	_ =	swait.ge [sflag:s3], $0x2000  }
0x6e: {  	[sflag:s3] =	ssyncset.done $0x0  }
0x6f: {  	s20 =	simm.s32 $0x200;
	[sflag:s3] =	ssyncadd.s32 $0xFFFFE000  }
0x70: {  	[tilespmem:s18], [sflag:$0x1] =	stream.indirect.gather [hbm4b:s4+s21], $0x80, s20, s21, $0xb8;
	[tilespmem:$0x1E800] =	vst v63  }
0x71: {  	_ =	swait.ge [sflag:s6], $0x2000  }
0x72: {  	[sflag:s6] =	ssyncset.done $0x0  }
0x73: {  	s17 =	simm.s32 $0x280;
	[sflag:s6] =	ssyncadd.s32 $0xFFFFE000  }
0x74: {  	[tilespmem:s23], [sflag:$0x2] =	stream.indirect.gather [hbm4b:s4+s21], $0x80, s17, s21, $0xb8;
	[tilespmem:$0x1E800] =	vst v63  }
0x75: {  	_ =	swait.ge [sflag:s7], $0x2000  }
0x76: {  	[sflag:s7] =	ssyncset.done $0x0  }
0x77: {  	s20 =	simm.s32 $0x300;
	[sflag:s7] =	ssyncadd.s32 $0xFFFFE000  }
0x78: {  	[tilespmem:s26], [sflag:$0x3] =	stream.indirect.gather [hbm4b:s4+s21], $0x80, s20, s21, $0xb8;
	[tilespmem:$0x1E800] =	vst v63  }
0x79: {  	_ =	swait.ge [sflag:s8], $0x2000  }
0x7a: {  	[sflag:s8] =	ssyncset.done $0x0  }
0x7b: {  	s14 =	simm.s32 $0x800;
	s17 =	simm.s32 $0x380;
	[sflag:s8] =	ssyncadd.s32 $0xFFFFE000  }
.LBB2_4:
0x7c: {  	[tilespmem:s29], [sflag:$0x4] =	stream.indirect.gather [hbm4b:s4+s21], $0x80, s17, s21, $0xb8;
	[tilespmem:$0x1E800] =	vst v63  }
0x7d: {  	s17 =	smov.u32 s14  }
0x7e: {  	p0 =	sne.s32 s14, $0x4000;
	s14 =	sadd.s32 $0x800, s14;
	_ =	swait.ge [sflag:s30], $0x2000  }
0x7f: {  	s17 =	sshra.s32 s17, $0x2;
	[sflag:s30] =	ssyncset.done $0x0  }
0x80: {  	s20 =	sadd.s32 $0x1400, s17;
	[sflag:s30] =	ssyncadd.s32 $0xFFFFE000  }
0x81: {  	[spmem:s2] =	stream.indirect.scatter.add.f32 [tilespmem:s18], [sflag:$0x5], $0x80, s20, s21, $0xb8;
	[tilespmem:$0x1E800] =	vst v63  }
0x82: {  	_ =	swait.ge [sflag:s31], $0x2000  }
0x83: {  	[sflag:s31] =	ssyncset.done $0x0  }
0x84: {  	s20 =	sadd.s32 $0x1480, s17;
	[sflag:s31] =	ssyncadd.s32 $0xFFFFE000  }
0x85: {  	[spmem:s2] =	stream.indirect.scatter.add.f32 [tilespmem:s23], [sflag:$0x6], $0x80, s20, s21, $0xb8;
	[tilespmem:$0x1E800] =	vst v63  }
0x86: {  	_ =	swait.ge [sflag:s1], $0x2000  }
0x87: {  	[sflag:s1] =	ssyncset.done $0x0  }
0x88: {  	s20 =	sadd.s32 $0x1500, s17;
	[sflag:s1] =	ssyncadd.s32 $0xFFFFE000  }
0x89: {  	[spmem:s2] =	stream.indirect.scatter.add.f32 [tilespmem:s26], [sflag:$0x7], $0x80, s20, s21, $0xb8;
	[tilespmem:$0x1E800] =	vst v63  }
0x8a: {  	_ =	swait.ge [sflag:s0], $0x2000  }
0x8b: {  	[sflag:s0] =	ssyncset.done $0x0  }
0x8c: {  	s20 =	sadd.s32 $0x1580, s17;
	[sflag:s0] =	ssyncadd.s32 $0xFFFFE000  }
0x8d: {  	[spmem:s2] =	stream.indirect.scatter.add.f32 [tilespmem:s29], [sflag:$0x8], $0x80, s20, s21, $0xb8;
	[tilespmem:$0x1E800] =	vst v63  }
0x8e: {  	_ =	swait.ge [sflag:s3], $0x2000  }
0x8f: {  	[sflag:s3] =	ssyncset.done $0x0  }
0x90: {  	s20 =	sadd.s32 $0x200, s17;
	[sflag:s3] =	ssyncadd.s32 $0xFFFFE000  }
0x91: {  	[tilespmem:s18], [sflag:$0x1] =	stream.indirect.gather [hbm4b:s4+s21], $0x80, s20, s21, $0xb8;
	[tilespmem:$0x1E800] =	vst v63  }
0x92: {  	_ =	swait.ge [sflag:s6], $0x2000  }
0x93: {  	[sflag:s6] =	ssyncset.done $0x0  }
0x94: {  	s20 =	sadd.s32 $0x280, s17;
	[sflag:s6] =	ssyncadd.s32 $0xFFFFE000  }
0x95: {  	[tilespmem:s23], [sflag:$0x2] =	stream.indirect.gather [hbm4b:s4+s21], $0x80, s20, s21, $0xb8;
	[tilespmem:$0x1E800] =	vst v63  }
0x96: {  	_ =	swait.ge [sflag:s7], $0x2000  }
0x97: {  	[sflag:s7] =	ssyncset.done $0x0  }
.Ltmp1:
0x98: {  	s20 =	sadd.s32 $0x300, s17;
	[sflag:s7] =	ssyncadd.s32 $0xFFFFE000;
	(pc) =	sbr.rel @p0 .LBB2_4-.Ltmp1, $4  }
0x99: {  	[tilespmem:s26], [sflag:$0x3] =	stream.indirect.gather [hbm4b:s4+s21], $0x80, s20, s21, $0xb8;
	[tilespmem:$0x1E800] =	vst v63  }
0x9a: {  	_ =	swait.ge [sflag:s8], $0x2000  }
0x9b: {  	[sflag:s8] =	ssyncset.done $0x0  }
0x9c: {  	s17 =	sadd.s32 $0x380, s17;
	[sflag:s8] =	ssyncadd.s32 $0xFFFFE000  }
0x9d: {  	[tilespmem:s29], [sflag:$0x4] =	stream.indirect.gather [hbm4b:s4+s21], $0x80, s17, s21, $0xb8;
	[tilespmem:$0x1E800] =	vst v63  }
0x9e: {  	_ =	swait.ge [sflag:s30], $0x2000  }
0x9f: {  	[sflag:s30] =	ssyncset.done $0x0  }
0xa0: {  	[sflag:s30] =	ssyncadd.s32 $0xFFFFE000  }
0xa1: {  	[spmem:s2] =	stream.indirect.scatter.add.f32 [tilespmem:s18], [sflag:$0x5], $0x80, s9, s21, $0xb8;
	[tilespmem:$0x1E800] =	vst v63  }
0xa2: {  	_ =	swait.ge [sflag:s31], $0x2000  }
0xa3: {  	[sflag:s31] =	ssyncset.done $0x0  }
0xa4: {  	[sflag:s31] =	ssyncadd.s32 $0xFFFFE000  }
0xa5: {  	[spmem:s2] =	stream.indirect.scatter.add.f32 [tilespmem:s23], [sflag:$0x6], $0x80, s10, s21, $0xb8;
	[tilespmem:$0x1E800] =	vst v63  }
0xa6: {  	_ =	swait.ge [sflag:s1], $0x2000  }
0xa7: {  	[sflag:s1] =	ssyncset.done $0x0  }
0xa8: {  	[sflag:s1] =	ssyncadd.s32 $0xFFFFE000  }
0xa9: {  	[spmem:s2] =	stream.indirect.scatter.add.f32 [tilespmem:s26], [sflag:$0x7], $0x80, s11, s21, $0xb8;
	[tilespmem:$0x1E800] =	vst v63  }
0xaa: {  	_ =	swait.ge [sflag:s0], $0x2000  }
0xab: {  	[sflag:s0] =	ssyncset.done $0x0  }
0xac: {  	[sflag:s0] =	ssyncadd.s32 $0xFFFFE000  }
0xad: {  	[spmem:s2] =	stream.indirect.scatter.add.f32 [tilespmem:s29], [sflag:$0x8], $0x80, s12, s21, $0xb8;
	[tilespmem:$0x1E800] =	vst v63  }
0xae: {  	_ =	swait.ge [sflag:s3], $0x2000  }
0xaf: {  	[sflag:s3] =	ssyncset.done $0x0  }
0xb0: {  	[sflag:s3] =	ssyncadd.s32 $0xFFFFE000  }
0xb1: {  	_ =	swait.ge [sflag:s6], $0x2000  }
0xb2: {  	[sflag:s6] =	ssyncset.done $0x0  }
0xb3: {  	[sflag:s6] =	ssyncadd.s32 $0xFFFFE000  }
0xb4: {  	_ =	swait.ge [sflag:s7], $0x2000  }
0xb5: {  	[sflag:s7] =	ssyncset.done $0x0  }
0xb6: {  	[sflag:s7] =	ssyncadd.s32 $0xFFFFE000  }
0xb7: {  	_ =	swait.ge [sflag:s8], $0x2000  }
0xb8: {  	[sflag:s8] =	ssyncset.done $0x0  }
0xb9: {  	s14 =	sadd.s32 $0x280, s15;
	s17 =	simm.s32 $0x0;
	[sflag:s8] =	ssyncadd.s32 $0xFFFFE000  }
0xba: {  	[tilespmem:s17], [sflag:$0x9] =	stream.linear.gather [hbm4b:s14+s17], $0x1400, $0x38;
	[tilespmem:$0x1E800] =	vst v63  }
0xbb: {  	_ =	swait.ge [sflag:s19], $0x1400  }
0xbc: {  	[sflag:s19] =	ssyncset.done $0x0  }
0xbd: {  	s20 =	sadd.s32 $0x280, s16;
	[sflag:s19] =	ssyncadd.s32 $0xFFFFEC00  }
0xbe: {  	[tilespmem:s24], [sflag:$0x9] =	stream.linear.gather [hbm4b:s20+s17], $0x1400, $0x38;
	[tilespmem:$0x1E800] =	vst v63  }
0xbf: {  	_ =	swait.ge [sflag:s19], $0x1400  }
0xc0: {  	[sflag:s19] =	ssyncset.done $0x0  }
0xc1: {  	[sflag:s19] =	ssyncadd.s32 $0xFFFFEC00  }
0xc2: {  	[tilespmem:s18], [sflag:$0x1] =	stream.indirect.gather [hbm4b:s4+s21], $0x80, s17, s21, $0xb8;
	[tilespmem:$0x1E800] =	vst v63  }
0xc3: {  	_ = 	snop  }
0xc4: {  	[tilespmem:s23], [sflag:$0x2] =	stream.indirect.gather [hbm4b:s4+s21], $0x80, s22, s21, $0xb8;
	[tilespmem:$0x1E800] =	vst v63  }
0xc5: {  	_ = 	snop  }
0xc6: {  	[tilespmem:s26], [sflag:$0x3] =	stream.indirect.gather [hbm4b:s4+s21], $0x80, s25, s21, $0xb8;
	[tilespmem:$0x1E800] =	vst v63  }
0xc7: {  	_ = 	snop  }
0xc8: {  	[tilespmem:s29], [sflag:$0x4] =	stream.indirect.gather [hbm4b:s4+s21], $0x80, s28, s21, $0xb8;
	[tilespmem:$0x1E800] =	vst v63  }
0xc9: {  	_ =	swait.ge [sflag:s30], $0x2000  }
0xca: {  	[sflag:s30] =	ssyncset.done $0x0  }
0xcb: {  	s20 =	simm.s32 $0x1400;
	[sflag:s30] =	ssyncadd.s32 $0xFFFFE000  }
0xcc: {  	[spmem:s2] =	stream.indirect.scatter.add.f32 [tilespmem:s18], [sflag:$0x5], $0x80, s20, s21, $0xb8;
	[tilespmem:$0x1E800] =	vst v63  }
0xcd: {  	_ =	swait.ge [sflag:s31], $0x2000  }
0xce: {  	[sflag:s31] =	ssyncset.done $0x0  }
0xcf: {  	s17 =	simm.s32 $0x1480;
	[sflag:s31] =	ssyncadd.s32 $0xFFFFE000  }
0xd0: {  	[spmem:s2] =	stream.indirect.scatter.add.f32 [tilespmem:s23], [sflag:$0x6], $0x80, s17, s21, $0xb8;
	[tilespmem:$0x1E800] =	vst v63  }
0xd1: {  	_ =	swait.ge [sflag:s1], $0x2000  }
0xd2: {  	[sflag:s1] =	ssyncset.done $0x0  }
0xd3: {  	s20 =	simm.s32 $0x1500;
	[sflag:s1] =	ssyncadd.s32 $0xFFFFE000  }
0xd4: {  	[spmem:s2] =	stream.indirect.scatter.add.f32 [tilespmem:s26], [sflag:$0x7], $0x80, s20, s21, $0xb8;
	[tilespmem:$0x1E800] =	vst v63  }
0xd5: {  	_ =	swait.ge [sflag:s0], $0x2000  }
0xd6: {  	[sflag:s0] =	ssyncset.done $0x0  }
0xd7: {  	s17 =	simm.s32 $0x1580;
	[sflag:s0] =	ssyncadd.s32 $0xFFFFE000  }
0xd8: {  	[spmem:s2] =	stream.indirect.scatter.add.f32 [tilespmem:s29], [sflag:$0x8], $0x80, s17, s21, $0xb8;
	[tilespmem:$0x1E800] =	vst v63  }
0xd9: {  	_ =	swait.ge [sflag:s3], $0x2000  }
0xda: {  	[sflag:s3] =	ssyncset.done $0x0  }
0xdb: {  	s20 =	simm.s32 $0x200;
	[sflag:s3] =	ssyncadd.s32 $0xFFFFE000  }
0xdc: {  	[tilespmem:s18], [sflag:$0x1] =	stream.indirect.gather [hbm4b:s4+s21], $0x80, s20, s21, $0xb8;
	[tilespmem:$0x1E800] =	vst v63  }
0xdd: {  	_ =	swait.ge [sflag:s6], $0x2000  }
0xde: {  	[sflag:s6] =	ssyncset.done $0x0  }
0xdf: {  	s17 =	simm.s32 $0x280;
	[sflag:s6] =	ssyncadd.s32 $0xFFFFE000  }
0xe0: {  	[tilespmem:s23], [sflag:$0x2] =	stream.indirect.gather [hbm4b:s4+s21], $0x80, s17, s21, $0xb8;
	[tilespmem:$0x1E800] =	vst v63  }
0xe1: {  	_ =	swait.ge [sflag:s7], $0x2000  }
0xe2: {  	[sflag:s7] =	ssyncset.done $0x0  }
0xe3: {  	s20 =	simm.s32 $0x300;
	[sflag:s7] =	ssyncadd.s32 $0xFFFFE000  }
0xe4: {  	[tilespmem:s26], [sflag:$0x3] =	stream.indirect.gather [hbm4b:s4+s21], $0x80, s20, s21, $0xb8;
	[tilespmem:$0x1E800] =	vst v63  }
0xe5: {  	_ =	swait.ge [sflag:s8], $0x2000  }
0xe6: {  	[sflag:s8] =	ssyncset.done $0x0  }
0xe7: {  	s14 =	simm.s32 $0x800;
	s17 =	simm.s32 $0x380;
	[sflag:s8] =	ssyncadd.s32 $0xFFFFE000  }
.LBB2_6:
0xe8: {  	[tilespmem:s29], [sflag:$0x4] =	stream.indirect.gather [hbm4b:s4+s21], $0x80, s17, s21, $0xb8;
	[tilespmem:$0x1E800] =	vst v63  }
0xe9: {  	s17 =	smov.u32 s14  }
0xea: {  	p0 =	sne.s32 s14, $0x4000;
	s14 =	sadd.s32 $0x800, s14;
	_ =	swait.ge [sflag:s30], $0x2000  }
0xeb: {  	s17 =	sshra.s32 s17, $0x2;
	[sflag:s30] =	ssyncset.done $0x0  }
0xec: {  	s20 =	sadd.s32 $0x1400, s17;
	[sflag:s30] =	ssyncadd.s32 $0xFFFFE000  }
0xed: {  	[spmem:s2] =	stream.indirect.scatter.add.f32 [tilespmem:s18], [sflag:$0x5], $0x80, s20, s21, $0xb8;
	[tilespmem:$0x1E800] =	vst v63  }
0xee: {  	_ =	swait.ge [sflag:s31], $0x2000  }
0xef: {  	[sflag:s31] =	ssyncset.done $0x0  }
0xf0: {  	s20 =	sadd.s32 $0x1480, s17;
	[sflag:s31] =	ssyncadd.s32 $0xFFFFE000  }
0xf1: {  	[spmem:s2] =	stream.indirect.scatter.add.f32 [tilespmem:s23], [sflag:$0x6], $0x80, s20, s21, $0xb8;
	[tilespmem:$0x1E800] =	vst v63  }
0xf2: {  	_ =	swait.ge [sflag:s1], $0x2000  }
0xf3: {  	[sflag:s1] =	ssyncset.done $0x0  }
0xf4: {  	s20 =	sadd.s32 $0x1500, s17;
	[sflag:s1] =	ssyncadd.s32 $0xFFFFE000  }
0xf5: {  	[spmem:s2] =	stream.indirect.scatter.add.f32 [tilespmem:s26], [sflag:$0x7], $0x80, s20, s21, $0xb8;
	[tilespmem:$0x1E800] =	vst v63  }
0xf6: {  	_ =	swait.ge [sflag:s0], $0x2000  }
0xf7: {  	[sflag:s0] =	ssyncset.done $0x0  }
0xf8: {  	s20 =	sadd.s32 $0x1580, s17;
	[sflag:s0] =	ssyncadd.s32 $0xFFFFE000  }
0xf9: {  	[spmem:s2] =	stream.indirect.scatter.add.f32 [tilespmem:s29], [sflag:$0x8], $0x80, s20, s21, $0xb8;
	[tilespmem:$0x1E800] =	vst v63  }
0xfa: {  	_ =	swait.ge [sflag:s3], $0x2000  }
0xfb: {  	[sflag:s3] =	ssyncset.done $0x0  }
0xfc: {  	s20 =	sadd.s32 $0x200, s17;
	[sflag:s3] =	ssyncadd.s32 $0xFFFFE000  }
0xfd: {  	[tilespmem:s18], [sflag:$0x1] =	stream.indirect.gather [hbm4b:s4+s21], $0x80, s20, s21, $0xb8;
	[tilespmem:$0x1E800] =	vst v63  }
0xfe: {  	_ =	swait.ge [sflag:s6], $0x2000  }
0xff: {  	[sflag:s6] =	ssyncset.done $0x0  }
0x100: {  	s20 =	sadd.s32 $0x280, s17;
	[sflag:s6] =	ssyncadd.s32 $0xFFFFE000  }
0x101: {  	[tilespmem:s23], [sflag:$0x2] =	stream.indirect.gather [hbm4b:s4+s21], $0x80, s20, s21, $0xb8;
	[tilespmem:$0x1E800] =	vst v63  }
0x102: {  	_ =	swait.ge [sflag:s7], $0x2000  }
0x103: {  	[sflag:s7] =	ssyncset.done $0x0  }
.Ltmp2:
0x104: {  	s20 =	sadd.s32 $0x300, s17;
	[sflag:s7] =	ssyncadd.s32 $0xFFFFE000;
	(pc) =	sbr.rel @p0 .LBB2_6-.Ltmp2, $4  }
0x105: {  	[tilespmem:s26], [sflag:$0x3] =	stream.indirect.gather [hbm4b:s4+s21], $0x80, s20, s21, $0xb8;
	[tilespmem:$0x1E800] =	vst v63  }
0x106: {  	_ =	swait.ge [sflag:s8], $0x2000  }
0x107: {  	[sflag:s8] =	ssyncset.done $0x0  }
0x108: {  	s17 =	sadd.s32 $0x380, s17;
	[sflag:s8] =	ssyncadd.s32 $0xFFFFE000  }
0x109: {  	[tilespmem:s29], [sflag:$0x4] =	stream.indirect.gather [hbm4b:s4+s21], $0x80, s17, s21, $0xb8;
	[tilespmem:$0x1E800] =	vst v63  }
0x10a: {  	_ =	swait.ge [sflag:s30], $0x2000  }
0x10b: {  	[sflag:s30] =	ssyncset.done $0x0  }
0x10c: {  	[sflag:s30] =	ssyncadd.s32 $0xFFFFE000  }
0x10d: {  	[spmem:s2] =	stream.indirect.scatter.add.f32 [tilespmem:s18], [sflag:$0x5], $0x80, s9, s21, $0xb8;
	[tilespmem:$0x1E800] =	vst v63  }
0x10e: {  	_ =	swait.ge [sflag:s31], $0x2000  }
0x10f: {  	[sflag:s31] =	ssyncset.done $0x0  }
0x110: {  	[sflag:s31] =	ssyncadd.s32 $0xFFFFE000  }
0x111: {  	[spmem:s2] =	stream.indirect.scatter.add.f32 [tilespmem:s23], [sflag:$0x6], $0x80, s10, s21, $0xb8;
	[tilespmem:$0x1E800] =	vst v63  }
0x112: {  	_ =	swait.ge [sflag:s1], $0x2000  }
0x113: {  	[sflag:s1] =	ssyncset.done $0x0  }
0x114: {  	[sflag:s1] =	ssyncadd.s32 $0xFFFFE000  }
0x115: {  	[spmem:s2] =	stream.indirect.scatter.add.f32 [tilespmem:s26], [sflag:$0x7], $0x80, s11, s21, $0xb8;
	[tilespmem:$0x1E800] =	vst v63  }
0x116: {  	_ =	swait.ge [sflag:s0], $0x2000  }
0x117: {  	[sflag:s0] =	ssyncset.done $0x0  }
0x118: {  	[sflag:s0] =	ssyncadd.s32 $0xFFFFE000  }
0x119: {  	[spmem:s2] =	stream.indirect.scatter.add.f32 [tilespmem:s29], [sflag:$0x8], $0x80, s12, s21, $0xb8;
	[tilespmem:$0x1E800] =	vst v63  }
0x11a: {  	_ =	swait.ge [sflag:s3], $0x2000  }
0x11b: {  	[sflag:s3] =	ssyncset.done $0x0  }
0x11c: {  	[sflag:s3] =	ssyncadd.s32 $0xFFFFE000  }
0x11d: {  	_ =	swait.ge [sflag:s6], $0x2000  }
0x11e: {  	[sflag:s6] =	ssyncset.done $0x0  }
0x11f: {  	[sflag:s6] =	ssyncadd.s32 $0xFFFFE000  }
0x120: {  	_ =	swait.ge [sflag:s7], $0x2000  }
0x121: {  	[sflag:s7] =	ssyncset.done $0x0  }
0x122: {  	[sflag:s7] =	ssyncadd.s32 $0xFFFFE000  }
0x123: {  	_ =	swait.ge [sflag:s8], $0x2000  }
0x124: {  	[sflag:s8] =	ssyncset.done $0x0  }
0x125: {  	s14 =	sadd.s32 $0x500, s15;
	s17 =	simm.s32 $0x0;
	[sflag:s8] =	ssyncadd.s32 $0xFFFFE000  }
0x126: {  	[tilespmem:s17], [sflag:$0x9] =	stream.linear.gather [hbm4b:s14+s17], $0x1400, $0x38;
	[tilespmem:$0x1E800] =	vst v63  }
0x127: {  	_ =	swait.ge [sflag:s19], $0x1400  }
0x128: {  	[sflag:s19] =	ssyncset.done $0x0  }
0x129: {  	s20 =	sadd.s32 $0x500, s16;
	[sflag:s19] =	ssyncadd.s32 $0xFFFFEC00  }
0x12a: {  	[tilespmem:s24], [sflag:$0x9] =	stream.linear.gather [hbm4b:s20+s17], $0x1400, $0x38;
	[tilespmem:$0x1E800] =	vst v63  }
0x12b: {  	_ =	swait.ge [sflag:s19], $0x1400  }
0x12c: {  	[sflag:s19] =	ssyncset.done $0x0  }
0x12d: {  	[sflag:s19] =	ssyncadd.s32 $0xFFFFEC00  }
0x12e: {  	[tilespmem:s18], [sflag:$0x1] =	stream.indirect.gather [hbm4b:s4+s21], $0x80, s17, s21, $0xb8;
	[tilespmem:$0x1E800] =	vst v63  }
0x12f: {  	_ = 	snop  }
0x130: {  	[tilespmem:s23], [sflag:$0x2] =	stream.indirect.gather [hbm4b:s4+s21], $0x80, s22, s21, $0xb8;
	[tilespmem:$0x1E800] =	vst v63  }
0x131: {  	_ = 	snop  }
0x132: {  	[tilespmem:s26], [sflag:$0x3] =	stream.indirect.gather [hbm4b:s4+s21], $0x80, s25, s21, $0xb8;
	[tilespmem:$0x1E800] =	vst v63  }
0x133: {  	_ = 	snop  }
0x134: {  	[tilespmem:s29], [sflag:$0x4] =	stream.indirect.gather [hbm4b:s4+s21], $0x80, s28, s21, $0xb8;
	[tilespmem:$0x1E800] =	vst v63  }
0x135: {  	_ =	swait.ge [sflag:s30], $0x2000  }
0x136: {  	[sflag:s30] =	ssyncset.done $0x0  }
0x137: {  	s20 =	simm.s32 $0x1400;
	[sflag:s30] =	ssyncadd.s32 $0xFFFFE000  }
0x138: {  	[spmem:s2] =	stream.indirect.scatter.add.f32 [tilespmem:s18], [sflag:$0x5], $0x80, s20, s21, $0xb8;
	[tilespmem:$0x1E800] =	vst v63  }
0x139: {  	_ =	swait.ge [sflag:s31], $0x2000  }
0x13a: {  	[sflag:s31] =	ssyncset.done $0x0  }
0x13b: {  	s17 =	simm.s32 $0x1480;
	[sflag:s31] =	ssyncadd.s32 $0xFFFFE000  }
0x13c: {  	[spmem:s2] =	stream.indirect.scatter.add.f32 [tilespmem:s23], [sflag:$0x6], $0x80, s17, s21, $0xb8;
	[tilespmem:$0x1E800] =	vst v63  }
0x13d: {  	_ =	swait.ge [sflag:s1], $0x2000  }
0x13e: {  	[sflag:s1] =	ssyncset.done $0x0  }
0x13f: {  	s20 =	simm.s32 $0x1500;
	[sflag:s1] =	ssyncadd.s32 $0xFFFFE000  }
0x140: {  	[spmem:s2] =	stream.indirect.scatter.add.f32 [tilespmem:s26], [sflag:$0x7], $0x80, s20, s21, $0xb8;
	[tilespmem:$0x1E800] =	vst v63  }
0x141: {  	_ =	swait.ge [sflag:s0], $0x2000  }
0x142: {  	[sflag:s0] =	ssyncset.done $0x0  }
0x143: {  	s17 =	simm.s32 $0x1580;
	[sflag:s0] =	ssyncadd.s32 $0xFFFFE000  }
0x144: {  	[spmem:s2] =	stream.indirect.scatter.add.f32 [tilespmem:s29], [sflag:$0x8], $0x80, s17, s21, $0xb8;
	[tilespmem:$0x1E800] =	vst v63  }
0x145: {  	_ =	swait.ge [sflag:s3], $0x2000  }
0x146: {  	[sflag:s3] =	ssyncset.done $0x0  }
0x147: {  	s20 =	simm.s32 $0x200;
	[sflag:s3] =	ssyncadd.s32 $0xFFFFE000  }
0x148: {  	[tilespmem:s18], [sflag:$0x1] =	stream.indirect.gather [hbm4b:s4+s21], $0x80, s20, s21, $0xb8;
	[tilespmem:$0x1E800] =	vst v63  }
0x149: {  	_ =	swait.ge [sflag:s6], $0x2000  }
0x14a: {  	[sflag:s6] =	ssyncset.done $0x0  }
0x14b: {  	s17 =	simm.s32 $0x280;
	[sflag:s6] =	ssyncadd.s32 $0xFFFFE000  }
0x14c: {  	[tilespmem:s23], [sflag:$0x2] =	stream.indirect.gather [hbm4b:s4+s21], $0x80, s17, s21, $0xb8;
	[tilespmem:$0x1E800] =	vst v63  }
0x14d: {  	_ =	swait.ge [sflag:s7], $0x2000  }
0x14e: {  	[sflag:s7] =	ssyncset.done $0x0  }
0x14f: {  	s20 =	simm.s32 $0x300;
	[sflag:s7] =	ssyncadd.s32 $0xFFFFE000  }
0x150: {  	[tilespmem:s26], [sflag:$0x3] =	stream.indirect.gather [hbm4b:s4+s21], $0x80, s20, s21, $0xb8;
	[tilespmem:$0x1E800] =	vst v63  }
0x151: {  	_ =	swait.ge [sflag:s8], $0x2000  }
0x152: {  	[sflag:s8] =	ssyncset.done $0x0  }
0x153: {  	s14 =	simm.s32 $0x800;
	s17 =	simm.s32 $0x380;
	[sflag:s8] =	ssyncadd.s32 $0xFFFFE000  }
.LBB2_8:
0x154: {  	[tilespmem:s29], [sflag:$0x4] =	stream.indirect.gather [hbm4b:s4+s21], $0x80, s17, s21, $0xb8;
	[tilespmem:$0x1E800] =	vst v63  }
0x155: {  	s17 =	smov.u32 s14  }
0x156: {  	p0 =	sne.s32 s14, $0x4000;
	s14 =	sadd.s32 $0x800, s14;
	_ =	swait.ge [sflag:s30], $0x2000  }
0x157: {  	s17 =	sshra.s32 s17, $0x2;
	[sflag:s30] =	ssyncset.done $0x0  }
0x158: {  	s20 =	sadd.s32 $0x1400, s17;
	[sflag:s30] =	ssyncadd.s32 $0xFFFFE000  }
0x159: {  	[spmem:s2] =	stream.indirect.scatter.add.f32 [tilespmem:s18], [sflag:$0x5], $0x80, s20, s21, $0xb8;
	[tilespmem:$0x1E800] =	vst v63  }
0x15a: {  	_ =	swait.ge [sflag:s31], $0x2000  }
0x15b: {  	[sflag:s31] =	ssyncset.done $0x0  }
0x15c: {  	s20 =	sadd.s32 $0x1480, s17;
	[sflag:s31] =	ssyncadd.s32 $0xFFFFE000  }
0x15d: {  	[spmem:s2] =	stream.indirect.scatter.add.f32 [tilespmem:s23], [sflag:$0x6], $0x80, s20, s21, $0xb8;
	[tilespmem:$0x1E800] =	vst v63  }
0x15e: {  	_ =	swait.ge [sflag:s1], $0x2000  }
0x15f: {  	[sflag:s1] =	ssyncset.done $0x0  }
0x160: {  	s20 =	sadd.s32 $0x1500, s17;
	[sflag:s1] =	ssyncadd.s32 $0xFFFFE000  }
0x161: {  	[spmem:s2] =	stream.indirect.scatter.add.f32 [tilespmem:s26], [sflag:$0x7], $0x80, s20, s21, $0xb8;
	[tilespmem:$0x1E800] =	vst v63  }
0x162: {  	_ =	swait.ge [sflag:s0], $0x2000  }
0x163: {  	[sflag:s0] =	ssyncset.done $0x0  }
0x164: {  	s20 =	sadd.s32 $0x1580, s17;
	[sflag:s0] =	ssyncadd.s32 $0xFFFFE000  }
0x165: {  	[spmem:s2] =	stream.indirect.scatter.add.f32 [tilespmem:s29], [sflag:$0x8], $0x80, s20, s21, $0xb8;
	[tilespmem:$0x1E800] =	vst v63  }
0x166: {  	_ =	swait.ge [sflag:s3], $0x2000  }
0x167: {  	[sflag:s3] =	ssyncset.done $0x0  }
0x168: {  	s20 =	sadd.s32 $0x200, s17;
	[sflag:s3] =	ssyncadd.s32 $0xFFFFE000  }
0x169: {  	[tilespmem:s18], [sflag:$0x1] =	stream.indirect.gather [hbm4b:s4+s21], $0x80, s20, s21, $0xb8;
	[tilespmem:$0x1E800] =	vst v63  }
0x16a: {  	_ =	swait.ge [sflag:s6], $0x2000  }
0x16b: {  	[sflag:s6] =	ssyncset.done $0x0  }
0x16c: {  	s20 =	sadd.s32 $0x280, s17;
	[sflag:s6] =	ssyncadd.s32 $0xFFFFE000  }
0x16d: {  	[tilespmem:s23], [sflag:$0x2] =	stream.indirect.gather [hbm4b:s4+s21], $0x80, s20, s21, $0xb8;
	[tilespmem:$0x1E800] =	vst v63  }
0x16e: {  	_ =	swait.ge [sflag:s7], $0x2000  }
0x16f: {  	[sflag:s7] =	ssyncset.done $0x0  }
.Ltmp3:
0x170: {  	s20 =	sadd.s32 $0x300, s17;
	[sflag:s7] =	ssyncadd.s32 $0xFFFFE000;
	(pc) =	sbr.rel @p0 .LBB2_8-.Ltmp3, $4  }
0x171: {  	[tilespmem:s26], [sflag:$0x3] =	stream.indirect.gather [hbm4b:s4+s21], $0x80, s20, s21, $0xb8;
	[tilespmem:$0x1E800] =	vst v63  }
0x172: {  	_ =	swait.ge [sflag:s8], $0x2000  }
0x173: {  	[sflag:s8] =	ssyncset.done $0x0  }
0x174: {  	s17 =	sadd.s32 $0x380, s17;
	[sflag:s8] =	ssyncadd.s32 $0xFFFFE000  }
0x175: {  	[tilespmem:s29], [sflag:$0x4] =	stream.indirect.gather [hbm4b:s4+s21], $0x80, s17, s21, $0xb8;
	[tilespmem:$0x1E800] =	vst v63  }
0x176: {  	_ =	swait.ge [sflag:s30], $0x2000  }
0x177: {  	[sflag:s30] =	ssyncset.done $0x0  }
0x178: {  	[sflag:s30] =	ssyncadd.s32 $0xFFFFE000  }
0x179: {  	[spmem:s2] =	stream.indirect.scatter.add.f32 [tilespmem:s18], [sflag:$0x5], $0x80, s9, s21, $0xb8;
	[tilespmem:$0x1E800] =	vst v63  }
0x17a: {  	_ =	swait.ge [sflag:s31], $0x2000  }
0x17b: {  	[sflag:s31] =	ssyncset.done $0x0  }
0x17c: {  	[sflag:s31] =	ssyncadd.s32 $0xFFFFE000  }
0x17d: {  	[spmem:s2] =	stream.indirect.scatter.add.f32 [tilespmem:s23], [sflag:$0x6], $0x80, s10, s21, $0xb8;
	[tilespmem:$0x1E800] =	vst v63  }
0x17e: {  	_ =	swait.ge [sflag:s1], $0x2000  }
0x17f: {  	[sflag:s1] =	ssyncset.done $0x0  }
0x180: {  	[sflag:s1] =	ssyncadd.s32 $0xFFFFE000  }
0x181: {  	[spmem:s2] =	stream.indirect.scatter.add.f32 [tilespmem:s26], [sflag:$0x7], $0x80, s11, s21, $0xb8;
	[tilespmem:$0x1E800] =	vst v63  }
0x182: {  	_ =	swait.ge [sflag:s0], $0x2000  }
0x183: {  	[sflag:s0] =	ssyncset.done $0x0  }
0x184: {  	[sflag:s0] =	ssyncadd.s32 $0xFFFFE000  }
0x185: {  	[spmem:s2] =	stream.indirect.scatter.add.f32 [tilespmem:s29], [sflag:$0x8], $0x80, s12, s21, $0xb8;
	[tilespmem:$0x1E800] =	vst v63  }
0x186: {  	_ =	swait.ge [sflag:s3], $0x2000  }
0x187: {  	[sflag:s3] =	ssyncset.done $0x0  }
0x188: {  	[sflag:s3] =	ssyncadd.s32 $0xFFFFE000  }
0x189: {  	_ =	swait.ge [sflag:s6], $0x2000  }
0x18a: {  	[sflag:s6] =	ssyncset.done $0x0  }
0x18b: {  	[sflag:s6] =	ssyncadd.s32 $0xFFFFE000  }
0x18c: {  	_ =	swait.ge [sflag:s7], $0x2000  }
0x18d: {  	[sflag:s7] =	ssyncset.done $0x0  }
0x18e: {  	[sflag:s7] =	ssyncadd.s32 $0xFFFFE000  }
0x18f: {  	_ =	swait.ge [sflag:s8], $0x2000  }
0x190: {  	[sflag:s8] =	ssyncset.done $0x0  }
0x191: {  	s14 =	sadd.s32 $0x780, s15;
	s17 =	simm.s32 $0x0;
	[sflag:s8] =	ssyncadd.s32 $0xFFFFE000  }
0x192: {  	[tilespmem:s17], [sflag:$0x9] =	stream.linear.gather [hbm4b:s14+s17], $0x1400, $0x38;
	[tilespmem:$0x1E800] =	vst v63  }
0x193: {  	_ =	swait.ge [sflag:s19], $0x1400  }
0x194: {  	[sflag:s19] =	ssyncset.done $0x0  }
0x195: {  	s20 =	sadd.s32 $0x780, s16;
	[sflag:s19] =	ssyncadd.s32 $0xFFFFEC00  }
0x196: {  	[tilespmem:s24], [sflag:$0x9] =	stream.linear.gather [hbm4b:s20+s17], $0x1400, $0x38;
	[tilespmem:$0x1E800] =	vst v63  }
0x197: {  	_ =	swait.ge [sflag:s19], $0x1400  }
0x198: {  	[sflag:s19] =	ssyncset.done $0x0  }
0x199: {  	[sflag:s19] =	ssyncadd.s32 $0xFFFFEC00  }
0x19a: {  	[tilespmem:s18], [sflag:$0x1] =	stream.indirect.gather [hbm4b:s4+s21], $0x80, s17, s21, $0xb8;
	[tilespmem:$0x1E800] =	vst v63  }
0x19b: {  	_ = 	snop  }
0x19c: {  	[tilespmem:s23], [sflag:$0x2] =	stream.indirect.gather [hbm4b:s4+s21], $0x80, s22, s21, $0xb8;
	[tilespmem:$0x1E800] =	vst v63  }
0x19d: {  	_ = 	snop  }
0x19e: {  	[tilespmem:s26], [sflag:$0x3] =	stream.indirect.gather [hbm4b:s4+s21], $0x80, s25, s21, $0xb8;
	[tilespmem:$0x1E800] =	vst v63  }
0x19f: {  	_ = 	snop  }
0x1a0: {  	[tilespmem:s29], [sflag:$0x4] =	stream.indirect.gather [hbm4b:s4+s21], $0x80, s28, s21, $0xb8;
	[tilespmem:$0x1E800] =	vst v63  }
0x1a1: {  	_ =	swait.ge [sflag:s30], $0x2000  }
0x1a2: {  	[sflag:s30] =	ssyncset.done $0x0  }
0x1a3: {  	s24 =	simm.s32 $0x1400;
	[sflag:s30] =	ssyncadd.s32 $0xFFFFE000  }
0x1a4: {  	[spmem:s2] =	stream.indirect.scatter.add.f32 [tilespmem:s18], [sflag:$0x5], $0x80, s24, s21, $0xb8;
	[tilespmem:$0x1E800] =	vst v63  }
0x1a5: {  	_ =	swait.ge [sflag:s31], $0x2000  }
0x1a6: {  	[sflag:s31] =	ssyncset.done $0x0  }
0x1a7: {  	s17 =	simm.s32 $0x1480;
	[sflag:s31] =	ssyncadd.s32 $0xFFFFE000  }
0x1a8: {  	[spmem:s2] =	stream.indirect.scatter.add.f32 [tilespmem:s23], [sflag:$0x6], $0x80, s17, s21, $0xb8;
	[tilespmem:$0x1E800] =	vst v63  }
0x1a9: {  	_ =	swait.ge [sflag:s1], $0x2000  }
0x1aa: {  	[sflag:s1] =	ssyncset.done $0x0  }
0x1ab: {  	s20 =	simm.s32 $0x1500;
	[sflag:s1] =	ssyncadd.s32 $0xFFFFE000  }
0x1ac: {  	[spmem:s2] =	stream.indirect.scatter.add.f32 [tilespmem:s26], [sflag:$0x7], $0x80, s20, s21, $0xb8;
	[tilespmem:$0x1E800] =	vst v63  }
0x1ad: {  	_ =	swait.ge [sflag:s0], $0x2000  }
0x1ae: {  	[sflag:s0] =	ssyncset.done $0x0  }
0x1af: {  	s24 =	simm.s32 $0x1580;
	[sflag:s0] =	ssyncadd.s32 $0xFFFFE000  }
0x1b0: {  	[spmem:s2] =	stream.indirect.scatter.add.f32 [tilespmem:s29], [sflag:$0x8], $0x80, s24, s21, $0xb8;
	[tilespmem:$0x1E800] =	vst v63  }
0x1b1: {  	_ =	swait.ge [sflag:s3], $0x2000  }
0x1b2: {  	[sflag:s3] =	ssyncset.done $0x0  }
0x1b3: {  	s17 =	simm.s32 $0x200;
	[sflag:s3] =	ssyncadd.s32 $0xFFFFE000  }
0x1b4: {  	[tilespmem:s18], [sflag:$0x1] =	stream.indirect.gather [hbm4b:s4+s21], $0x80, s17, s21, $0xb8;
	[tilespmem:$0x1E800] =	vst v63  }
0x1b5: {  	_ =	swait.ge [sflag:s6], $0x2000  }
0x1b6: {  	[sflag:s6] =	ssyncset.done $0x0  }
0x1b7: {  	s20 =	simm.s32 $0x280;
	[sflag:s6] =	ssyncadd.s32 $0xFFFFE000  }
0x1b8: {  	[tilespmem:s23], [sflag:$0x2] =	stream.indirect.gather [hbm4b:s4+s21], $0x80, s20, s21, $0xb8;
	[tilespmem:$0x1E800] =	vst v63  }
0x1b9: {  	_ =	swait.ge [sflag:s7], $0x2000  }
0x1ba: {  	[sflag:s7] =	ssyncset.done $0x0  }
0x1bb: {  	s24 =	simm.s32 $0x300;
	[sflag:s7] =	ssyncadd.s32 $0xFFFFE000  }
0x1bc: {  	[tilespmem:s26], [sflag:$0x3] =	stream.indirect.gather [hbm4b:s4+s21], $0x80, s24, s21, $0xb8;
	[tilespmem:$0x1E800] =	vst v63  }
0x1bd: {  	_ =	swait.ge [sflag:s8], $0x2000  }
0x1be: {  	[sflag:s8] =	ssyncset.done $0x0  }
0x1bf: {  	s14 =	simm.s32 $0x800;
	s17 =	simm.s32 $0x380;
	[sflag:s8] =	ssyncadd.s32 $0xFFFFE000  }
.LBB2_10:
0x1c0: {  	[tilespmem:s29], [sflag:$0x4] =	stream.indirect.gather [hbm4b:s4+s21], $0x80, s17, s21, $0xb8;
	[tilespmem:$0x1E800] =	vst v63  }
0x1c1: {  	s17 =	smov.u32 s14  }
0x1c2: {  	p0 =	sne.s32 s14, $0x4000;
	s14 =	sadd.s32 $0x800, s14;
	_ =	swait.ge [sflag:s30], $0x2000  }
0x1c3: {  	s17 =	sshra.s32 s17, $0x2;
	[sflag:s30] =	ssyncset.done $0x0  }
0x1c4: {  	s20 =	sadd.s32 $0x1400, s17;
	[sflag:s30] =	ssyncadd.s32 $0xFFFFE000  }
0x1c5: {  	[spmem:s2] =	stream.indirect.scatter.add.f32 [tilespmem:s18], [sflag:$0x5], $0x80, s20, s21, $0xb8;
	[tilespmem:$0x1E800] =	vst v63  }
0x1c6: {  	_ =	swait.ge [sflag:s31], $0x2000  }
0x1c7: {  	[sflag:s31] =	ssyncset.done $0x0  }
0x1c8: {  	s20 =	sadd.s32 $0x1480, s17;
	[sflag:s31] =	ssyncadd.s32 $0xFFFFE000  }
0x1c9: {  	[spmem:s2] =	stream.indirect.scatter.add.f32 [tilespmem:s23], [sflag:$0x6], $0x80, s20, s21, $0xb8;
	[tilespmem:$0x1E800] =	vst v63  }
0x1ca: {  	_ =	swait.ge [sflag:s1], $0x2000  }
0x1cb: {  	[sflag:s1] =	ssyncset.done $0x0  }
0x1cc: {  	s20 =	sadd.s32 $0x1500, s17;
	[sflag:s1] =	ssyncadd.s32 $0xFFFFE000  }
0x1cd: {  	[spmem:s2] =	stream.indirect.scatter.add.f32 [tilespmem:s26], [sflag:$0x7], $0x80, s20, s21, $0xb8;
	[tilespmem:$0x1E800] =	vst v63  }
0x1ce: {  	_ =	swait.ge [sflag:s0], $0x2000  }
0x1cf: {  	[sflag:s0] =	ssyncset.done $0x0  }
0x1d0: {  	s20 =	sadd.s32 $0x1580, s17;
	[sflag:s0] =	ssyncadd.s32 $0xFFFFE000  }
0x1d1: {  	[spmem:s2] =	stream.indirect.scatter.add.f32 [tilespmem:s29], [sflag:$0x8], $0x80, s20, s21, $0xb8;
	[tilespmem:$0x1E800] =	vst v63  }
0x1d2: {  	_ =	swait.ge [sflag:s3], $0x2000  }
0x1d3: {  	[sflag:s3] =	ssyncset.done $0x0  }
0x1d4: {  	s20 =	sadd.s32 $0x200, s17;
	[sflag:s3] =	ssyncadd.s32 $0xFFFFE000  }
0x1d5: {  	[tilespmem:s18], [sflag:$0x1] =	stream.indirect.gather [hbm4b:s4+s21], $0x80, s20, s21, $0xb8;
	[tilespmem:$0x1E800] =	vst v63  }
0x1d6: {  	_ =	swait.ge [sflag:s6], $0x2000  }
0x1d7: {  	[sflag:s6] =	ssyncset.done $0x0  }
0x1d8: {  	s20 =	sadd.s32 $0x280, s17;
	[sflag:s6] =	ssyncadd.s32 $0xFFFFE000  }
0x1d9: {  	[tilespmem:s23], [sflag:$0x2] =	stream.indirect.gather [hbm4b:s4+s21], $0x80, s20, s21, $0xb8;
	[tilespmem:$0x1E800] =	vst v63  }
0x1da: {  	_ =	swait.ge [sflag:s7], $0x2000  }
0x1db: {  	[sflag:s7] =	ssyncset.done $0x0  }
.Ltmp4:
0x1dc: {  	s20 =	sadd.s32 $0x300, s17;
	[sflag:s7] =	ssyncadd.s32 $0xFFFFE000;
	(pc) =	sbr.rel @p0 .LBB2_10-.Ltmp4, $4  }
0x1dd: {  	[tilespmem:s26], [sflag:$0x3] =	stream.indirect.gather [hbm4b:s4+s21], $0x80, s20, s21, $0xb8;
	[tilespmem:$0x1E800] =	vst v63  }
0x1de: {  	_ =	swait.ge [sflag:s8], $0x2000  }
0x1df: {  	[sflag:s8] =	ssyncset.done $0x0  }
0x1e0: {  	s17 =	sadd.s32 $0x380, s17;
	[sflag:s8] =	ssyncadd.s32 $0xFFFFE000  }
0x1e1: {  	[tilespmem:s29], [sflag:$0x4] =	stream.indirect.gather [hbm4b:s4+s21], $0x80, s17, s21, $0xb8;
	[tilespmem:$0x1E800] =	vst v63  }
0x1e2: {  	_ =	swait.ge [sflag:s30], $0x2000  }
0x1e3: {  	[sflag:s30] =	ssyncset.done $0x0  }
0x1e4: {  	[sflag:s30] =	ssyncadd.s32 $0xFFFFE000  }
0x1e5: {  	[spmem:s2] =	stream.indirect.scatter.add.f32 [tilespmem:s18], [sflag:$0x5], $0x80, s9, s21, $0xb8;
	[tilespmem:$0x1E800] =	vst v63  }
0x1e6: {  	_ =	swait.ge [sflag:s31], $0x2000  }
0x1e7: {  	[sflag:s31] =	ssyncset.done $0x0  }
0x1e8: {  	[sflag:s31] =	ssyncadd.s32 $0xFFFFE000  }
0x1e9: {  	[spmem:s2] =	stream.indirect.scatter.add.f32 [tilespmem:s23], [sflag:$0x6], $0x80, s10, s21, $0xb8;
	[tilespmem:$0x1E800] =	vst v63  }
0x1ea: {  	_ =	swait.ge [sflag:s1], $0x2000  }
0x1eb: {  	[sflag:s1] =	ssyncset.done $0x0  }
0x1ec: {  	[sflag:s1] =	ssyncadd.s32 $0xFFFFE000  }
0x1ed: {  	[spmem:s2] =	stream.indirect.scatter.add.f32 [tilespmem:s26], [sflag:$0x7], $0x80, s11, s21, $0xb8;
	[tilespmem:$0x1E800] =	vst v63  }
0x1ee: {  	_ =	swait.ge [sflag:s0], $0x2000  }
0x1ef: {  	[sflag:s0] =	ssyncset.done $0x0  }
0x1f0: {  	[sflag:s0] =	ssyncadd.s32 $0xFFFFE000  }
0x1f1: {  	[spmem:s2] =	stream.indirect.scatter.add.f32 [tilespmem:s29], [sflag:$0x8], $0x80, s12, s21, $0xb8;
	[tilespmem:$0x1E800] =	vst v63  }
0x1f2: {  	_ =	swait.ge [sflag:s3], $0x2000  }
0x1f3: {  	[sflag:s3] =	ssyncset.done $0x0  }
0x1f4: {  	[sflag:s3] =	ssyncadd.s32 $0xFFFFE000  }
0x1f5: {  	_ =	swait.ge [sflag:s6], $0x2000  }
0x1f6: {  	[sflag:s6] =	ssyncset.done $0x0  }
0x1f7: {  	[sflag:s6] =	ssyncadd.s32 $0xFFFFE000  }
0x1f8: {  	_ =	swait.ge [sflag:s7], $0x2000  }
0x1f9: {  	[sflag:s7] =	ssyncset.done $0x0  }
0x1fa: {  	[sflag:s7] =	ssyncadd.s32 $0xFFFFE000  }
0x1fb: {  	_ =	swait.ge [sflag:s8], $0x2000  }
0x1fc: {  	[sflag:s8] =	ssyncset.done $0x0  }
0x1fd: {  	s14 =	stileid.u32;
	[sflag:s8] =	ssyncadd.s32 $0xFFFFE000  }
0x1fe: {  	s14 =	sshll.u32 s14, $0x6;
	[bflag:$0x0] =	sbarrier.arrive $0xFFFF  }
0x1ff: {  	s24 =	sshrl.u32 s5, $0x3;
	s14 =	sor.u32 $0x1C09, s14;
	s20 =	rddreg [dreg:$0xe]  }
0x200: {  	[hbm:s20], [sflag:s14] =	dma.local [spmem:s24], $0x2800  }
0x201: {  	_ =	swait.ge [sflag:s19], $0x2800  }
0x202: {  	s13 =	sadd.s32 $0x1, s13;
	s24 =	rddreg [dreg:$0xd]  }
0x203: {  	p0 =	sne.s32 s13, s24  }
.Ltmp5:
0x204: {  	_ = 	snop;
	(pc) =	sbr.rel @p0 .LBB2_1-.Ltmp5, $3  }
0x205: {  	_ =	sdelay $0x1  }
0x206: {  	[sflag:s19] =	ssyncset.done $0x0  }
0x207: {  	[sflag:s19] =	ssyncadd.s32 $0xFFFFD800  }
0x208: {  	_ =	sfence.sel $0x180000  }
0x209: {  	[bflag:$0x0] =	sbarrier.arrive $0xFFFF  }
0x20a: {  	_ =	strace $0x9000004A  }
0x20b: {  	s0 =	stileid.u32;
	[bflag:$0x2] =	sbarrier.arrive $0xFFFF  }
0x20c: {  	p0 =	sne.s32 s0, $0x0;
	s0 =	rddreg [dreg:$0x3]  }
0x20d: {  	s0 =	sadd.s32 @!p0 $0x100000, s0  }
0x20e: {  	[sflag:s0] =	ssyncadd.tile.s32 @!p0 $0x1;
	_ =	shalt  }
.Lfunc_end2:
_tile_overlayer_lowered:
.L_overlay_start_2:
0x20f: {  	(tag) =	ssettag $0x2  }
0x210: {  	s0 =	rddreg [dreg:$0x0];
	s2 =	stileid.u32  }
0x211: {  	s1 =	rddreg [dreg:$0x1];
	p0 =	sne.s32 s2, $0x0  }
0x212: {  	s3 =	rddreg [dreg:$0x2];
	[bflag:$0x3] =	sbarrier.arrive $0xFFFF;
	s2 =	simm.s32 @!p0 $0x1C09  }
0x213: {  	[timem:s3], [sflag:s2] =	dma.local @!p0 [hbm:s0], s1  }
0x214: {  	s0 =	simm.s32 @!p0 $0x9  }
0x215: {  	_ =	swait.ge @!p0 [sflag:s0], s1  }
0x216: {  	s1 =	ssub.s32 @!p0 $0x0, s1;
	[sflag:s0] =	ssyncset.done @!p0 $0x0  }
0x217: {  	[sflag:s0] =	ssyncadd.s32 @!p0 s1  }
0x218: {  	[bflag:$0x3] =	sbarrier.arrive $0xFFFF  }
0x219: {  	_ =	shalt  }

</sc_bundles>
